<compile_context>
chip_gen: v7x
topology: tpu7x:2x2x1
jax: 0.10.2.dev20260603
libtpu: 0.0.44.dev20260713+nightly
codegen_flags: <defaults>
</compile_context>

<pallas_src>
import functools

import jax
import jax.numpy as jnp
from jax import lax
from jax.experimental import pallas as pl
from jax.experimental.pallas import tpu as pltpu
from jax.experimental.pallas import tpu_sc as plsc

_V = 65536
_NNZ = 4194304
_ALPHA = 0.5
_NC = 2
_NS = 16
_NW = _NC * _NS
_NNZ_W = _NNZ // _NW
_CHUNK = 4096
_NCHUNK = _NNZ_W // _CHUNK
_GROUPS = _CHUNK // 16
_UNROLL = 8
_LCHUNK = _CHUNK
_NLCHUNK = _V // _LCHUNK

_mesh = plsc.VectorSubcoreMesh(core_axis_name="c", subcore_axis_name="s")


@functools.partial(
    pl.kernel,
    out_type=jax.ShapeDtypeStruct((_NW, _V), jnp.float32),
    mesh=_mesh,
    scratch_types=[
        pltpu.VMEM((_V // 2,), jnp.int32),
        pltpu.VMEM((_V,), jnp.float32),
        pltpu.VMEM((2, _CHUNK), jnp.int32),
        pltpu.VMEM((2, _CHUNK), jnp.int32),
        pltpu.VMEM((2, _CHUNK), jnp.float32),
        pltpu.SemaphoreType.DMA,
        pltpu.SemaphoreType.DMA,
        pltpu.SemaphoreType.DMA,
        pltpu.SemaphoreType.DMA,
    ],
    compiler_params=pltpu.CompilerParams(needs_layout_passes=False, use_tc_tiling_on_sc=False, skip_device_barrier=True),
)
def _spmv_sc(logits_hbm, rows_hbm, cols_hbm, vals_hbm, out_hbm,
             plog, acc, rbuf, cbuf, vbuf, sem0, sem1, sem2, sem3):
    wid = lax.axis_index("s") * _NC + lax.axis_index("c")
    base = wid * _NNZ_W
    sems = (sem0, sem1)
    lsems = (sem2, sem3)

    def _copies(ci, slot):
        off = base + ci * _CHUNK
        sem = sems[slot]
        return (
            pltpu.make_async_copy(rows_hbm.at[pl.ds(off, _CHUNK)],
                                  rbuf.at[slot], sem),
            pltpu.make_async_copy(cols_hbm.at[pl.ds(off, _CHUNK)],
                                  cbuf.at[slot], sem),
            pltpu.make_async_copy(vals_hbm.at[pl.ds(off, _CHUNK)],
                                  vbuf.at[slot], sem),
        )

    def _start(ci, slot):
        for d in _copies(ci, slot):
            d.start()

    def _wait(ci, slot):
        for d in _copies(ci, slot):
            d.wait()

    def _lcopy(k, slot):
        koff = lax.rem(k + wid, _NLCHUNK)
        return koff, pltpu.make_async_copy(
            logits_hbm.at[pl.ds(koff * _LCHUNK, _LCHUNK)],
            vbuf.at[slot], lsems[slot])

    _lcopy(0, 0)[1].start()
    half = jnp.int32(0x8000)
    himask = jnp.int32(-65536)
    for k in range(_NLCHUNK):
        slot = k & 1
        if k + 1 < _NLCHUNK:
            _lcopy(k + 1, 1 - slot)[1].start()
        koff, d = _lcopy(k, slot)
        d.wait()

        pbase = koff * (_LCHUNK // 2)

        @plsc.parallel_loop(0, _LCHUNK // 32, 1, unroll=8)
        def _pk(m):
            a = plsc.bitcast(vbuf[slot, pl.ds(m * 32, 16)], jnp.int32)
            b = plsc.bitcast(vbuf[slot, pl.ds(m * 32 + 16, 16)], jnp.int32)
            w = jnp.bitwise_or(
                jnp.bitwise_and(b + half, himask),
                lax.shift_right_logical(a + half, 16))
            plog[pl.ds(pbase + m * 16, 16)] = w

    _start(0, 0)
    _start(1, 1)

    zero = jnp.zeros((16,), jnp.float32)

    @plsc.parallel_loop(0, _V // 16, 1, unroll=8)
    def _zero(i):
        acc[pl.ds(i * 16, 16)] = zero

    def _compute(slot):
        @plsc.parallel_loop(0, _GROUPS, 1, unroll=_UNROLL)
        def _grp(g):
            s = g * 16
            c16 = cbuf[slot, pl.ds(s, 16)]
            r16 = rbuf[slot, pl.ds(s, 16)]
            v16 = vbuf[slot, pl.ds(s, 16)]
            idx = jnp.bitwise_or(
                jnp.bitwise_and(lax.shift_right_logical(c16, 1),
                                jnp.int32(-16)),
                jnp.bitwise_and(c16, jnp.int32(15)))
            w = plsc.load_gather(plog, [idx])
            hi = jnp.bitwise_and(w, himask)
            lo = lax.shift_left(w, 16)
            bits = jnp.where(jnp.bitwise_and(c16, jnp.int32(16)) != 0, hi, lo)
            lg = plsc.bitcast(bits, jnp.float32)
            plsc.addupdate_scatter(acc, [r16], lg * v16)

    def _pair(pi, c):
        ci0 = pi * 2
        _wait(ci0, 0)
        _compute(0)

        @pl.when(ci0 + 2 < _NCHUNK)
        def _():
            _start(ci0 + 2, 0)

        _wait(ci0 + 1, 1)
        _compute(1)

        @pl.when(ci0 + 3 < _NCHUNK)
        def _():
            _start(ci0 + 3, 1)

        return c

    lax.fori_loop(0, _NCHUNK // 2, _pair, 0)
    pltpu.sync_copy(acc, out_hbm.at[wid])


def _combine_body(p_ref, l_ref, o_ref):
    o_ref[...] = jnp.sum(p_ref[...], axis=0) - _ALPHA * l_ref[...]


_combine = pl.pallas_call(
    _combine_body,
    out_shape=jax.ShapeDtypeStruct((_V,), jnp.float32),
)


def kernel(logits, S_rows, S_cols, S_vals):
    partials = _spmv_sc(logits, S_rows, S_cols, S_vals)
    return _combine(partials, logits)

# --- scband reference (transcript-rebuilt; emitter-appended) ---
"""Pipeline reference for scband-similarity-redistributor-472446403299 (READ-ONLY COPY).

The authoritative reference and input builder live on the scoring server;
editing this copy changes nothing except your own understanding.
"""

import jax, jax.numpy as jnp
import numpy as np

V = 65536
NNZ = 4194304
ALPHA = 0.5


def setup_inputs(seed: int = 0) -> dict:
    key = jax.random.key(seed)
    k1, k2, k3, k4 = jax.random.split(key, 4)
    logits = jax.random.normal(k1, (V,), dtype=jnp.float32)
    # Sparse similarity matrix S (V, V) in COO format, registered as a buffer in the torch module.
    S_rows = jax.random.randint(k2, (NNZ,), 0, V, dtype=jnp.int32)
    S_cols = jax.random.randint(k3, (NNZ,), 0, V, dtype=jnp.int32)
    S_vals = jax.random.uniform(k4, (NNZ,), dtype=jnp.float32)
    return {"logits": logits, "S_rows": S_rows, "S_cols": S_cols, "S_vals": S_vals}


def reference(logits, S_rows, S_cols, S_vals):
    # torch.sparse.mm(S, logits.unsqueeze(-1)).squeeze(-1)
    # SpMV as gather + multiply + scatter-add (segment_sum over row indices).
    gathered = S_vals * jnp.take(logits, S_cols, axis=0)
    redistributed = jax.ops.segment_sum(gathered, S_rows, num_segments=V)
    # alpha demotion of original logits (alpha = 0.5 > 0)
    redistributed = redistributed - ALPHA * logits
    return redistributed

if __name__ == "__main__":
    import jax
    _d = setup_inputs()
    print(jax.jit(kernel)(*tuple(_d.values())))

</pallas_src>

<mosaic_0001>
#map = affine_map<(d0, d1) -> (0)>
#map1 = affine_map<(d0, d1) -> (0, 0)>
module attributes {stable_mosaic.version = 14 : i64} {
  func.func @_spmv_sc(%arg0: i32, %arg1: i32, %arg2: memref<65536xf32, #tpu.memory_space<hbm>>, %arg3: memref<4194304xi32, #tpu.memory_space<hbm>>, %arg4: memref<4194304xi32, #tpu.memory_space<hbm>>, %arg5: memref<4194304xf32, #tpu.memory_space<hbm>>, %arg6: memref<32x65536xf32, #tpu.memory_space<hbm>>, %arg7: memref<32768xi32, #tpu.memory_space<vmem>>, %arg8: memref<65536xf32, #tpu.memory_space<vmem>>, %arg9: memref<2x4096xi32, #tpu.memory_space<vmem>>, %arg10: memref<2x4096xi32, #tpu.memory_space<vmem>>, %arg11: memref<2x4096xf32, #tpu.memory_space<vmem>>, %arg12: memref<!tpu.dma_semaphore, #tpu.memory_space<semaphore_mem>>, %arg13: memref<!tpu.dma_semaphore, #tpu.memory_space<semaphore_mem>>, %arg14: memref<!tpu.dma_semaphore, #tpu.memory_space<semaphore_mem>>, %arg15: memref<!tpu.dma_semaphore, #tpu.memory_space<semaphore_mem>>) attributes {dimension_semantics = [#tpu.dimension_semantics<core_parallel>, #tpu.dimension_semantics<subcore_parallel>], iteration_bounds = array<i64: 2, 16>, scalar_prefetch = 0 : i64, scratch_operands = 9 : i64, tpu.core_type = #tpu.core_type<sc_vector_subcore>, window_params = [{transform_indices = #map}, {transform_indices = #map}, {transform_indices = #map}, {transform_indices = #map}, {transform_indices = #map1}]} {
    %mul3A = arith.constant 2 : i32
    %mul3A_0 = arith.muli %arg1, %mul3A : i32
    %add3A = arith.addi %mul3A_0, %arg0 : i32
    %mul3A_1 = arith.constant 131072 : i32
    %mul3A_2 = arith.muli %add3A, %mul3A_1 : i32
    %add3A_3 = arith.constant 0 : i32
    %add3A_4 = arith.addi %add3A_3, %add3A : i32
    %rem3A = arith.constant 16 : i32
    %rem3A_5 = arith.remsi %add3A_4, %rem3A : i32
    %mul3A_6 = arith.constant 4096 : i32
    %mul3A_7 = arith.muli %rem3A_5, %mul3A_6 : i32
    %dma_start3A = arith.constant 0 : i32
    %dma_start3A_8 = arith.constant 0 : i32
    %dma_start3A_9 = tpu.memref_slice %arg11[%dma_start3A, %dma_start3A_8] : memref<2x4096xf32, #tpu.memory_space<vmem>> -> memref<1x4096xf32, #tpu.memory_space<vmem>>
    %dma_start3A_10 = tpu.memref_squeeze %dma_start3A_9 : memref<1x4096xf32, #tpu.memory_space<vmem>> -> memref<4096xf32, #tpu.memory_space<vmem>>
    %dma_start3A_11 = tpu.memref_slice %arg2[%mul3A_7] : memref<65536xf32, #tpu.memory_space<hbm>> -> memref<4096xf32, #tpu.memory_space<hbm>>
    %dma_start3A_12 = arith.constant 0 : i32
    %dma_start3A_13 = tpu.memref_slice %arg11[%dma_start3A, %dma_start3A_12] : memref<2x4096xf32, #tpu.memory_space<vmem>> -> memref<1x4096xf32, #tpu.memory_space<vmem>>
    %dma_start3A_14 = tpu.memref_squeeze %dma_start3A_13 : memref<1x4096xf32, #tpu.memory_space<vmem>> -> memref<4096xf32, #tpu.memory_space<vmem>>
    %dma_start3A_15 = tpu.memref_slice %arg2[%mul3A_7] : memref<65536xf32, #tpu.memory_space<hbm>> -> memref<4096xf32, #tpu.memory_space<hbm>>
    tpu.enqueue_dma source(%dma_start3A_15 : memref<4096xf32, #tpu.memory_space<hbm>>) target(%dma_start3A_14 : memref<4096xf32, #tpu.memory_space<vmem>>) target_semaphore(%arg14 : memref<!tpu.dma_semaphore, #tpu.memory_space<semaphore_mem>>)
    %add3A_16 = arith.constant 1 : i32
    %add3A_17 = arith.addi %add3A_16, %add3A : i32
    %rem3A_18 = arith.constant 16 : i32
    %rem3A_19 = arith.remsi %add3A_17, %rem3A_18 : i32
    %mul3A_20 = arith.constant 4096 : i32
    %mul3A_21 = arith.muli %rem3A_19, %mul3A_20 : i32
    %dma_start3A_22 = arith.constant 1 : i32
    %dma_start3A_23 = arith.constant 0 : i32
    %dma_start3A_24 = tpu.memref_slice %arg11[%dma_start3A_22, %dma_start3A_23] : memref<2x4096xf32, #tpu.memory_space<vmem>> -> memref<1x4096xf32, #tpu.memory_space<vmem>>
    %dma_start3A_25 = tpu.memref_squeeze %dma_start3A_24 : memref<1x4096xf32, #tpu.memory_space<vmem>> -> memref<4096xf32, #tpu.memory_space<vmem>>
    %dma_start3A_26 = tpu.memref_slice %arg2[%mul3A_21] : memref<65536xf32, #tpu.memory_space<hbm>> -> memref<4096xf32, #tpu.memory_space<hbm>>
    %dma_start3A_27 = arith.constant 0 : i32
    %dma_start3A_28 = tpu.memref_slice %arg11[%dma_start3A_22, %dma_start3A_27] : memref<2x4096xf32, #tpu.memory_space<vmem>> -> memref<1x4096xf32, #tpu.memory_space<vmem>>
    %dma_start3A_29 = tpu.memref_squeeze %dma_start3A_28 : memref<1x4096xf32, #tpu.memory_space<vmem>> -> memref<4096xf32, #tpu.memory_space<vmem>>
    %dma_start3A_30 = tpu.memref_slice %arg2[%mul3A_21] : memref<65536xf32, #tpu.memory_space<hbm>> -> memref<4096xf32, #tpu.memory_space<hbm>>
    tpu.enqueue_dma source(%dma_start3A_30 : memref<4096xf32, #tpu.memory_space<hbm>>) target(%dma_start3A_29 : memref<4096xf32, #tpu.memory_space<vmem>>) target_semaphore(%arg15 : memref<!tpu.dma_semaphore, #tpu.memory_space<semaphore_mem>>)
    %add3A_31 = arith.constant 0 : i32
    %add3A_32 = arith.addi %add3A_31, %add3A : i32
    %rem3A_33 = arith.constant 16 : i32
    %rem3A_34 = arith.remsi %add3A_32, %rem3A_33 : i32
    %mul3A_35 = arith.constant 4096 : i32
    %mul3A_36 = arith.muli %rem3A_34, %mul3A_35 : i32
    %dma_wait3A = arith.constant 0 : i32
    %dma_wait3A_37 = arith.constant 0 : i32
    %dma_wait3A_38 = tpu.memref_slice %arg11[%dma_wait3A, %dma_wait3A_37] : memref<2x4096xf32, #tpu.memory_space<vmem>> -> memref<1x4096xf32, #tpu.memory_space<vmem>>
    %dma_wait3A_39 = tpu.memref_squeeze %dma_wait3A_38 : memref<1x4096xf32, #tpu.memory_space<vmem>> -> memref<4096xf32, #tpu.memory_space<vmem>>
    %dma_wait3A_40 = tpu.memref_slice %arg2[%mul3A_36] : memref<65536xf32, #tpu.memory_space<hbm>> -> memref<4096xf32, #tpu.memory_space<hbm>>
    %dma_wait3A_41 = arith.constant 0 : i32
    %dma_wait3A_42 = tpu.memref_slice %arg11[%dma_wait3A, %dma_wait3A_41] : memref<2x4096xf32, #tpu.memory_space<vmem>> -> memref<1x4096xf32, #tpu.memory_space<vmem>>
    %dma_wait3A_43 = tpu.memref_squeeze %dma_wait3A_42 : memref<1x4096xf32, #tpu.memory_space<vmem>> -> memref<4096xf32, #tpu.memory_space<vmem>>
    %dma_wait3A_44 = tpu.memref_slice %arg2[%mul3A_36] : memref<65536xf32, #tpu.memory_space<hbm>> -> memref<4096xf32, #tpu.memory_space<hbm>>
    tpu.wait_dma2 semaphore(%arg14 : memref<!tpu.dma_semaphore, #tpu.memory_space<semaphore_mem>>) src(%dma_wait3A_44 : memref<4096xf32, #tpu.memory_space<hbm>>) dst(%dma_wait3A_43 : memref<4096xf32, #tpu.memory_space<vmem>>)
    %mul3A_45 = arith.constant 2048 : i32
    %mul3A_46 = arith.muli %rem3A_34, %mul3A_45 : i32
    %parallel_loop3A = arith.constant 0 : i32
    %parallel_loop3A_47 = arith.constant 128 : i32
    %parallel_loop3A_48 = arith.constant 1 : i32
    %parallel_loop3A_49 = arith.constant 32768 : i32
    %parallel_loop3A_50 = arith.constant -65536 : i32
    scf.for %parallel_loop3A_659 = %parallel_loop3A to %parallel_loop3A_47 step %parallel_loop3A_48  : i32 {
      %parallel_loop3A_660 = arith.constant 32 : i32
      %parallel_loop3A_661 = arith.muli %parallel_loop3A_659, %parallel_loop3A_660 : i32
      %parallel_loop3A_662 = arith.constant 0 : i32
      %parallel_loop3A_663 = arith.index_cast %parallel_loop3A_662 : i32 to index
      %parallel_loop3A_664 = arith.index_cast %parallel_loop3A_661 : i32 to index
      %parallel_loop3A_665 = tpu.vector_load %arg11[%parallel_loop3A_663, %parallel_loop3A_664] {strides = array<i32>} : memref<2x4096xf32, #tpu.memory_space<vmem>>, vector<16xf32>,
      %parallel_loop3A_666 = vector.bitcast %parallel_loop3A_665 : vector<16xf32> to vector<16xi32>
      %parallel_loop3A_667 = arith.constant 32 : i32
      %parallel_loop3A_668 = arith.muli %parallel_loop3A_659, %parallel_loop3A_667 : i32
      %parallel_loop3A_669 = arith.constant 16 : i32
      %parallel_loop3A_670 = arith.addi %parallel_loop3A_668, %parallel_loop3A_669 : i32
      %parallel_loop3A_671 = arith.constant 0 : i32
      %parallel_loop3A_672 = arith.index_cast %parallel_loop3A_671 : i32 to index
      %parallel_loop3A_673 = arith.index_cast %parallel_loop3A_670 : i32 to index
      %parallel_loop3A_674 = tpu.vector_load %arg11[%parallel_loop3A_672, %parallel_loop3A_673] {strides = array<i32>} : memref<2x4096xf32, #tpu.memory_space<vmem>>, vector<16xf32>,
      %parallel_loop3A_675 = vector.bitcast %parallel_loop3A_674 : vector<16xf32> to vector<16xi32>
      %parallel_loop3A_676 = vector.broadcast %parallel_loop3A_49 : i32 to vector<16xi32>
      %parallel_loop3A_677 = arith.addi %parallel_loop3A_675, %parallel_loop3A_676 : vector<16xi32>
      %parallel_loop3A_678 = vector.broadcast %parallel_loop3A_50 : i32 to vector<16xi32>
      %parallel_loop3A_679 = arith.andi %parallel_loop3A_677, %parallel_loop3A_678 : vector<16xi32>
      %parallel_loop3A_680 = vector.broadcast %parallel_loop3A_49 : i32 to vector<16xi32>
      %parallel_loop3A_681 = arith.addi %parallel_loop3A_666, %parallel_loop3A_680 : vector<16xi32>
      %parallel_loop3A_682 = arith.constant 16 : i32
      %parallel_loop3A_683 = vector.broadcast %parallel_loop3A_682 : i32 to vector<16xi32>
      %parallel_loop3A_684 = arith.shrui %parallel_loop3A_681, %parallel_loop3A_683 : vector<16xi32>
      %parallel_loop3A_685 = arith.ori %parallel_loop3A_679, %parallel_loop3A_684 : vector<16xi32>
      %parallel_loop3A_686 = arith.constant 16 : i32
      %parallel_loop3A_687 = arith.muli %parallel_loop3A_659, %parallel_loop3A_686 : i32
      %parallel_loop3A_688 = arith.addi %mul3A_46, %parallel_loop3A_687 : i32
      %parallel_loop3A_689 = arith.index_cast %parallel_loop3A_688 : i32 to index
      %parallel_loop3A_690 = tpu.vector_load %arg7[%parallel_loop3A_689] {strides = array<i32>} : memref<32768xi32, #tpu.memory_space<vmem>>, vector<16xi32>,
      tpu.vector_store %arg7[%parallel_loop3A_689], %parallel_loop3A_685 {strides = array<i32>} : memref<32768xi32, #tpu.memory_space<vmem>>, vector<16xi32>,
    } {sc.loop_unroll_factor = 8 : i64, sc.parallel_access}
    %add3A_51 = arith.constant 2 : i32
    %add3A_52 = arith.addi %add3A_51, %add3A : i32
    %rem3A_53 = arith.constant 16 : i32
    %rem3A_54 = arith.remsi %add3A_52, %rem3A_53 : i32
    %mul3A_55 = arith.constant 4096 : i32
    %mul3A_56 = arith.muli %rem3A_54, %mul3A_55 : i32
    %dma_start3A_57 = arith.constant 0 : i32
    %dma_start3A_58 = arith.constant 0 : i32
    %dma_start3A_59 = tpu.memref_slice %arg11[%dma_start3A_57, %dma_start3A_58] : memref<2x4096xf32, #tpu.memory_space<vmem>> -> memref<1x4096xf32, #tpu.memory_space<vmem>>
    %dma_start3A_60 = tpu.memref_squeeze %dma_start3A_59 : memref<1x4096xf32, #tpu.memory_space<vmem>> -> memref<4096xf32, #tpu.memory_space<vmem>>
    %dma_start3A_61 = tpu.memref_slice %arg2[%mul3A_56] : memref<65536xf32, #tpu.memory_space<hbm>> -> memref<4096xf32, #tpu.memory_space<hbm>>
    %dma_start3A_62 = arith.constant 0 : i32
    %dma_start3A_63 = tpu.memref_slice %arg11[%dma_start3A_57, %dma_start3A_62] : memref<2x4096xf32, #tpu.memory_space<vmem>> -> memref<1x4096xf32, #tpu.memory_space<vmem>>
    %dma_start3A_64 = tpu.memref_squeeze %dma_start3A_63 : memref<1x4096xf32, #tpu.memory_space<vmem>> -> memref<4096xf32, #tpu.memory_space<vmem>>
    %dma_start3A_65 = tpu.memref_slice %arg2[%mul3A_56] : memref<65536xf32, #tpu.memory_space<hbm>> -> memref<4096xf32, #tpu.memory_space<hbm>>
    tpu.enqueue_dma source(%dma_start3A_65 : memref<4096xf32, #tpu.memory_space<hbm>>) target(%dma_start3A_64 : memref<4096xf32, #tpu.memory_space<vmem>>) target_semaphore(%arg14 : memref<!tpu.dma_semaphore, #tpu.memory_space<semaphore_mem>>)
    %add3A_66 = arith.constant 1 : i32
    %add3A_67 = arith.addi %add3A_66, %add3A : i32
    %rem3A_68 = arith.constant 16 : i32
    %rem3A_69 = arith.remsi %add3A_67, %rem3A_68 : i32
    %mul3A_70 = arith.constant 4096 : i32
    %mul3A_71 = arith.muli %rem3A_69, %mul3A_70 : i32
    %dma_wait3A_72 = arith.constant 1 : i32
    %dma_wait3A_73 = arith.constant 0 : i32
    %dma_wait3A_74 = tpu.memref_slice %arg11[%dma_wait3A_72, %dma_wait3A_73] : memref<2x4096xf32, #tpu.memory_space<vmem>> -> memref<1x4096xf32, #tpu.memory_space<vmem>>
    %dma_wait3A_75 = tpu.memref_squeeze %dma_wait3A_74 : memref<1x4096xf32, #tpu.memory_space<vmem>> -> memref<4096xf32, #tpu.memory_space<vmem>>
    %dma_wait3A_76 = tpu.memref_slice %arg2[%mul3A_71] : memref<65536xf32, #tpu.memory_space<hbm>> -> memref<4096xf32, #tpu.memory_space<hbm>>
    %dma_wait3A_77 = arith.constant 0 : i32
    %dma_wait3A_78 = tpu.memref_slice %arg11[%dma_wait3A_72, %dma_wait3A_77] : memref<2x4096xf32, #tpu.memory_space<vmem>> -> memref<1x4096xf32, #tpu.memory_space<vmem>>
    %dma_wait3A_79 = tpu.memref_squeeze %dma_wait3A_78 : memref<1x4096xf32, #tpu.memory_space<vmem>> -> memref<4096xf32, #tpu.memory_space<vmem>>
    %dma_wait3A_80 = tpu.memref_slice %arg2[%mul3A_71] : memref<65536xf32, #tpu.memory_space<hbm>> -> memref<4096xf32, #tpu.memory_space<hbm>>
    tpu.wait_dma2 semaphore(%arg15 : memref<!tpu.dma_semaphore, #tpu.memory_space<semaphore_mem>>) src(%dma_wait3A_80 : memref<4096xf32, #tpu.memory_space<hbm>>) dst(%dma_wait3A_79 : memref<4096xf32, #tpu.memory_space<vmem>>)
    %mul3A_81 = arith.constant 2048 : i32
    %mul3A_82 = arith.muli %rem3A_69, %mul3A_81 : i32
    %parallel_loop3A_83 = arith.constant 0 : i32
    %parallel_loop3A_84 = arith.constant 128 : i32
    %parallel_loop3A_85 = arith.constant 1 : i32
    %parallel_loop3A_86 = arith.constant 32768 : i32
    %parallel_loop3A_87 = arith.constant -65536 : i32
    scf.for %parallel_loop3A_659 = %parallel_loop3A_83 to %parallel_loop3A_84 step %parallel_loop3A_85  : i32 {
      %parallel_loop3A_660 = arith.constant 32 : i32
      %parallel_loop3A_661 = arith.muli %parallel_loop3A_659, %parallel_loop3A_660 : i32
      %parallel_loop3A_662 = arith.constant 1 : i32
      %parallel_loop3A_663 = arith.index_cast %parallel_loop3A_662 : i32 to index
      %parallel_loop3A_664 = arith.index_cast %parallel_loop3A_661 : i32 to index
      %parallel_loop3A_665 = tpu.vector_load %arg11[%parallel_loop3A_663, %parallel_loop3A_664] {strides = array<i32>} : memref<2x4096xf32, #tpu.memory_space<vmem>>, vector<16xf32>,
      %parallel_loop3A_666 = vector.bitcast %parallel_loop3A_665 : vector<16xf32> to vector<16xi32>
      %parallel_loop3A_667 = arith.constant 32 : i32
      %parallel_loop3A_668 = arith.muli %parallel_loop3A_659, %parallel_loop3A_667 : i32
      %parallel_loop3A_669 = arith.constant 16 : i32
      %parallel_loop3A_670 = arith.addi %parallel_loop3A_668, %parallel_loop3A_669 : i32
      %parallel_loop3A_671 = arith.constant 1 : i32
      %parallel_loop3A_672 = arith.index_cast %parallel_loop3A_671 : i32 to index
      %parallel_loop3A_673 = arith.index_cast %parallel_loop3A_670 : i32 to index
      %parallel_loop3A_674 = tpu.vector_load %arg11[%parallel_loop3A_672, %parallel_loop3A_673] {strides = array<i32>} : memref<2x4096xf32, #tpu.memory_space<vmem>>, vector<16xf32>,
      %parallel_loop3A_675 = vector.bitcast %parallel_loop3A_674 : vector<16xf32> to vector<16xi32>
      %parallel_loop3A_676 = vector.broadcast %parallel_loop3A_86 : i32 to vector<16xi32>
      %parallel_loop3A_677 = arith.addi %parallel_loop3A_675, %parallel_loop3A_676 : vector<16xi32>
      %parallel_loop3A_678 = vector.broadcast %parallel_loop3A_87 : i32 to vector<16xi32>
      %parallel_loop3A_679 = arith.andi %parallel_loop3A_677, %parallel_loop3A_678 : vector<16xi32>
      %parallel_loop3A_680 = vector.broadcast %parallel_loop3A_86 : i32 to vector<16xi32>
      %parallel_loop3A_681 = arith.addi %parallel_loop3A_666, %parallel_loop3A_680 : vector<16xi32>
      %parallel_loop3A_682 = arith.constant 16 : i32
      %parallel_loop3A_683 = vector.broadcast %parallel_loop3A_682 : i32 to vector<16xi32>
      %parallel_loop3A_684 = arith.shrui %parallel_loop3A_681, %parallel_loop3A_683 : vector<16xi32>
      %parallel_loop3A_685 = arith.ori %parallel_loop3A_679, %parallel_loop3A_684 : vector<16xi32>
      %parallel_loop3A_686 = arith.constant 16 : i32
      %parallel_loop3A_687 = arith.muli %parallel_loop3A_659, %parallel_loop3A_686 : i32
      %parallel_loop3A_688 = arith.addi %mul3A_82, %parallel_loop3A_687 : i32
      %parallel_loop3A_689 = arith.index_cast %parallel_loop3A_688 : i32 to index
      %parallel_loop3A_690 = tpu.vector_load %arg7[%parallel_loop3A_689] {strides = array<i32>} : memref<32768xi32, #tpu.memory_space<vmem>>, vector<16xi32>,
      tpu.vector_store %arg7[%parallel_loop3A_689], %parallel_loop3A_685 {strides = array<i32>} : memref<32768xi32, #tpu.memory_space<vmem>>, vector<16xi32>,
    } {sc.loop_unroll_factor = 8 : i64, sc.parallel_access}
    %add3A_88 = arith.constant 3 : i32
    %add3A_89 = arith.addi %add3A_88, %add3A : i32
    %rem3A_90 = arith.constant 16 : i32
    %rem3A_91 = arith.remsi %add3A_89, %rem3A_90 : i32
    %mul3A_92 = arith.constant 4096 : i32
    %mul3A_93 = arith.muli %rem3A_91, %mul3A_92 : i32
    %dma_start3A_94 = arith.constant 1 : i32
    %dma_start3A_95 = arith.constant 0 : i32
    %dma_start3A_96 = tpu.memref_slice %arg11[%dma_start3A_94, %dma_start3A_95] : memref<2x4096xf32, #tpu.memory_space<vmem>> -> memref<1x4096xf32, #tpu.memory_space<vmem>>
    %dma_start3A_97 = tpu.memref_squeeze %dma_start3A_96 : memref<1x4096xf32, #tpu.memory_space<vmem>> -> memref<4096xf32, #tpu.memory_space<vmem>>
    %dma_start3A_98 = tpu.memref_slice %arg2[%mul3A_93] : memref<65536xf32, #tpu.memory_space<hbm>> -> memref<4096xf32, #tpu.memory_space<hbm>>
    %dma_start3A_99 = arith.constant 0 : i32
    %dma_start3A_100 = tpu.memref_slice %arg11[%dma_start3A_94, %dma_start3A_99] : memref<2x4096xf32, #tpu.memory_space<vmem>> -> memref<1x4096xf32, #tpu.memory_space<vmem>>
    %dma_start3A_101 = tpu.memref_squeeze %dma_start3A_100 : memref<1x4096xf32, #tpu.memory_space<vmem>> -> memref<4096xf32, #tpu.memory_space<vmem>>
    %dma_start3A_102 = tpu.memref_slice %arg2[%mul3A_93] : memref<65536xf32, #tpu.memory_space<hbm>> -> memref<4096xf32, #tpu.memory_space<hbm>>
    tpu.enqueue_dma source(%dma_start3A_102 : memref<4096xf32, #tpu.memory_space<hbm>>) target(%dma_start3A_101 : memref<4096xf32, #tpu.memory_space<vmem>>) target_semaphore(%arg15 : memref<!tpu.dma_semaphore, #tpu.memory_space<semaphore_mem>>)
    %add3A_103 = arith.constant 2 : i32
    %add3A_104 = arith.addi %add3A_103, %add3A : i32
    %rem3A_105 = arith.constant 16 : i32
    %rem3A_106 = arith.remsi %add3A_104, %rem3A_105 : i32
    %mul3A_107 = arith.constant 4096 : i32
    %mul3A_108 = arith.muli %rem3A_106, %mul3A_107 : i32
    %dma_wait3A_109 = arith.constant 0 : i32
    %dma_wait3A_110 = arith.constant 0 : i32
    %dma_wait3A_111 = tpu.memref_slice %arg11[%dma_wait3A_109, %dma_wait3A_110] : memref<2x4096xf32, #tpu.memory_space<vmem>> -> memref<1x4096xf32, #tpu.memory_space<vmem>>
    %dma_wait3A_112 = tpu.memref_squeeze %dma_wait3A_111 : memref<1x4096xf32, #tpu.memory_space<vmem>> -> memref<4096xf32, #tpu.memory_space<vmem>>
    %dma_wait3A_113 = tpu.memref_slice %arg2[%mul3A_108] : memref<65536xf32, #tpu.memory_space<hbm>> -> memref<4096xf32, #tpu.memory_space<hbm>>
    %dma_wait3A_114 = arith.constant 0 : i32
    %dma_wait3A_115 = tpu.memref_slice %arg11[%dma_wait3A_109, %dma_wait3A_114] : memref<2x4096xf32, #tpu.memory_space<vmem>> -> memref<1x4096xf32, #tpu.memory_space<vmem>>
    %dma_wait3A_116 = tpu.memref_squeeze %dma_wait3A_115 : memref<1x4096xf32, #tpu.memory_space<vmem>> -> memref<4096xf32, #tpu.memory_space<vmem>>
    %dma_wait3A_117 = tpu.memref_slice %arg2[%mul3A_108] : memref<65536xf32, #tpu.memory_space<hbm>> -> memref<4096xf32, #tpu.memory_space<hbm>>
    tpu.wait_dma2 semaphore(%arg14 : memref<!tpu.dma_semaphore, #tpu.memory_space<semaphore_mem>>) src(%dma_wait3A_117 : memref<4096xf32, #tpu.memory_space<hbm>>) dst(%dma_wait3A_116 : memref<4096xf32, #tpu.memory_space<vmem>>)
    %mul3A_118 = arith.constant 2048 : i32
    %mul3A_119 = arith.muli %rem3A_106, %mul3A_118 : i32
    %parallel_loop3A_120 = arith.constant 0 : i32
    %parallel_loop3A_121 = arith.constant 128 : i32
    %parallel_loop3A_122 = arith.constant 1 : i32
    %parallel_loop3A_123 = arith.constant 32768 : i32
    %parallel_loop3A_124 = arith.constant -65536 : i32
    scf.for %parallel_loop3A_659 = %parallel_loop3A_120 to %parallel_loop3A_121 step %parallel_loop3A_122  : i32 {
      %parallel_loop3A_660 = arith.constant 32 : i32
      %parallel_loop3A_661 = arith.muli %parallel_loop3A_659, %parallel_loop3A_660 : i32
      %parallel_loop3A_662 = arith.constant 0 : i32
      %parallel_loop3A_663 = arith.index_cast %parallel_loop3A_662 : i32 to index
      %parallel_loop3A_664 = arith.index_cast %parallel_loop3A_661 : i32 to index
      %parallel_loop3A_665 = tpu.vector_load %arg11[%parallel_loop3A_663, %parallel_loop3A_664] {strides = array<i32>} : memref<2x4096xf32, #tpu.memory_space<vmem>>, vector<16xf32>,
      %parallel_loop3A_666 = vector.bitcast %parallel_loop3A_665 : vector<16xf32> to vector<16xi32>
      %parallel_loop3A_667 = arith.constant 32 : i32
      %parallel_loop3A_668 = arith.muli %parallel_loop3A_659, %parallel_loop3A_667 : i32
      %parallel_loop3A_669 = arith.constant 16 : i32
      %parallel_loop3A_670 = arith.addi %parallel_loop3A_668, %parallel_loop3A_669 : i32
      %parallel_loop3A_671 = arith.constant 0 : i32
      %parallel_loop3A_672 = arith.index_cast %parallel_loop3A_671 : i32 to index
      %parallel_loop3A_673 = arith.index_cast %parallel_loop3A_670 : i32 to index
      %parallel_loop3A_674 = tpu.vector_load %arg11[%parallel_loop3A_672, %parallel_loop3A_673] {strides = array<i32>} : memref<2x4096xf32, #tpu.memory_space<vmem>>, vector<16xf32>,
      %parallel_loop3A_675 = vector.bitcast %parallel_loop3A_674 : vector<16xf32> to vector<16xi32>
      %parallel_loop3A_676 = vector.broadcast %parallel_loop3A_123 : i32 to vector<16xi32>
      %parallel_loop3A_677 = arith.addi %parallel_loop3A_675, %parallel_loop3A_676 : vector<16xi32>
      %parallel_loop3A_678 = vector.broadcast %parallel_loop3A_124 : i32 to vector<16xi32>
      %parallel_loop3A_679 = arith.andi %parallel_loop3A_677, %parallel_loop3A_678 : vector<16xi32>
      %parallel_loop3A_680 = vector.broadcast %parallel_loop3A_123 : i32 to vector<16xi32>
      %parallel_loop3A_681 = arith.addi %parallel_loop3A_666, %parallel_loop3A_680 : vector<16xi32>
      %parallel_loop3A_682 = arith.constant 16 : i32
      %parallel_loop3A_683 = vector.broadcast %parallel_loop3A_682 : i32 to vector<16xi32>
      %parallel_loop3A_684 = arith.shrui %parallel_loop3A_681, %parallel_loop3A_683 : vector<16xi32>
      %parallel_loop3A_685 = arith.ori %parallel_loop3A_679, %parallel_loop3A_684 : vector<16xi32>
      %parallel_loop3A_686 = arith.constant 16 : i32
      %parallel_loop3A_687 = arith.muli %parallel_loop3A_659, %parallel_loop3A_686 : i32
      %parallel_loop3A_688 = arith.addi %mul3A_119, %parallel_loop3A_687 : i32
      %parallel_loop3A_689 = arith.index_cast %parallel_loop3A_688 : i32 to index
      %parallel_loop3A_690 = tpu.vector_load %arg7[%parallel_loop3A_689] {strides = array<i32>} : memref<32768xi32, #tpu.memory_space<vmem>>, vector<16xi32>,
      tpu.vector_store %arg7[%parallel_loop3A_689], %parallel_loop3A_685 {strides = array<i32>} : memref<32768xi32, #tpu.memory_space<vmem>>, vector<16xi32>,
    } {sc.loop_unroll_factor = 8 : i64, sc.parallel_access}
    %add3A_125 = arith.constant 4 : i32
    %add3A_126 = arith.addi %add3A_125, %add3A : i32
    %rem3A_127 = arith.constant 16 : i32
    %rem3A_128 = arith.remsi %add3A_126, %rem3A_127 : i32
    %mul3A_129 = arith.constant 4096 : i32
    %mul3A_130 = arith.muli %rem3A_128, %mul3A_129 : i32
    %dma_start3A_131 = arith.constant 0 : i32
    %dma_start3A_132 = arith.constant 0 : i32
    %dma_start3A_133 = tpu.memref_slice %arg11[%dma_start3A_131, %dma_start3A_132] : memref<2x4096xf32, #tpu.memory_space<vmem>> -> memref<1x4096xf32, #tpu.memory_space<vmem>>
    %dma_start3A_134 = tpu.memref_squeeze %dma_start3A_133 : memref<1x4096xf32, #tpu.memory_space<vmem>> -> memref<4096xf32, #tpu.memory_space<vmem>>
    %dma_start3A_135 = tpu.memref_slice %arg2[%mul3A_130] : memref<65536xf32, #tpu.memory_space<hbm>> -> memref<4096xf32, #tpu.memory_space<hbm>>
    %dma_start3A_136 = arith.constant 0 : i32
    %dma_start3A_137 = tpu.memref_slice %arg11[%dma_start3A_131, %dma_start3A_136] : memref<2x4096xf32, #tpu.memory_space<vmem>> -> memref<1x4096xf32, #tpu.memory_space<vmem>>
    %dma_start3A_138 = tpu.memref_squeeze %dma_start3A_137 : memref<1x4096xf32, #tpu.memory_space<vmem>> -> memref<4096xf32, #tpu.memory_space<vmem>>
    %dma_start3A_139 = tpu.memref_slice %arg2[%mul3A_130] : memref<65536xf32, #tpu.memory_space<hbm>> -> memref<4096xf32, #tpu.memory_space<hbm>>
    tpu.enqueue_dma source(%dma_start3A_139 : memref<4096xf32, #tpu.memory_space<hbm>>) target(%dma_start3A_138 : memref<4096xf32, #tpu.memory_space<vmem>>) target_semaphore(%arg14 : memref<!tpu.dma_semaphore, #tpu.memory_space<semaphore_mem>>)
    %add3A_140 = arith.constant 3 : i32
    %add3A_141 = arith.addi %add3A_140, %add3A : i32
    %rem3A_142 = arith.constant 16 : i32
    %rem3A_143 = arith.remsi %add3A_141, %rem3A_142 : i32
    %mul3A_144 = arith.constant 4096 : i32
    %mul3A_145 = arith.muli %rem3A_143, %mul3A_144 : i32
    %dma_wait3A_146 = arith.constant 1 : i32
    %dma_wait3A_147 = arith.constant 0 : i32
    %dma_wait3A_148 = tpu.memref_slice %arg11[%dma_wait3A_146, %dma_wait3A_147] : memref<2x4096xf32, #tpu.memory_space<vmem>> -> memref<1x4096xf32, #tpu.memory_space<vmem>>
    %dma_wait3A_149 = tpu.memref_squeeze %dma_wait3A_148 : memref<1x4096xf32, #tpu.memory_space<vmem>> -> memref<4096xf32, #tpu.memory_space<vmem>>
    %dma_wait3A_150 = tpu.memref_slice %arg2[%mul3A_145] : memref<65536xf32, #tpu.memory_space<hbm>> -> memref<4096xf32, #tpu.memory_space<hbm>>
    %dma_wait3A_151 = arith.constant 0 : i32
    %dma_wait3A_152 = tpu.memref_slice %arg11[%dma_wait3A_146, %dma_wait3A_151] : memref<2x4096xf32, #tpu.memory_space<vmem>> -> memref<1x4096xf32, #tpu.memory_space<vmem>>
    %dma_wait3A_153 = tpu.memref_squeeze %dma_wait3A_152 : memref<1x4096xf32, #tpu.memory_space<vmem>> -> memref<4096xf32, #tpu.memory_space<vmem>>
    %dma_wait3A_154 = tpu.memref_slice %arg2[%mul3A_145] : memref<65536xf32, #tpu.memory_space<hbm>> -> memref<4096xf32, #tpu.memory_space<hbm>>
    tpu.wait_dma2 semaphore(%arg15 : memref<!tpu.dma_semaphore, #tpu.memory_space<semaphore_mem>>) src(%dma_wait3A_154 : memref<4096xf32, #tpu.memory_space<hbm>>) dst(%dma_wait3A_153 : memref<4096xf32, #tpu.memory_space<vmem>>)
    %mul3A_155 = arith.constant 2048 : i32
    %mul3A_156 = arith.muli %rem3A_143, %mul3A_155 : i32
    %parallel_loop3A_157 = arith.constant 0 : i32
    %parallel_loop3A_158 = arith.constant 128 : i32
    %parallel_loop3A_159 = arith.constant 1 : i32
    %parallel_loop3A_160 = arith.constant 32768 : i32
    %parallel_loop3A_161 = arith.constant -65536 : i32
    scf.for %parallel_loop3A_659 = %parallel_loop3A_157 to %parallel_loop3A_158 step %parallel_loop3A_159  : i32 {
      %parallel_loop3A_660 = arith.constant 32 : i32
      %parallel_loop3A_661 = arith.muli %parallel_loop3A_659, %parallel_loop3A_660 : i32
      %parallel_loop3A_662 = arith.constant 1 : i32
      %parallel_loop3A_663 = arith.index_cast %parallel_loop3A_662 : i32 to index
      %parallel_loop3A_664 = arith.index_cast %parallel_loop3A_661 : i32 to index
      %parallel_loop3A_665 = tpu.vector_load %arg11[%parallel_loop3A_663, %parallel_loop3A_664] {strides = array<i32>} : memref<2x4096xf32, #tpu.memory_space<vmem>>, vector<16xf32>,
      %parallel_loop3A_666 = vector.bitcast %parallel_loop3A_665 : vector<16xf32> to vector<16xi32>
      %parallel_loop3A_667 = arith.constant 32 : i32
      %parallel_loop3A_668 = arith.muli %parallel_loop3A_659, %parallel_loop3A_667 : i32
      %parallel_loop3A_669 = arith.constant 16 : i32
      %parallel_loop3A_670 = arith.addi %parallel_loop3A_668, %parallel_loop3A_669 : i32
      %parallel_loop3A_671 = arith.constant 1 : i32
      %parallel_loop3A_672 = arith.index_cast %parallel_loop3A_671 : i32 to index
      %parallel_loop3A_673 = arith.index_cast %parallel_loop3A_670 : i32 to index
      %parallel_loop3A_674 = tpu.vector_load %arg11[%parallel_loop3A_672, %parallel_loop3A_673] {strides = array<i32>} : memref<2x4096xf32, #tpu.memory_space<vmem>>, vector<16xf32>,
      %parallel_loop3A_675 = vector.bitcast %parallel_loop3A_674 : vector<16xf32> to vector<16xi32>
      %parallel_loop3A_676 = vector.broadcast %parallel_loop3A_160 : i32 to vector<16xi32>
      %parallel_loop3A_677 = arith.addi %parallel_loop3A_675, %parallel_loop3A_676 : vector<16xi32>
      %parallel_loop3A_678 = vector.broadcast %parallel_loop3A_161 : i32 to vector<16xi32>
      %parallel_loop3A_679 = arith.andi %parallel_loop3A_677, %parallel_loop3A_678 : vector<16xi32>
      %parallel_loop3A_680 = vector.broadcast %parallel_loop3A_160 : i32 to vector<16xi32>
      %parallel_loop3A_681 = arith.addi %parallel_loop3A_666, %parallel_loop3A_680 : vector<16xi32>
      %parallel_loop3A_682 = arith.constant 16 : i32
      %parallel_loop3A_683 = vector.broadcast %parallel_loop3A_682 : i32 to vector<16xi32>
      %parallel_loop3A_684 = arith.shrui %parallel_loop3A_681, %parallel_loop3A_683 : vector<16xi32>
      %parallel_loop3A_685 = arith.ori %parallel_loop3A_679, %parallel_loop3A_684 : vector<16xi32>
      %parallel_loop3A_686 = arith.constant 16 : i32
      %parallel_loop3A_687 = arith.muli %parallel_loop3A_659, %parallel_loop3A_686 : i32
      %parallel_loop3A_688 = arith.addi %mul3A_156, %parallel_loop3A_687 : i32
      %parallel_loop3A_689 = arith.index_cast %parallel_loop3A_688 : i32 to index
      %parallel_loop3A_690 = tpu.vector_load %arg7[%parallel_loop3A_689] {strides = array<i32>} : memref<32768xi32, #tpu.memory_space<vmem>>, vector<16xi32>,
      tpu.vector_store %arg7[%parallel_loop3A_689], %parallel_loop3A_685 {strides = array<i32>} : memref<32768xi32, #tpu.memory_space<vmem>>, vector<16xi32>,
    } {sc.loop_unroll_factor = 8 : i64, sc.parallel_access}
    %add3A_162 = arith.constant 5 : i32
    %add3A_163 = arith.addi %add3A_162, %add3A : i32
    %rem3A_164 = arith.constant 16 : i32
    %rem3A_165 = arith.remsi %add3A_163, %rem3A_164 : i32
    %mul3A_166 = arith.constant 4096 : i32
    %mul3A_167 = arith.muli %rem3A_165, %mul3A_166 : i32
    %dma_start3A_168 = arith.constant 1 : i32
    %dma_start3A_169 = arith.constant 0 : i32
    %dma_start3A_170 = tpu.memref_slice %arg11[%dma_start3A_168, %dma_start3A_169] : memref<2x4096xf32, #tpu.memory_space<vmem>> -> memref<1x4096xf32, #tpu.memory_space<vmem>>
    %dma_start3A_171 = tpu.memref_squeeze %dma_start3A_170 : memref<1x4096xf32, #tpu.memory_space<vmem>> -> memref<4096xf32, #tpu.memory_space<vmem>>
    %dma_start3A_172 = tpu.memref_slice %arg2[%mul3A_167] : memref<65536xf32, #tpu.memory_space<hbm>> -> memref<4096xf32, #tpu.memory_space<hbm>>
    %dma_start3A_173 = arith.constant 0 : i32
    %dma_start3A_174 = tpu.memref_slice %arg11[%dma_start3A_168, %dma_start3A_173] : memref<2x4096xf32, #tpu.memory_space<vmem>> -> memref<1x4096xf32, #tpu.memory_space<vmem>>
    %dma_start3A_175 = tpu.memref_squeeze %dma_start3A_174 : memref<1x4096xf32, #tpu.memory_space<vmem>> -> memref<4096xf32, #tpu.memory_space<vmem>>
    %dma_start3A_176 = tpu.memref_slice %arg2[%mul3A_167] : memref<65536xf32, #tpu.memory_space<hbm>> -> memref<4096xf32, #tpu.memory_space<hbm>>
    tpu.enqueue_dma source(%dma_start3A_176 : memref<4096xf32, #tpu.memory_space<hbm>>) target(%dma_start3A_175 : memref<4096xf32, #tpu.memory_space<vmem>>) target_semaphore(%arg15 : memref<!tpu.dma_semaphore, #tpu.memory_space<semaphore_mem>>)
    %add3A_177 = arith.constant 4 : i32
    %add3A_178 = arith.addi %add3A_177, %add3A : i32
    %rem3A_179 = arith.constant 16 : i32
    %rem3A_180 = arith.remsi %add3A_178, %rem3A_179 : i32
    %mul3A_181 = arith.constant 4096 : i32
    %mul3A_182 = arith.muli %rem3A_180, %mul3A_181 : i32
    %dma_wait3A_183 = arith.constant 0 : i32
    %dma_wait3A_184 = arith.constant 0 : i32
    %dma_wait3A_185 = tpu.memref_slice %arg11[%dma_wait3A_183, %dma_wait3A_184] : memref<2x4096xf32, #tpu.memory_space<vmem>> -> memref<1x4096xf32, #tpu.memory_space<vmem>>
    %dma_wait3A_186 = tpu.memref_squeeze %dma_wait3A_185 : memref<1x4096xf32, #tpu.memory_space<vmem>> -> memref<4096xf32, #tpu.memory_space<vmem>>
    %dma_wait3A_187 = tpu.memref_slice %arg2[%mul3A_182] : memref<65536xf32, #tpu.memory_space<hbm>> -> memref<4096xf32, #tpu.memory_space<hbm>>
    %dma_wait3A_188 = arith.constant 0 : i32
    %dma_wait3A_189 = tpu.memref_slice %arg11[%dma_wait3A_183, %dma_wait3A_188] : memref<2x4096xf32, #tpu.memory_space<vmem>> -> memref<1x4096xf32, #tpu.memory_space<vmem>>
    %dma_wait3A_190 = tpu.memref_squeeze %dma_wait3A_189 : memref<1x4096xf32, #tpu.memory_space<vmem>> -> memref<4096xf32, #tpu.memory_space<vmem>>
    %dma_wait3A_191 = tpu.memref_slice %arg2[%mul3A_182] : memref<65536xf32, #tpu.memory_space<hbm>> -> memref<4096xf32, #tpu.memory_space<hbm>>
    tpu.wait_dma2 semaphore(%arg14 : memref<!tpu.dma_semaphore, #tpu.memory_space<semaphore_mem>>) src(%dma_wait3A_191 : memref<4096xf32, #tpu.memory_space<hbm>>) dst(%dma_wait3A_190 : memref<4096xf32, #tpu.memory_space<vmem>>)
    %mul3A_192 = arith.constant 2048 : i32
    %mul3A_193 = arith.muli %rem3A_180, %mul3A_192 : i32
    %parallel_loop3A_194 = arith.constant 0 : i32
    %parallel_loop3A_195 = arith.constant 128 : i32
    %parallel_loop3A_196 = arith.constant 1 : i32
    %parallel_loop3A_197 = arith.constant 32768 : i32
    %parallel_loop3A_198 = arith.constant -65536 : i32
    scf.for %parallel_loop3A_659 = %parallel_loop3A_194 to %parallel_loop3A_195 step %parallel_loop3A_196  : i32 {
      %parallel_loop3A_660 = arith.constant 32 : i32
      %parallel_loop3A_661 = arith.muli %parallel_loop3A_659, %parallel_loop3A_660 : i32
      %parallel_loop3A_662 = arith.constant 0 : i32
      %parallel_loop3A_663 = arith.index_cast %parallel_loop3A_662 : i32 to index
      %parallel_loop3A_664 = arith.index_cast %parallel_loop3A_661 : i32 to index
      %parallel_loop3A_665 = tpu.vector_load %arg11[%parallel_loop3A_663, %parallel_loop3A_664] {strides = array<i32>} : memref<2x4096xf32, #tpu.memory_space<vmem>>, vector<16xf32>,
      %parallel_loop3A_666 = vector.bitcast %parallel_loop3A_665 : vector<16xf32> to vector<16xi32>
      %parallel_loop3A_667 = arith.constant 32 : i32
      %parallel_loop3A_668 = arith.muli %parallel_loop3A_659, %parallel_loop3A_667 : i32
      %parallel_loop3A_669 = arith.constant 16 : i32
      %parallel_loop3A_670 = arith.addi %parallel_loop3A_668, %parallel_loop3A_669 : i32
      %parallel_loop3A_671 = arith.constant 0 : i32
      %parallel_loop3A_672 = arith.index_cast %parallel_loop3A_671 : i32 to index
      %parallel_loop3A_673 = arith.index_cast %parallel_loop3A_670 : i32 to index
      %parallel_loop3A_674 = tpu.vector_load %arg11[%parallel_loop3A_672, %parallel_loop3A_673] {strides = array<i32>} : memref<2x4096xf32, #tpu.memory_space<vmem>>, vector<16xf32>,
      %parallel_loop3A_675 = vector.bitcast %parallel_loop3A_674 : vector<16xf32> to vector<16xi32>
      %parallel_loop3A_676 = vector.broadcast %parallel_loop3A_197 : i32 to vector<16xi32>
      %parallel_loop3A_677 = arith.addi %parallel_loop3A_675, %parallel_loop3A_676 : vector<16xi32>
      %parallel_loop3A_678 = vector.broadcast %parallel_loop3A_198 : i32 to vector<16xi32>
      %parallel_loop3A_679 = arith.andi %parallel_loop3A_677, %parallel_loop3A_678 : vector<16xi32>
      %parallel_loop3A_680 = vector.broadcast %parallel_loop3A_197 : i32 to vector<16xi32>
      %parallel_loop3A_681 = arith.addi %parallel_loop3A_666, %parallel_loop3A_680 : vector<16xi32>
      %parallel_loop3A_682 = arith.constant 16 : i32
      %parallel_loop3A_683 = vector.broadcast %parallel_loop3A_682 : i32 to vector<16xi32>
      %parallel_loop3A_684 = arith.shrui %parallel_loop3A_681, %parallel_loop3A_683 : vector<16xi32>
      %parallel_loop3A_685 = arith.ori %parallel_loop3A_679, %parallel_loop3A_684 : vector<16xi32>
      %parallel_loop3A_686 = arith.constant 16 : i32
      %parallel_loop3A_687 = arith.muli %parallel_loop3A_659, %parallel_loop3A_686 : i32
      %parallel_loop3A_688 = arith.addi %mul3A_193, %parallel_loop3A_687 : i32
      %parallel_loop3A_689 = arith.index_cast %parallel_loop3A_688 : i32 to index
      %parallel_loop3A_690 = tpu.vector_load %arg7[%parallel_loop3A_689] {strides = array<i32>} : memref<32768xi32, #tpu.memory_space<vmem>>, vector<16xi32>,
      tpu.vector_store %arg7[%parallel_loop3A_689], %parallel_loop3A_685 {strides = array<i32>} : memref<32768xi32, #tpu.memory_space<vmem>>, vector<16xi32>,
    } {sc.loop_unroll_factor = 8 : i64, sc.parallel_access}
    %add3A_199 = arith.constant 6 : i32
    %add3A_200 = arith.addi %add3A_199, %add3A : i32
    %rem3A_201 = arith.constant 16 : i32
    %rem3A_202 = arith.remsi %add3A_200, %rem3A_201 : i32
    %mul3A_203 = arith.constant 4096 : i32
    %mul3A_204 = arith.muli %rem3A_202, %mul3A_203 : i32
    %dma_start3A_205 = arith.constant 0 : i32
    %dma_start3A_206 = arith.constant 0 : i32
    %dma_start3A_207 = tpu.memref_slice %arg11[%dma_start3A_205, %dma_start3A_206] : memref<2x4096xf32, #tpu.memory_space<vmem>> -> memref<1x4096xf32, #tpu.memory_space<vmem>>
    %dma_start3A_208 = tpu.memref_squeeze %dma_start3A_207 : memref<1x4096xf32, #tpu.memory_space<vmem>> -> memref<4096xf32, #tpu.memory_space<vmem>>
    %dma_start3A_209 = tpu.memref_slice %arg2[%mul3A_204] : memref<65536xf32, #tpu.memory_space<hbm>> -> memref<4096xf32, #tpu.memory_space<hbm>>
    %dma_start3A_210 = arith.constant 0 : i32
    %dma_start3A_211 = tpu.memref_slice %arg11[%dma_start3A_205, %dma_start3A_210] : memref<2x4096xf32, #tpu.memory_space<vmem>> -> memref<1x4096xf32, #tpu.memory_space<vmem>>
    %dma_start3A_212 = tpu.memref_squeeze %dma_start3A_211 : memref<1x4096xf32, #tpu.memory_space<vmem>> -> memref<4096xf32, #tpu.memory_space<vmem>>
    %dma_start3A_213 = tpu.memref_slice %arg2[%mul3A_204] : memref<65536xf32, #tpu.memory_space<hbm>> -> memref<4096xf32, #tpu.memory_space<hbm>>
    tpu.enqueue_dma source(%dma_start3A_213 : memref<4096xf32, #tpu.memory_space<hbm>>) target(%dma_start3A_212 : memref<4096xf32, #tpu.memory_space<vmem>>) target_semaphore(%arg14 : memref<!tpu.dma_semaphore, #tpu.memory_space<semaphore_mem>>)
    %add3A_214 = arith.constant 5 : i32
    %add3A_215 = arith.addi %add3A_214, %add3A : i32
    %rem3A_216 = arith.constant 16 : i32
    %rem3A_217 = arith.remsi %add3A_215, %rem3A_216 : i32
    %mul3A_218 = arith.constant 4096 : i32
    %mul3A_219 = arith.muli %rem3A_217, %mul3A_218 : i32
    %dma_wait3A_220 = arith.constant 1 : i32
    %dma_wait3A_221 = arith.constant 0 : i32
    %dma_wait3A_222 = tpu.memref_slice %arg11[%dma_wait3A_220, %dma_wait3A_221] : memref<2x4096xf32, #tpu.memory_space<vmem>> -> memref<1x4096xf32, #tpu.memory_space<vmem>>
    %dma_wait3A_223 = tpu.memref_squeeze %dma_wait3A_222 : memref<1x4096xf32, #tpu.memory_space<vmem>> -> memref<4096xf32, #tpu.memory_space<vmem>>
    %dma_wait3A_224 = tpu.memref_slice %arg2[%mul3A_219] : memref<65536xf32, #tpu.memory_space<hbm>> -> memref<4096xf32, #tpu.memory_space<hbm>>
    %dma_wait3A_225 = arith.constant 0 : i32
    %dma_wait3A_226 = tpu.memref_slice %arg11[%dma_wait3A_220, %dma_wait3A_225] : memref<2x4096xf32, #tpu.memory_space<vmem>> -> memref<1x4096xf32, #tpu.memory_space<vmem>>
    %dma_wait3A_227 = tpu.memref_squeeze %dma_wait3A_226 : memref<1x4096xf32, #tpu.memory_space<vmem>> -> memref<4096xf32, #tpu.memory_space<vmem>>
    %dma_wait3A_228 = tpu.memref_slice %arg2[%mul3A_219] : memref<65536xf32, #tpu.memory_space<hbm>> -> memref<4096xf32, #tpu.memory_space<hbm>>
    tpu.wait_dma2 semaphore(%arg15 : memref<!tpu.dma_semaphore, #tpu.memory_space<semaphore_mem>>) src(%dma_wait3A_228 : memref<4096xf32, #tpu.memory_space<hbm>>) dst(%dma_wait3A_227 : memref<4096xf32, #tpu.memory_space<vmem>>)
    %mul3A_229 = arith.constant 2048 : i32
    %mul3A_230 = arith.muli %rem3A_217, %mul3A_229 : i32
    %parallel_loop3A_231 = arith.constant 0 : i32
    %parallel_loop3A_232 = arith.constant 128 : i32
    %parallel_loop3A_233 = arith.constant 1 : i32
    %parallel_loop3A_234 = arith.constant 32768 : i32
    %parallel_loop3A_235 = arith.constant -65536 : i32
    scf.for %parallel_loop3A_659 = %parallel_loop3A_231 to %parallel_loop3A_232 step %parallel_loop3A_233  : i32 {
      %parallel_loop3A_660 = arith.constant 32 : i32
      %parallel_loop3A_661 = arith.muli %parallel_loop3A_659, %parallel_loop3A_660 : i32
      %parallel_loop3A_662 = arith.constant 1 : i32
      %parallel_loop3A_663 = arith.index_cast %parallel_loop3A_662 : i32 to index
      %parallel_loop3A_664 = arith.index_cast %parallel_loop3A_661 : i32 to index
      %parallel_loop3A_665 = tpu.vector_load %arg11[%parallel_loop3A_663, %parallel_loop3A_664] {strides = array<i32>} : memref<2x4096xf32, #tpu.memory_space<vmem>>, vector<16xf32>,
      %parallel_loop3A_666 = vector.bitcast %parallel_loop3A_665 : vector<16xf32> to vector<16xi32>
      %parallel_loop3A_667 = arith.constant 32 : i32
      %parallel_loop3A_668 = arith.muli %parallel_loop3A_659, %parallel_loop3A_667 : i32
      %parallel_loop3A_669 = arith.constant 16 : i32
      %parallel_loop3A_670 = arith.addi %parallel_loop3A_668, %parallel_loop3A_669 : i32
      %parallel_loop3A_671 = arith.constant 1 : i32
      %parallel_loop3A_672 = arith.index_cast %parallel_loop3A_671 : i32 to index
      %parallel_loop3A_673 = arith.index_cast %parallel_loop3A_670 : i32 to index
      %parallel_loop3A_674 = tpu.vector_load %arg11[%parallel_loop3A_672, %parallel_loop3A_673] {strides = array<i32>} : memref<2x4096xf32, #tpu.memory_space<vmem>>, vector<16xf32>,
      %parallel_loop3A_675 = vector.bitcast %parallel_loop3A_674 : vector<16xf32> to vector<16xi32>
      %parallel_loop3A_676 = vector.broadcast %parallel_loop3A_234 : i32 to vector<16xi32>
      %parallel_loop3A_677 = arith.addi %parallel_loop3A_675, %parallel_loop3A_676 : vector<16xi32>
      %parallel_loop3A_678 = vector.broadcast %parallel_loop3A_235 : i32 to vector<16xi32>
      %parallel_loop3A_679 = arith.andi %parallel_loop3A_677, %parallel_loop3A_678 : vector<16xi32>
      %parallel_loop3A_680 = vector.broadcast %parallel_loop3A_234 : i32 to vector<16xi32>
      %parallel_loop3A_681 = arith.addi %parallel_loop3A_666, %parallel_loop3A_680 : vector<16xi32>
      %parallel_loop3A_682 = arith.constant 16 : i32
      %parallel_loop3A_683 = vector.broadcast %parallel_loop3A_682 : i32 to vector<16xi32>
      %parallel_loop3A_684 = arith.shrui %parallel_loop3A_681, %parallel_loop3A_683 : vector<16xi32>
      %parallel_loop3A_685 = arith.ori %parallel_loop3A_679, %parallel_loop3A_684 : vector<16xi32>
      %parallel_loop3A_686 = arith.constant 16 : i32
      %parallel_loop3A_687 = arith.muli %parallel_loop3A_659, %parallel_loop3A_686 : i32
      %parallel_loop3A_688 = arith.addi %mul3A_230, %parallel_loop3A_687 : i32
      %parallel_loop3A_689 = arith.index_cast %parallel_loop3A_688 : i32 to index
      %parallel_loop3A_690 = tpu.vector_load %arg7[%parallel_loop3A_689] {strides = array<i32>} : memref<32768xi32, #tpu.memory_space<vmem>>, vector<16xi32>,
      tpu.vector_store %arg7[%parallel_loop3A_689], %parallel_loop3A_685 {strides = array<i32>} : memref<32768xi32, #tpu.memory_space<vmem>>, vector<16xi32>,
    } {sc.loop_unroll_factor = 8 : i64, sc.parallel_access}
    %add3A_236 = arith.constant 7 : i32
    %add3A_237 = arith.addi %add3A_236, %add3A : i32
    %rem3A_238 = arith.constant 16 : i32
    %rem3A_239 = arith.remsi %add3A_237, %rem3A_238 : i32
    %mul3A_240 = arith.constant 4096 : i32
    %mul3A_241 = arith.muli %rem3A_239, %mul3A_240 : i32
    %dma_start3A_242 = arith.constant 1 : i32
    %dma_start3A_243 = arith.constant 0 : i32
    %dma_start3A_244 = tpu.memref_slice %arg11[%dma_start3A_242, %dma_start3A_243] : memref<2x4096xf32, #tpu.memory_space<vmem>> -> memref<1x4096xf32, #tpu.memory_space<vmem>>
    %dma_start3A_245 = tpu.memref_squeeze %dma_start3A_244 : memref<1x4096xf32, #tpu.memory_space<vmem>> -> memref<4096xf32, #tpu.memory_space<vmem>>
    %dma_start3A_246 = tpu.memref_slice %arg2[%mul3A_241] : memref<65536xf32, #tpu.memory_space<hbm>> -> memref<4096xf32, #tpu.memory_space<hbm>>
    %dma_start3A_247 = arith.constant 0 : i32
    %dma_start3A_248 = tpu.memref_slice %arg11[%dma_start3A_242, %dma_start3A_247] : memref<2x4096xf32, #tpu.memory_space<vmem>> -> memref<1x4096xf32, #tpu.memory_space<vmem>>
    %dma_start3A_249 = tpu.memref_squeeze %dma_start3A_248 : memref<1x4096xf32, #tpu.memory_space<vmem>> -> memref<4096xf32, #tpu.memory_space<vmem>>
    %dma_start3A_250 = tpu.memref_slice %arg2[%mul3A_241] : memref<65536xf32, #tpu.memory_space<hbm>> -> memref<4096xf32, #tpu.memory_space<hbm>>
    tpu.enqueue_dma source(%dma_start3A_250 : memref<4096xf32, #tpu.memory_space<hbm>>) target(%dma_start3A_249 : memref<4096xf32, #tpu.memory_space<vmem>>) target_semaphore(%arg15 : memref<!tpu.dma_semaphore, #tpu.memory_space<semaphore_mem>>)
    %add3A_251 = arith.constant 6 : i32
    %add3A_252 = arith.addi %add3A_251, %add3A : i32
    %rem3A_253 = arith.constant 16 : i32
    %rem3A_254 = arith.remsi %add3A_252, %rem3A_253 : i32
    %mul3A_255 = arith.constant 4096 : i32
    %mul3A_256 = arith.muli %rem3A_254, %mul3A_255 : i32
    %dma_wait3A_257 = arith.constant 0 : i32
    %dma_wait3A_258 = arith.constant 0 : i32
    %dma_wait3A_259 = tpu.memref_slice %arg11[%dma_wait3A_257, %dma_wait3A_258] : memref<2x4096xf32, #tpu.memory_space<vmem>> -> memref<1x4096xf32, #tpu.memory_space<vmem>>
    %dma_wait3A_260 = tpu.memref_squeeze %dma_wait3A_259 : memref<1x4096xf32, #tpu.memory_space<vmem>> -> memref<4096xf32, #tpu.memory_space<vmem>>
    %dma_wait3A_261 = tpu.memref_slice %arg2[%mul3A_256] : memref<65536xf32, #tpu.memory_space<hbm>> -> memref<4096xf32, #tpu.memory_space<hbm>>
    %dma_wait3A_262 = arith.constant 0 : i32
    %dma_wait3A_263 = tpu.memref_slice %arg11[%dma_wait3A_257, %dma_wait3A_262] : memref<2x4096xf32, #tpu.memory_space<vmem>> -> memref<1x4096xf32, #tpu.memory_space<vmem>>
    %dma_wait3A_264 = tpu.memref_squeeze %dma_wait3A_263 : memref<1x4096xf32, #tpu.memory_space<vmem>> -> memref<4096xf32, #tpu.memory_space<vmem>>
    %dma_wait3A_265 = tpu.memref_slice %arg2[%mul3A_256] : memref<65536xf32, #tpu.memory_space<hbm>> -> memref<4096xf32, #tpu.memory_space<hbm>>
    tpu.wait_dma2 semaphore(%arg14 : memref<!tpu.dma_semaphore, #tpu.memory_space<semaphore_mem>>) src(%dma_wait3A_265 : memref<4096xf32, #tpu.memory_space<hbm>>) dst(%dma_wait3A_264 : memref<4096xf32, #tpu.memory_space<vmem>>)
    %mul3A_266 = arith.constant 2048 : i32
    %mul3A_267 = arith.muli %rem3A_254, %mul3A_266 : i32
    %parallel_loop3A_268 = arith.constant 0 : i32
    %parallel_loop3A_269 = arith.constant 128 : i32
    %parallel_loop3A_270 = arith.constant 1 : i32
    %parallel_loop3A_271 = arith.constant 32768 : i32
    %parallel_loop3A_272 = arith.constant -65536 : i32
    scf.for %parallel_loop3A_659 = %parallel_loop3A_268 to %parallel_loop3A_269 step %parallel_loop3A_270  : i32 {
      %parallel_loop3A_660 = arith.constant 32 : i32
      %parallel_loop3A_661 = arith.muli %parallel_loop3A_659, %parallel_loop3A_660 : i32
      %parallel_loop3A_662 = arith.constant 0 : i32
      %parallel_loop3A_663 = arith.index_cast %parallel_loop3A_662 : i32 to index
      %parallel_loop3A_664 = arith.index_cast %parallel_loop3A_661 : i32 to index
      %parallel_loop3A_665 = tpu.vector_load %arg11[%parallel_loop3A_663, %parallel_loop3A_664] {strides = array<i32>} : memref<2x4096xf32, #tpu.memory_space<vmem>>, vector<16xf32>,
      %parallel_loop3A_666 = vector.bitcast %parallel_loop3A_665 : vector<16xf32> to vector<16xi32>
      %parallel_loop3A_667 = arith.constant 32 : i32
      %parallel_loop3A_668 = arith.muli %parallel_loop3A_659, %parallel_loop3A_667 : i32
      %parallel_loop3A_669 = arith.constant 16 : i32
      %parallel_loop3A_670 = arith.addi %parallel_loop3A_668, %parallel_loop3A_669 : i32
      %parallel_loop3A_671 = arith.constant 0 : i32
      %parallel_loop3A_672 = arith.index_cast %parallel_loop3A_671 : i32 to index
      %parallel_loop3A_673 = arith.index_cast %parallel_loop3A_670 : i32 to index
      %parallel_loop3A_674 = tpu.vector_load %arg11[%parallel_loop3A_672, %parallel_loop3A_673] {strides = array<i32>} : memref<2x4096xf32, #tpu.memory_space<vmem>>, vector<16xf32>,
      %parallel_loop3A_675 = vector.bitcast %parallel_loop3A_674 : vector<16xf32> to vector<16xi32>
      %parallel_loop3A_676 = vector.broadcast %parallel_loop3A_271 : i32 to vector<16xi32>
      %parallel_loop3A_677 = arith.addi %parallel_loop3A_675, %parallel_loop3A_676 : vector<16xi32>
      %parallel_loop3A_678 = vector.broadcast %parallel_loop3A_272 : i32 to vector<16xi32>
      %parallel_loop3A_679 = arith.andi %parallel_loop3A_677, %parallel_loop3A_678 : vector<16xi32>
      %parallel_loop3A_680 = vector.broadcast %parallel_loop3A_271 : i32 to vector<16xi32>
      %parallel_loop3A_681 = arith.addi %parallel_loop3A_666, %parallel_loop3A_680 : vector<16xi32>
      %parallel_loop3A_682 = arith.constant 16 : i32
      %parallel_loop3A_683 = vector.broadcast %parallel_loop3A_682 : i32 to vector<16xi32>
      %parallel_loop3A_684 = arith.shrui %parallel_loop3A_681, %parallel_loop3A_683 : vector<16xi32>
      %parallel_loop3A_685 = arith.ori %parallel_loop3A_679, %parallel_loop3A_684 : vector<16xi32>
      %parallel_loop3A_686 = arith.constant 16 : i32
      %parallel_loop3A_687 = arith.muli %parallel_loop3A_659, %parallel_loop3A_686 : i32
      %parallel_loop3A_688 = arith.addi %mul3A_267, %parallel_loop3A_687 : i32
      %parallel_loop3A_689 = arith.index_cast %parallel_loop3A_688 : i32 to index
      %parallel_loop3A_690 = tpu.vector_load %arg7[%parallel_loop3A_689] {strides = array<i32>} : memref<32768xi32, #tpu.memory_space<vmem>>, vector<16xi32>,
      tpu.vector_store %arg7[%parallel_loop3A_689], %parallel_loop3A_685 {strides = array<i32>} : memref<32768xi32, #tpu.memory_space<vmem>>, vector<16xi32>,
    } {sc.loop_unroll_factor = 8 : i64, sc.parallel_access}
    %add3A_273 = arith.constant 8 : i32
    %add3A_274 = arith.addi %add3A_273, %add3A : i32
    %rem3A_275 = arith.constant 16 : i32
    %rem3A_276 = arith.remsi %add3A_274, %rem3A_275 : i32
    %mul3A_277 = arith.constant 4096 : i32
    %mul3A_278 = arith.muli %rem3A_276, %mul3A_277 : i32
    %dma_start3A_279 = arith.constant 0 : i32
    %dma_start3A_280 = arith.constant 0 : i32
    %dma_start3A_281 = tpu.memref_slice %arg11[%dma_start3A_279, %dma_start3A_280] : memref<2x4096xf32, #tpu.memory_space<vmem>> -> memref<1x4096xf32, #tpu.memory_space<vmem>>
    %dma_start3A_282 = tpu.memref_squeeze %dma_start3A_281 : memref<1x4096xf32, #tpu.memory_space<vmem>> -> memref<4096xf32, #tpu.memory_space<vmem>>
    %dma_start3A_283 = tpu.memref_slice %arg2[%mul3A_278] : memref<65536xf32, #tpu.memory_space<hbm>> -> memref<4096xf32, #tpu.memory_space<hbm>>
    %dma_start3A_284 = arith.constant 0 : i32
    %dma_start3A_285 = tpu.memref_slice %arg11[%dma_start3A_279, %dma_start3A_284] : memref<2x4096xf32, #tpu.memory_space<vmem>> -> memref<1x4096xf32, #tpu.memory_space<vmem>>
    %dma_start3A_286 = tpu.memref_squeeze %dma_start3A_285 : memref<1x4096xf32, #tpu.memory_space<vmem>> -> memref<4096xf32, #tpu.memory_space<vmem>>
    %dma_start3A_287 = tpu.memref_slice %arg2[%mul3A_278] : memref<65536xf32, #tpu.memory_space<hbm>> -> memref<4096xf32, #tpu.memory_space<hbm>>
    tpu.enqueue_dma source(%dma_start3A_287 : memref<4096xf32, #tpu.memory_space<hbm>>) target(%dma_start3A_286 : memref<4096xf32, #tpu.memory_space<vmem>>) target_semaphore(%arg14 : memref<!tpu.dma_semaphore, #tpu.memory_space<semaphore_mem>>)
    %add3A_288 = arith.constant 7 : i32
    %add3A_289 = arith.addi %add3A_288, %add3A : i32
    %rem3A_290 = arith.constant 16 : i32
    %rem3A_291 = arith.remsi %add3A_289, %rem3A_290 : i32
    %mul3A_292 = arith.constant 4096 : i32
    %mul3A_293 = arith.muli %rem3A_291, %mul3A_292 : i32
    %dma_wait3A_294 = arith.constant 1 : i32
    %dma_wait3A_295 = arith.constant 0 : i32
    %dma_wait3A_296 = tpu.memref_slice %arg11[%dma_wait3A_294, %dma_wait3A_295] : memref<2x4096xf32, #tpu.memory_space<vmem>> -> memref<1x4096xf32, #tpu.memory_space<vmem>>
    %dma_wait3A_297 = tpu.memref_squeeze %dma_wait3A_296 : memref<1x4096xf32, #tpu.memory_space<vmem>> -> memref<4096xf32, #tpu.memory_space<vmem>>
    %dma_wait3A_298 = tpu.memref_slice %arg2[%mul3A_293] : memref<65536xf32, #tpu.memory_space<hbm>> -> memref<4096xf32, #tpu.memory_space<hbm>>
    %dma_wait3A_299 = arith.constant 0 : i32
    %dma_wait3A_300 = tpu.memref_slice %arg11[%dma_wait3A_294, %dma_wait3A_299] : memref<2x4096xf32, #tpu.memory_space<vmem>> -> memref<1x4096xf32, #tpu.memory_space<vmem>>
    %dma_wait3A_301 = tpu.memref_squeeze %dma_wait3A_300 : memref<1x4096xf32, #tpu.memory_space<vmem>> -> memref<4096xf32, #tpu.memory_space<vmem>>
    %dma_wait3A_302 = tpu.memref_slice %arg2[%mul3A_293] : memref<65536xf32, #tpu.memory_space<hbm>> -> memref<4096xf32, #tpu.memory_space<hbm>>
    tpu.wait_dma2 semaphore(%arg15 : memref<!tpu.dma_semaphore, #tpu.memory_space<semaphore_mem>>) src(%dma_wait3A_302 : memref<4096xf32, #tpu.memory_space<hbm>>) dst(%dma_wait3A_301 : memref<4096xf32, #tpu.memory_space<vmem>>)
    %mul3A_303 = arith.constant 2048 : i32
    %mul3A_304 = arith.muli %rem3A_291, %mul3A_303 : i32
    %parallel_loop3A_305 = arith.constant 0 : i32
    %parallel_loop3A_306 = arith.constant 128 : i32
    %parallel_loop3A_307 = arith.constant 1 : i32
    %parallel_loop3A_308 = arith.constant 32768 : i32
    %parallel_loop3A_309 = arith.constant -65536 : i32
    scf.for %parallel_loop3A_659 = %parallel_loop3A_305 to %parallel_loop3A_306 step %parallel_loop3A_307  : i32 {
      %parallel_loop3A_660 = arith.constant 32 : i32
      %parallel_loop3A_661 = arith.muli %parallel_loop3A_659, %parallel_loop3A_660 : i32
      %parallel_loop3A_662 = arith.constant 1 : i32
      %parallel_loop3A_663 = arith.index_cast %parallel_loop3A_662 : i32 to index
      %parallel_loop3A_664 = arith.index_cast %parallel_loop3A_661 : i32 to index
      %parallel_loop3A_665 = tpu.vector_load %arg11[%parallel_loop3A_663, %parallel_loop3A_664] {strides = array<i32>} : memref<2x4096xf32, #tpu.memory_space<vmem>>, vector<16xf32>,
      %parallel_loop3A_666 = vector.bitcast %parallel_loop3A_665 : vector<16xf32> to vector<16xi32>
      %parallel_loop3A_667 = arith.constant 32 : i32
      %parallel_loop3A_668 = arith.muli %parallel_loop3A_659, %parallel_loop3A_667 : i32
      %parallel_loop3A_669 = arith.constant 16 : i32
      %parallel_loop3A_670 = arith.addi %parallel_loop3A_668, %parallel_loop3A_669 : i32
      %parallel_loop3A_671 = arith.constant 1 : i32
      %parallel_loop3A_672 = arith.index_cast %parallel_loop3A_671 : i32 to index
      %parallel_loop3A_673 = arith.index_cast %parallel_loop3A_670 : i32 to index
      %parallel_loop3A_674 = tpu.vector_load %arg11[%parallel_loop3A_672, %parallel_loop3A_673] {strides = array<i32>} : memref<2x4096xf32, #tpu.memory_space<vmem>>, vector<16xf32>,
      %parallel_loop3A_675 = vector.bitcast %parallel_loop3A_674 : vector<16xf32> to vector<16xi32>
      %parallel_loop3A_676 = vector.broadcast %parallel_loop3A_308 : i32 to vector<16xi32>
      %parallel_loop3A_677 = arith.addi %parallel_loop3A_675, %parallel_loop3A_676 : vector<16xi32>
      %parallel_loop3A_678 = vector.broadcast %parallel_loop3A_309 : i32 to vector<16xi32>
      %parallel_loop3A_679 = arith.andi %parallel_loop3A_677, %parallel_loop3A_678 : vector<16xi32>
      %parallel_loop3A_680 = vector.broadcast %parallel_loop3A_308 : i32 to vector<16xi32>
      %parallel_loop3A_681 = arith.addi %parallel_loop3A_666, %parallel_loop3A_680 : vector<16xi32>
      %parallel_loop3A_682 = arith.constant 16 : i32
      %parallel_loop3A_683 = vector.broadcast %parallel_loop3A_682 : i32 to vector<16xi32>
      %parallel_loop3A_684 = arith.shrui %parallel_loop3A_681, %parallel_loop3A_683 : vector<16xi32>
      %parallel_loop3A_685 = arith.ori %parallel_loop3A_679, %parallel_loop3A_684 : vector<16xi32>
      %parallel_loop3A_686 = arith.constant 16 : i32
      %parallel_loop3A_687 = arith.muli %parallel_loop3A_659, %parallel_loop3A_686 : i32
      %parallel_loop3A_688 = arith.addi %mul3A_304, %parallel_loop3A_687 : i32
      %parallel_loop3A_689 = arith.index_cast %parallel_loop3A_688 : i32 to index
      %parallel_loop3A_690 = tpu.vector_load %arg7[%parallel_loop3A_689] {strides = array<i32>} : memref<32768xi32, #tpu.memory_space<vmem>>, vector<16xi32>,
      tpu.vector_store %arg7[%parallel_loop3A_689], %parallel_loop3A_685 {strides = array<i32>} : memref<32768xi32, #tpu.memory_space<vmem>>, vector<16xi32>,
    } {sc.loop_unroll_factor = 8 : i64, sc.parallel_access}
    %add3A_310 = arith.constant 9 : i32
    %add3A_311 = arith.addi %add3A_310, %add3A : i32
    %rem3A_312 = arith.constant 16 : i32
    %rem3A_313 = arith.remsi %add3A_311, %rem3A_312 : i32
    %mul3A_314 = arith.constant 4096 : i32
    %mul3A_315 = arith.muli %rem3A_313, %mul3A_314 : i32
    %dma_start3A_316 = arith.constant 1 : i32
    %dma_start3A_317 = arith.constant 0 : i32
    %dma_start3A_318 = tpu.memref_slice %arg11[%dma_start3A_316, %dma_start3A_317] : memref<2x4096xf32, #tpu.memory_space<vmem>> -> memref<1x4096xf32, #tpu.memory_space<vmem>>
    %dma_start3A_319 = tpu.memref_squeeze %dma_start3A_318 : memref<1x4096xf32, #tpu.memory_space<vmem>> -> memref<4096xf32, #tpu.memory_space<vmem>>
    %dma_start3A_320 = tpu.memref_slice %arg2[%mul3A_315] : memref<65536xf32, #tpu.memory_space<hbm>> -> memref<4096xf32, #tpu.memory_space<hbm>>
    %dma_start3A_321 = arith.constant 0 : i32
    %dma_start3A_322 = tpu.memref_slice %arg11[%dma_start3A_316, %dma_start3A_321] : memref<2x4096xf32, #tpu.memory_space<vmem>> -> memref<1x4096xf32, #tpu.memory_space<vmem>>
    %dma_start3A_323 = tpu.memref_squeeze %dma_start3A_322 : memref<1x4096xf32, #tpu.memory_space<vmem>> -> memref<4096xf32, #tpu.memory_space<vmem>>
    %dma_start3A_324 = tpu.memref_slice %arg2[%mul3A_315] : memref<65536xf32, #tpu.memory_space<hbm>> -> memref<4096xf32, #tpu.memory_space<hbm>>
    tpu.enqueue_dma source(%dma_start3A_324 : memref<4096xf32, #tpu.memory_space<hbm>>) target(%dma_start3A_323 : memref<4096xf32, #tpu.memory_space<vmem>>) target_semaphore(%arg15 : memref<!tpu.dma_semaphore, #tpu.memory_space<semaphore_mem>>)
    %add3A_325 = arith.constant 8 : i32
    %add3A_326 = arith.addi %add3A_325, %add3A : i32
    %rem3A_327 = arith.constant 16 : i32
    %rem3A_328 = arith.remsi %add3A_326, %rem3A_327 : i32
    %mul3A_329 = arith.constant 4096 : i32
    %mul3A_330 = arith.muli %rem3A_328, %mul3A_329 : i32
    %dma_wait3A_331 = arith.constant 0 : i32
    %dma_wait3A_332 = arith.constant 0 : i32
    %dma_wait3A_333 = tpu.memref_slice %arg11[%dma_wait3A_331, %dma_wait3A_332] : memref<2x4096xf32, #tpu.memory_space<vmem>> -> memref<1x4096xf32, #tpu.memory_space<vmem>>
    %dma_wait3A_334 = tpu.memref_squeeze %dma_wait3A_333 : memref<1x4096xf32, #tpu.memory_space<vmem>> -> memref<4096xf32, #tpu.memory_space<vmem>>
    %dma_wait3A_335 = tpu.memref_slice %arg2[%mul3A_330] : memref<65536xf32, #tpu.memory_space<hbm>> -> memref<4096xf32, #tpu.memory_space<hbm>>
    %dma_wait3A_336 = arith.constant 0 : i32
    %dma_wait3A_337 = tpu.memref_slice %arg11[%dma_wait3A_331, %dma_wait3A_336] : memref<2x4096xf32, #tpu.memory_space<vmem>> -> memref<1x4096xf32, #tpu.memory_space<vmem>>
    %dma_wait3A_338 = tpu.memref_squeeze %dma_wait3A_337 : memref<1x4096xf32, #tpu.memory_space<vmem>> -> memref<4096xf32, #tpu.memory_space<vmem>>
    %dma_wait3A_339 = tpu.memref_slice %arg2[%mul3A_330] : memref<65536xf32, #tpu.memory_space<hbm>> -> memref<4096xf32, #tpu.memory_space<hbm>>
    tpu.wait_dma2 semaphore(%arg14 : memref<!tpu.dma_semaphore, #tpu.memory_space<semaphore_mem>>) src(%dma_wait3A_339 : memref<4096xf32, #tpu.memory_space<hbm>>) dst(%dma_wait3A_338 : memref<4096xf32, #tpu.memory_space<vmem>>)
    %mul3A_340 = arith.constant 2048 : i32
    %mul3A_341 = arith.muli %rem3A_328, %mul3A_340 : i32
    %parallel_loop3A_342 = arith.constant 0 : i32
    %parallel_loop3A_343 = arith.constant 128 : i32
    %parallel_loop3A_344 = arith.constant 1 : i32
    %parallel_loop3A_345 = arith.constant 32768 : i32
    %parallel_loop3A_346 = arith.constant -65536 : i32
    scf.for %parallel_loop3A_659 = %parallel_loop3A_342 to %parallel_loop3A_343 step %parallel_loop3A_344  : i32 {
      %parallel_loop3A_660 = arith.constant 32 : i32
      %parallel_loop3A_661 = arith.muli %parallel_loop3A_659, %parallel_loop3A_660 : i32
      %parallel_loop3A_662 = arith.constant 0 : i32
      %parallel_loop3A_663 = arith.index_cast %parallel_loop3A_662 : i32 to index
      %parallel_loop3A_664 = arith.index_cast %parallel_loop3A_661 : i32 to index
      %parallel_loop3A_665 = tpu.vector_load %arg11[%parallel_loop3A_663, %parallel_loop3A_664] {strides = array<i32>} : memref<2x4096xf32, #tpu.memory_space<vmem>>, vector<16xf32>,
      %parallel_loop3A_666 = vector.bitcast %parallel_loop3A_665 : vector<16xf32> to vector<16xi32>
      %parallel_loop3A_667 = arith.constant 32 : i32
      %parallel_loop3A_668 = arith.muli %parallel_loop3A_659, %parallel_loop3A_667 : i32
      %parallel_loop3A_669 = arith.constant 16 : i32
      %parallel_loop3A_670 = arith.addi %parallel_loop3A_668, %parallel_loop3A_669 : i32
      %parallel_loop3A_671 = arith.constant 0 : i32
      %parallel_loop3A_672 = arith.index_cast %parallel_loop3A_671 : i32 to index
      %parallel_loop3A_673 = arith.index_cast %parallel_loop3A_670 : i32 to index
      %parallel_loop3A_674 = tpu.vector_load %arg11[%parallel_loop3A_672, %parallel_loop3A_673] {strides = array<i32>} : memref<2x4096xf32, #tpu.memory_space<vmem>>, vector<16xf32>,
      %parallel_loop3A_675 = vector.bitcast %parallel_loop3A_674 : vector<16xf32> to vector<16xi32>
      %parallel_loop3A_676 = vector.broadcast %parallel_loop3A_345 : i32 to vector<16xi32>
      %parallel_loop3A_677 = arith.addi %parallel_loop3A_675, %parallel_loop3A_676 : vector<16xi32>
      %parallel_loop3A_678 = vector.broadcast %parallel_loop3A_346 : i32 to vector<16xi32>
      %parallel_loop3A_679 = arith.andi %parallel_loop3A_677, %parallel_loop3A_678 : vector<16xi32>
      %parallel_loop3A_680 = vector.broadcast %parallel_loop3A_345 : i32 to vector<16xi32>
      %parallel_loop3A_681 = arith.addi %parallel_loop3A_666, %parallel_loop3A_680 : vector<16xi32>
      %parallel_loop3A_682 = arith.constant 16 : i32
      %parallel_loop3A_683 = vector.broadcast %parallel_loop3A_682 : i32 to vector<16xi32>
      %parallel_loop3A_684 = arith.shrui %parallel_loop3A_681, %parallel_loop3A_683 : vector<16xi32>
      %parallel_loop3A_685 = arith.ori %parallel_loop3A_679, %parallel_loop3A_684 : vector<16xi32>
      %parallel_loop3A_686 = arith.constant 16 : i32
      %parallel_loop3A_687 = arith.muli %parallel_loop3A_659, %parallel_loop3A_686 : i32
      %parallel_loop3A_688 = arith.addi %mul3A_341, %parallel_loop3A_687 : i32
      %parallel_loop3A_689 = arith.index_cast %parallel_loop3A_688 : i32 to index
      %parallel_loop3A_690 = tpu.vector_load %arg7[%parallel_loop3A_689] {strides = array<i32>} : memref<32768xi32, #tpu.memory_space<vmem>>, vector<16xi32>,
      tpu.vector_store %arg7[%parallel_loop3A_689], %parallel_loop3A_685 {strides = array<i32>} : memref<32768xi32, #tpu.memory_space<vmem>>, vector<16xi32>,
    } {sc.loop_unroll_factor = 8 : i64, sc.parallel_access}
    %add3A_347 = arith.constant 10 : i32
    %add3A_348 = arith.addi %add3A_347, %add3A : i32
    %rem3A_349 = arith.constant 16 : i32
    %rem3A_350 = arith.remsi %add3A_348, %rem3A_349 : i32
    %mul3A_351 = arith.constant 4096 : i32
    %mul3A_352 = arith.muli %rem3A_350, %mul3A_351 : i32
    %dma_start3A_353 = arith.constant 0 : i32
    %dma_start3A_354 = arith.constant 0 : i32
    %dma_start3A_355 = tpu.memref_slice %arg11[%dma_start3A_353, %dma_start3A_354] : memref<2x4096xf32, #tpu.memory_space<vmem>> -> memref<1x4096xf32, #tpu.memory_space<vmem>>
    %dma_start3A_356 = tpu.memref_squeeze %dma_start3A_355 : memref<1x4096xf32, #tpu.memory_space<vmem>> -> memref<4096xf32, #tpu.memory_space<vmem>>
    %dma_start3A_357 = tpu.memref_slice %arg2[%mul3A_352] : memref<65536xf32, #tpu.memory_space<hbm>> -> memref<4096xf32, #tpu.memory_space<hbm>>
    %dma_start3A_358 = arith.constant 0 : i32
    %dma_start3A_359 = tpu.memref_slice %arg11[%dma_start3A_353, %dma_start3A_358] : memref<2x4096xf32, #tpu.memory_space<vmem>> -> memref<1x4096xf32, #tpu.memory_space<vmem>>
    %dma_start3A_360 = tpu.memref_squeeze %dma_start3A_359 : memref<1x4096xf32, #tpu.memory_space<vmem>> -> memref<4096xf32, #tpu.memory_space<vmem>>
    %dma_start3A_361 = tpu.memref_slice %arg2[%mul3A_352] : memref<65536xf32, #tpu.memory_space<hbm>> -> memref<4096xf32, #tpu.memory_space<hbm>>
    tpu.enqueue_dma source(%dma_start3A_361 : memref<4096xf32, #tpu.memory_space<hbm>>) target(%dma_start3A_360 : memref<4096xf32, #tpu.memory_space<vmem>>) target_semaphore(%arg14 : memref<!tpu.dma_semaphore, #tpu.memory_space<semaphore_mem>>)
    %add3A_362 = arith.constant 9 : i32
    %add3A_363 = arith.addi %add3A_362, %add3A : i32
    %rem3A_364 = arith.constant 16 : i32
    %rem3A_365 = arith.remsi %add3A_363, %rem3A_364 : i32
    %mul3A_366 = arith.constant 4096 : i32
    %mul3A_367 = arith.muli %rem3A_365, %mul3A_366 : i32
    %dma_wait3A_368 = arith.constant 1 : i32
    %dma_wait3A_369 = arith.constant 0 : i32
    %dma_wait3A_370 = tpu.memref_slice %arg11[%dma_wait3A_368, %dma_wait3A_369] : memref<2x4096xf32, #tpu.memory_space<vmem>> -> memref<1x4096xf32, #tpu.memory_space<vmem>>
    %dma_wait3A_371 = tpu.memref_squeeze %dma_wait3A_370 : memref<1x4096xf32, #tpu.memory_space<vmem>> -> memref<4096xf32, #tpu.memory_space<vmem>>
    %dma_wait3A_372 = tpu.memref_slice %arg2[%mul3A_367] : memref<65536xf32, #tpu.memory_space<hbm>> -> memref<4096xf32, #tpu.memory_space<hbm>>
    %dma_wait3A_373 = arith.constant 0 : i32
    %dma_wait3A_374 = tpu.memref_slice %arg11[%dma_wait3A_368, %dma_wait3A_373] : memref<2x4096xf32, #tpu.memory_space<vmem>> -> memref<1x4096xf32, #tpu.memory_space<vmem>>
    %dma_wait3A_375 = tpu.memref_squeeze %dma_wait3A_374 : memref<1x4096xf32, #tpu.memory_space<vmem>> -> memref<4096xf32, #tpu.memory_space<vmem>>
    %dma_wait3A_376 = tpu.memref_slice %arg2[%mul3A_367] : memref<65536xf32, #tpu.memory_space<hbm>> -> memref<4096xf32, #tpu.memory_space<hbm>>
    tpu.wait_dma2 semaphore(%arg15 : memref<!tpu.dma_semaphore, #tpu.memory_space<semaphore_mem>>) src(%dma_wait3A_376 : memref<4096xf32, #tpu.memory_space<hbm>>) dst(%dma_wait3A_375 : memref<4096xf32, #tpu.memory_space<vmem>>)
    %mul3A_377 = arith.constant 2048 : i32
    %mul3A_378 = arith.muli %rem3A_365, %mul3A_377 : i32
    %parallel_loop3A_379 = arith.constant 0 : i32
    %parallel_loop3A_380 = arith.constant 128 : i32
    %parallel_loop3A_381 = arith.constant 1 : i32
    %parallel_loop3A_382 = arith.constant 32768 : i32
    %parallel_loop3A_383 = arith.constant -65536 : i32
    scf.for %parallel_loop3A_659 = %parallel_loop3A_379 to %parallel_loop3A_380 step %parallel_loop3A_381  : i32 {
      %parallel_loop3A_660 = arith.constant 32 : i32
      %parallel_loop3A_661 = arith.muli %parallel_loop3A_659, %parallel_loop3A_660 : i32
      %parallel_loop3A_662 = arith.constant 1 : i32
      %parallel_loop3A_663 = arith.index_cast %parallel_loop3A_662 : i32 to index
      %parallel_loop3A_664 = arith.index_cast %parallel_loop3A_661 : i32 to index
      %parallel_loop3A_665 = tpu.vector_load %arg11[%parallel_loop3A_663, %parallel_loop3A_664] {strides = array<i32>} : memref<2x4096xf32, #tpu.memory_space<vmem>>, vector<16xf32>,
      %parallel_loop3A_666 = vector.bitcast %parallel_loop3A_665 : vector<16xf32> to vector<16xi32>
      %parallel_loop3A_667 = arith.constant 32 : i32
      %parallel_loop3A_668 = arith.muli %parallel_loop3A_659, %parallel_loop3A_667 : i32
      %parallel_loop3A_669 = arith.constant 16 : i32
      %parallel_loop3A_670 = arith.addi %parallel_loop3A_668, %parallel_loop3A_669 : i32
      %parallel_loop3A_671 = arith.constant 1 : i32
      %parallel_loop3A_672 = arith.index_cast %parallel_loop3A_671 : i32 to index
      %parallel_loop3A_673 = arith.index_cast %parallel_loop3A_670 : i32 to index
      %parallel_loop3A_674 = tpu.vector_load %arg11[%parallel_loop3A_672, %parallel_loop3A_673] {strides = array<i32>} : memref<2x4096xf32, #tpu.memory_space<vmem>>, vector<16xf32>,
      %parallel_loop3A_675 = vector.bitcast %parallel_loop3A_674 : vector<16xf32> to vector<16xi32>
      %parallel_loop3A_676 = vector.broadcast %parallel_loop3A_382 : i32 to vector<16xi32>
      %parallel_loop3A_677 = arith.addi %parallel_loop3A_675, %parallel_loop3A_676 : vector<16xi32>
      %parallel_loop3A_678 = vector.broadcast %parallel_loop3A_383 : i32 to vector<16xi32>
      %parallel_loop3A_679 = arith.andi %parallel_loop3A_677, %parallel_loop3A_678 : vector<16xi32>
      %parallel_loop3A_680 = vector.broadcast %parallel_loop3A_382 : i32 to vector<16xi32>
      %parallel_loop3A_681 = arith.addi %parallel_loop3A_666, %parallel_loop3A_680 : vector<16xi32>
      %parallel_loop3A_682 = arith.constant 16 : i32
      %parallel_loop3A_683 = vector.broadcast %parallel_loop3A_682 : i32 to vector<16xi32>
      %parallel_loop3A_684 = arith.shrui %parallel_loop3A_681, %parallel_loop3A_683 : vector<16xi32>
      %parallel_loop3A_685 = arith.ori %parallel_loop3A_679, %parallel_loop3A_684 : vector<16xi32>
      %parallel_loop3A_686 = arith.constant 16 : i32
      %parallel_loop3A_687 = arith.muli %parallel_loop3A_659, %parallel_loop3A_686 : i32
      %parallel_loop3A_688 = arith.addi %mul3A_378, %parallel_loop3A_687 : i32
      %parallel_loop3A_689 = arith.index_cast %parallel_loop3A_688 : i32 to index
      %parallel_loop3A_690 = tpu.vector_load %arg7[%parallel_loop3A_689] {strides = array<i32>} : memref<32768xi32, #tpu.memory_space<vmem>>, vector<16xi32>,
      tpu.vector_store %arg7[%parallel_loop3A_689], %parallel_loop3A_685 {strides = array<i32>} : memref<32768xi32, #tpu.memory_space<vmem>>, vector<16xi32>,
    } {sc.loop_unroll_factor = 8 : i64, sc.parallel_access}
    %add3A_384 = arith.constant 11 : i32
    %add3A_385 = arith.addi %add3A_384, %add3A : i32
    %rem3A_386 = arith.constant 16 : i32
    %rem3A_387 = arith.remsi %add3A_385, %rem3A_386 : i32
    %mul3A_388 = arith.constant 4096 : i32
    %mul3A_389 = arith.muli %rem3A_387, %mul3A_388 : i32
    %dma_start3A_390 = arith.constant 1 : i32
    %dma_start3A_391 = arith.constant 0 : i32
    %dma_start3A_392 = tpu.memref_slice %arg11[%dma_start3A_390, %dma_start3A_391] : memref<2x4096xf32, #tpu.memory_space<vmem>> -> memref<1x4096xf32, #tpu.memory_space<vmem>>
    %dma_start3A_393 = tpu.memref_squeeze %dma_start3A_392 : memref<1x4096xf32, #tpu.memory_space<vmem>> -> memref<4096xf32, #tpu.memory_space<vmem>>
    %dma_start3A_394 = tpu.memref_slice %arg2[%mul3A_389] : memref<65536xf32, #tpu.memory_space<hbm>> -> memref<4096xf32, #tpu.memory_space<hbm>>
    %dma_start3A_395 = arith.constant 0 : i32
    %dma_start3A_396 = tpu.memref_slice %arg11[%dma_start3A_390, %dma_start3A_395] : memref<2x4096xf32, #tpu.memory_space<vmem>> -> memref<1x4096xf32, #tpu.memory_space<vmem>>
    %dma_start3A_397 = tpu.memref_squeeze %dma_start3A_396 : memref<1x4096xf32, #tpu.memory_space<vmem>> -> memref<4096xf32, #tpu.memory_space<vmem>>
    %dma_start3A_398 = tpu.memref_slice %arg2[%mul3A_389] : memref<65536xf32, #tpu.memory_space<hbm>> -> memref<4096xf32, #tpu.memory_space<hbm>>
    tpu.enqueue_dma source(%dma_start3A_398 : memref<4096xf32, #tpu.memory_space<hbm>>) target(%dma_start3A_397 : memref<4096xf32, #tpu.memory_space<vmem>>) target_semaphore(%arg15 : memref<!tpu.dma_semaphore, #tpu.memory_space<semaphore_mem>>)
    %add3A_399 = arith.constant 10 : i32
    %add3A_400 = arith.addi %add3A_399, %add3A : i32
    %rem3A_401 = arith.constant 16 : i32
    %rem3A_402 = arith.remsi %add3A_400, %rem3A_401 : i32
    %mul3A_403 = arith.constant 4096 : i32
    %mul3A_404 = arith.muli %rem3A_402, %mul3A_403 : i32
    %dma_wait3A_405 = arith.constant 0 : i32
    %dma_wait3A_406 = arith.constant 0 : i32
    %dma_wait3A_407 = tpu.memref_slice %arg11[%dma_wait3A_405, %dma_wait3A_406] : memref<2x4096xf32, #tpu.memory_space<vmem>> -> memref<1x4096xf32, #tpu.memory_space<vmem>>
    %dma_wait3A_408 = tpu.memref_squeeze %dma_wait3A_407 : memref<1x4096xf32, #tpu.memory_space<vmem>> -> memref<4096xf32, #tpu.memory_space<vmem>>
    %dma_wait3A_409 = tpu.memref_slice %arg2[%mul3A_404] : memref<65536xf32, #tpu.memory_space<hbm>> -> memref<4096xf32, #tpu.memory_space<hbm>>
    %dma_wait3A_410 = arith.constant 0 : i32
    %dma_wait3A_411 = tpu.memref_slice %arg11[%dma_wait3A_405, %dma_wait3A_410] : memref<2x4096xf32, #tpu.memory_space<vmem>> -> memref<1x4096xf32, #tpu.memory_space<vmem>>
    %dma_wait3A_412 = tpu.memref_squeeze %dma_wait3A_411 : memref<1x4096xf32, #tpu.memory_space<vmem>> -> memref<4096xf32, #tpu.memory_space<vmem>>
    %dma_wait3A_413 = tpu.memref_slice %arg2[%mul3A_404] : memref<65536xf32, #tpu.memory_space<hbm>> -> memref<4096xf32, #tpu.memory_space<hbm>>
    tpu.wait_dma2 semaphore(%arg14 : memref<!tpu.dma_semaphore, #tpu.memory_space<semaphore_mem>>) src(%dma_wait3A_413 : memref<4096xf32, #tpu.memory_space<hbm>>) dst(%dma_wait3A_412 : memref<4096xf32, #tpu.memory_space<vmem>>)
    %mul3A_414 = arith.constant 2048 : i32
    %mul3A_415 = arith.muli %rem3A_402, %mul3A_414 : i32
    %parallel_loop3A_416 = arith.constant 0 : i32
    %parallel_loop3A_417 = arith.constant 128 : i32
    %parallel_loop3A_418 = arith.constant 1 : i32
    %parallel_loop3A_419 = arith.constant 32768 : i32
    %parallel_loop3A_420 = arith.constant -65536 : i32
    scf.for %parallel_loop3A_659 = %parallel_loop3A_416 to %parallel_loop3A_417 step %parallel_loop3A_418  : i32 {
      %parallel_loop3A_660 = arith.constant 32 : i32
      %parallel_loop3A_661 = arith.muli %parallel_loop3A_659, %parallel_loop3A_660 : i32
      %parallel_loop3A_662 = arith.constant 0 : i32
      %parallel_loop3A_663 = arith.index_cast %parallel_loop3A_662 : i32 to index
      %parallel_loop3A_664 = arith.index_cast %parallel_loop3A_661 : i32 to index
      %parallel_loop3A_665 = tpu.vector_load %arg11[%parallel_loop3A_663, %parallel_loop3A_664] {strides = array<i32>} : memref<2x4096xf32, #tpu.memory_space<vmem>>, vector<16xf32>,
      %parallel_loop3A_666 = vector.bitcast %parallel_loop3A_665 : vector<16xf32> to vector<16xi32>
      %parallel_loop3A_667 = arith.constant 32 : i32
      %parallel_loop3A_668 = arith.muli %parallel_loop3A_659, %parallel_loop3A_667 : i32
      %parallel_loop3A_669 = arith.constant 16 : i32
      %parallel_loop3A_670 = arith.addi %parallel_loop3A_668, %parallel_loop3A_669 : i32
      %parallel_loop3A_671 = arith.constant 0 : i32
      %parallel_loop3A_672 = arith.index_cast %parallel_loop3A_671 : i32 to index
      %parallel_loop3A_673 = arith.index_cast %parallel_loop3A_670 : i32 to index
      %parallel_loop3A_674 = tpu.vector_load %arg11[%parallel_loop3A_672, %parallel_loop3A_673] {strides = array<i32>} : memref<2x4096xf32, #tpu.memory_space<vmem>>, vector<16xf32>,
      %parallel_loop3A_675 = vector.bitcast %parallel_loop3A_674 : vector<16xf32> to vector<16xi32>
      %parallel_loop3A_676 = vector.broadcast %parallel_loop3A_419 : i32 to vector<16xi32>
      %parallel_loop3A_677 = arith.addi %parallel_loop3A_675, %parallel_loop3A_676 : vector<16xi32>
      %parallel_loop3A_678 = vector.broadcast %parallel_loop3A_420 : i32 to vector<16xi32>
      %parallel_loop3A_679 = arith.andi %parallel_loop3A_677, %parallel_loop3A_678 : vector<16xi32>
      %parallel_loop3A_680 = vector.broadcast %parallel_loop3A_419 : i32 to vector<16xi32>
      %parallel_loop3A_681 = arith.addi %parallel_loop3A_666, %parallel_loop3A_680 : vector<16xi32>
      %parallel_loop3A_682 = arith.constant 16 : i32
      %parallel_loop3A_683 = vector.broadcast %parallel_loop3A_682 : i32 to vector<16xi32>
      %parallel_loop3A_684 = arith.shrui %parallel_loop3A_681, %parallel_loop3A_683 : vector<16xi32>
      %parallel_loop3A_685 = arith.ori %parallel_loop3A_679, %parallel_loop3A_684 : vector<16xi32>
      %parallel_loop3A_686 = arith.constant 16 : i32
      %parallel_loop3A_687 = arith.muli %parallel_loop3A_659, %parallel_loop3A_686 : i32
      %parallel_loop3A_688 = arith.addi %mul3A_415, %parallel_loop3A_687 : i32
      %parallel_loop3A_689 = arith.index_cast %parallel_loop3A_688 : i32 to index
      %parallel_loop3A_690 = tpu.vector_load %arg7[%parallel_loop3A_689] {strides = array<i32>} : memref<32768xi32, #tpu.memory_space<vmem>>, vector<16xi32>,
      tpu.vector_store %arg7[%parallel_loop3A_689], %parallel_loop3A_685 {strides = array<i32>} : memref<32768xi32, #tpu.memory_space<vmem>>, vector<16xi32>,
    } {sc.loop_unroll_factor = 8 : i64, sc.parallel_access}
    %add3A_421 = arith.constant 12 : i32
    %add3A_422 = arith.addi %add3A_421, %add3A : i32
    %rem3A_423 = arith.constant 16 : i32
    %rem3A_424 = arith.remsi %add3A_422, %rem3A_423 : i32
    %mul3A_425 = arith.constant 4096 : i32
    %mul3A_426 = arith.muli %rem3A_424, %mul3A_425 : i32
    %dma_start3A_427 = arith.constant 0 : i32
    %dma_start3A_428 = arith.constant 0 : i32
    %dma_start3A_429 = tpu.memref_slice %arg11[%dma_start3A_427, %dma_start3A_428] : memref<2x4096xf32, #tpu.memory_space<vmem>> -> memref<1x4096xf32, #tpu.memory_space<vmem>>
    %dma_start3A_430 = tpu.memref_squeeze %dma_start3A_429 : memref<1x4096xf32, #tpu.memory_space<vmem>> -> memref<4096xf32, #tpu.memory_space<vmem>>
    %dma_start3A_431 = tpu.memref_slice %arg2[%mul3A_426] : memref<65536xf32, #tpu.memory_space<hbm>> -> memref<4096xf32, #tpu.memory_space<hbm>>
    %dma_start3A_432 = arith.constant 0 : i32
    %dma_start3A_433 = tpu.memref_slice %arg11[%dma_start3A_427, %dma_start3A_432] : memref<2x4096xf32, #tpu.memory_space<vmem>> -> memref<1x4096xf32, #tpu.memory_space<vmem>>
    %dma_start3A_434 = tpu.memref_squeeze %dma_start3A_433 : memref<1x4096xf32, #tpu.memory_space<vmem>> -> memref<4096xf32, #tpu.memory_space<vmem>>
    %dma_start3A_435 = tpu.memref_slice %arg2[%mul3A_426] : memref<65536xf32, #tpu.memory_space<hbm>> -> memref<4096xf32, #tpu.memory_space<hbm>>
    tpu.enqueue_dma source(%dma_start3A_435 : memref<4096xf32, #tpu.memory_space<hbm>>) target(%dma_start3A_434 : memref<4096xf32, #tpu.memory_space<vmem>>) target_semaphore(%arg14 : memref<!tpu.dma_semaphore, #tpu.memory_space<semaphore_mem>>)
    %add3A_436 = arith.constant 11 : i32
    %add3A_437 = arith.addi %add3A_436, %add3A : i32
    %rem3A_438 = arith.constant 16 : i32
    %rem3A_439 = arith.remsi %add3A_437, %rem3A_438 : i32
    %mul3A_440 = arith.constant 4096 : i32
    %mul3A_441 = arith.muli %rem3A_439, %mul3A_440 : i32
    %dma_wait3A_442 = arith.constant 1 : i32
    %dma_wait3A_443 = arith.constant 0 : i32
    %dma_wait3A_444 = tpu.memref_slice %arg11[%dma_wait3A_442, %dma_wait3A_443] : memref<2x4096xf32, #tpu.memory_space<vmem>> -> memref<1x4096xf32, #tpu.memory_space<vmem>>
    %dma_wait3A_445 = tpu.memref_squeeze %dma_wait3A_444 : memref<1x4096xf32, #tpu.memory_space<vmem>> -> memref<4096xf32, #tpu.memory_space<vmem>>
    %dma_wait3A_446 = tpu.memref_slice %arg2[%mul3A_441] : memref<65536xf32, #tpu.memory_space<hbm>> -> memref<4096xf32, #tpu.memory_space<hbm>>
    %dma_wait3A_447 = arith.constant 0 : i32
    %dma_wait3A_448 = tpu.memref_slice %arg11[%dma_wait3A_442, %dma_wait3A_447] : memref<2x4096xf32, #tpu.memory_space<vmem>> -> memref<1x4096xf32, #tpu.memory_space<vmem>>
    %dma_wait3A_449 = tpu.memref_squeeze %dma_wait3A_448 : memref<1x4096xf32, #tpu.memory_space<vmem>> -> memref<4096xf32, #tpu.memory_space<vmem>>
    %dma_wait3A_450 = tpu.memref_slice %arg2[%mul3A_441] : memref<65536xf32, #tpu.memory_space<hbm>> -> memref<4096xf32, #tpu.memory_space<hbm>>
    tpu.wait_dma2 semaphore(%arg15 : memref<!tpu.dma_semaphore, #tpu.memory_space<semaphore_mem>>) src(%dma_wait3A_450 : memref<4096xf32, #tpu.memory_space<hbm>>) dst(%dma_wait3A_449 : memref<4096xf32, #tpu.memory_space<vmem>>)
    %mul3A_451 = arith.constant 2048 : i32
    %mul3A_452 = arith.muli %rem3A_439, %mul3A_451 : i32
    %parallel_loop3A_453 = arith.constant 0 : i32
    %parallel_loop3A_454 = arith.constant 128 : i32
    %parallel_loop3A_455 = arith.constant 1 : i32
    %parallel_loop3A_456 = arith.constant 32768 : i32
    %parallel_loop3A_457 = arith.constant -65536 : i32
    scf.for %parallel_loop3A_659 = %parallel_loop3A_453 to %parallel_loop3A_454 step %parallel_loop3A_455  : i32 {
      %parallel_loop3A_660 = arith.constant 32 : i32
      %parallel_loop3A_661 = arith.muli %parallel_loop3A_659, %parallel_loop3A_660 : i32
      %parallel_loop3A_662 = arith.constant 1 : i32
      %parallel_loop3A_663 = arith.index_cast %parallel_loop3A_662 : i32 to index
      %parallel_loop3A_664 = arith.index_cast %parallel_loop3A_661 : i32 to index
      %parallel_loop3A_665 = tpu.vector_load %arg11[%parallel_loop3A_663, %parallel_loop3A_664] {strides = array<i32>} : memref<2x4096xf32, #tpu.memory_space<vmem>>, vector<16xf32>,
      %parallel_loop3A_666 = vector.bitcast %parallel_loop3A_665 : vector<16xf32> to vector<16xi32>
      %parallel_loop3A_667 = arith.constant 32 : i32
      %parallel_loop3A_668 = arith.muli %parallel_loop3A_659, %parallel_loop3A_667 : i32
      %parallel_loop3A_669 = arith.constant 16 : i32
      %parallel_loop3A_670 = arith.addi %parallel_loop3A_668, %parallel_loop3A_669 : i32
      %parallel_loop3A_671 = arith.constant 1 : i32
      %parallel_loop3A_672 = arith.index_cast %parallel_loop3A_671 : i32 to index
      %parallel_loop3A_673 = arith.index_cast %parallel_loop3A_670 : i32 to index
      %parallel_loop3A_674 = tpu.vector_load %arg11[%parallel_loop3A_672, %parallel_loop3A_673] {strides = array<i32>} : memref<2x4096xf32, #tpu.memory_space<vmem>>, vector<16xf32>,
      %parallel_loop3A_675 = vector.bitcast %parallel_loop3A_674 : vector<16xf32> to vector<16xi32>
      %parallel_loop3A_676 = vector.broadcast %parallel_loop3A_456 : i32 to vector<16xi32>
      %parallel_loop3A_677 = arith.addi %parallel_loop3A_675, %parallel_loop3A_676 : vector<16xi32>
      %parallel_loop3A_678 = vector.broadcast %parallel_loop3A_457 : i32 to vector<16xi32>
      %parallel_loop3A_679 = arith.andi %parallel_loop3A_677, %parallel_loop3A_678 : vector<16xi32>
      %parallel_loop3A_680 = vector.broadcast %parallel_loop3A_456 : i32 to vector<16xi32>
      %parallel_loop3A_681 = arith.addi %parallel_loop3A_666, %parallel_loop3A_680 : vector<16xi32>
      %parallel_loop3A_682 = arith.constant 16 : i32
      %parallel_loop3A_683 = vector.broadcast %parallel_loop3A_682 : i32 to vector<16xi32>
      %parallel_loop3A_684 = arith.shrui %parallel_loop3A_681, %parallel_loop3A_683 : vector<16xi32>
      %parallel_loop3A_685 = arith.ori %parallel_loop3A_679, %parallel_loop3A_684 : vector<16xi32>
      %parallel_loop3A_686 = arith.constant 16 : i32
      %parallel_loop3A_687 = arith.muli %parallel_loop3A_659, %parallel_loop3A_686 : i32
      %parallel_loop3A_688 = arith.addi %mul3A_452, %parallel_loop3A_687 : i32
      %parallel_loop3A_689 = arith.index_cast %parallel_loop3A_688 : i32 to index
      %parallel_loop3A_690 = tpu.vector_load %arg7[%parallel_loop3A_689] {strides = array<i32>} : memref<32768xi32, #tpu.memory_space<vmem>>, vector<16xi32>,
      tpu.vector_store %arg7[%parallel_loop3A_689], %parallel_loop3A_685 {strides = array<i32>} : memref<32768xi32, #tpu.memory_space<vmem>>, vector<16xi32>,
    } {sc.loop_unroll_factor = 8 : i64, sc.parallel_access}
    %add3A_458 = arith.constant 13 : i32
    %add3A_459 = arith.addi %add3A_458, %add3A : i32
    %rem3A_460 = arith.constant 16 : i32
    %rem3A_461 = arith.remsi %add3A_459, %rem3A_460 : i32
    %mul3A_462 = arith.constant 4096 : i32
    %mul3A_463 = arith.muli %rem3A_461, %mul3A_462 : i32
    %dma_start3A_464 = arith.constant 1 : i32
    %dma_start3A_465 = arith.constant 0 : i32
    %dma_start3A_466 = tpu.memref_slice %arg11[%dma_start3A_464, %dma_start3A_465] : memref<2x4096xf32, #tpu.memory_space<vmem>> -> memref<1x4096xf32, #tpu.memory_space<vmem>>
    %dma_start3A_467 = tpu.memref_squeeze %dma_start3A_466 : memref<1x4096xf32, #tpu.memory_space<vmem>> -> memref<4096xf32, #tpu.memory_space<vmem>>
    %dma_start3A_468 = tpu.memref_slice %arg2[%mul3A_463] : memref<65536xf32, #tpu.memory_space<hbm>> -> memref<4096xf32, #tpu.memory_space<hbm>>
    %dma_start3A_469 = arith.constant 0 : i32
    %dma_start3A_470 = tpu.memref_slice %arg11[%dma_start3A_464, %dma_start3A_469] : memref<2x4096xf32, #tpu.memory_space<vmem>> -> memref<1x4096xf32, #tpu.memory_space<vmem>>
    %dma_start3A_471 = tpu.memref_squeeze %dma_start3A_470 : memref<1x4096xf32, #tpu.memory_space<vmem>> -> memref<4096xf32, #tpu.memory_space<vmem>>
    %dma_start3A_472 = tpu.memref_slice %arg2[%mul3A_463] : memref<65536xf32, #tpu.memory_space<hbm>> -> memref<4096xf32, #tpu.memory_space<hbm>>
    tpu.enqueue_dma source(%dma_start3A_472 : memref<4096xf32, #tpu.memory_space<hbm>>) target(%dma_start3A_471 : memref<4096xf32, #tpu.memory_space<vmem>>) target_semaphore(%arg15 : memref<!tpu.dma_semaphore, #tpu.memory_space<semaphore_mem>>)
    %add3A_473 = arith.constant 12 : i32
    %add3A_474 = arith.addi %add3A_473, %add3A : i32
    %rem3A_475 = arith.constant 16 : i32
    %rem3A_476 = arith.remsi %add3A_474, %rem3A_475 : i32
    %mul3A_477 = arith.constant 4096 : i32
    %mul3A_478 = arith.muli %rem3A_476, %mul3A_477 : i32
    %dma_wait3A_479 = arith.constant 0 : i32
    %dma_wait3A_480 = arith.constant 0 : i32
    %dma_wait3A_481 = tpu.memref_slice %arg11[%dma_wait3A_479, %dma_wait3A_480] : memref<2x4096xf32, #tpu.memory_space<vmem>> -> memref<1x4096xf32, #tpu.memory_space<vmem>>
    %dma_wait3A_482 = tpu.memref_squeeze %dma_wait3A_481 : memref<1x4096xf32, #tpu.memory_space<vmem>> -> memref<4096xf32, #tpu.memory_space<vmem>>
    %dma_wait3A_483 = tpu.memref_slice %arg2[%mul3A_478] : memref<65536xf32, #tpu.memory_space<hbm>> -> memref<4096xf32, #tpu.memory_space<hbm>>
    %dma_wait3A_484 = arith.constant 0 : i32
    %dma_wait3A_485 = tpu.memref_slice %arg11[%dma_wait3A_479, %dma_wait3A_484] : memref<2x4096xf32, #tpu.memory_space<vmem>> -> memref<1x4096xf32, #tpu.memory_space<vmem>>
    %dma_wait3A_486 = tpu.memref_squeeze %dma_wait3A_485 : memref<1x4096xf32, #tpu.memory_space<vmem>> -> memref<4096xf32, #tpu.memory_space<vmem>>
    %dma_wait3A_487 = tpu.memref_slice %arg2[%mul3A_478] : memref<65536xf32, #tpu.memory_space<hbm>> -> memref<4096xf32, #tpu.memory_space<hbm>>
    tpu.wait_dma2 semaphore(%arg14 : memref<!tpu.dma_semaphore, #tpu.memory_space<semaphore_mem>>) src(%dma_wait3A_487 : memref<4096xf32, #tpu.memory_space<hbm>>) dst(%dma_wait3A_486 : memref<4096xf32, #tpu.memory_space<vmem>>)
    %mul3A_488 = arith.constant 2048 : i32
    %mul3A_489 = arith.muli %rem3A_476, %mul3A_488 : i32
    %parallel_loop3A_490 = arith.constant 0 : i32
    %parallel_loop3A_491 = arith.constant 128 : i32
    %parallel_loop3A_492 = arith.constant 1 : i32
    %parallel_loop3A_493 = arith.constant 32768 : i32
    %parallel_loop3A_494 = arith.constant -65536 : i32
    scf.for %parallel_loop3A_659 = %parallel_loop3A_490 to %parallel_loop3A_491 step %parallel_loop3A_492  : i32 {
      %parallel_loop3A_660 = arith.constant 32 : i32
      %parallel_loop3A_661 = arith.muli %parallel_loop3A_659, %parallel_loop3A_660 : i32
      %parallel_loop3A_662 = arith.constant 0 : i32
      %parallel_loop3A_663 = arith.index_cast %parallel_loop3A_662 : i32 to index
      %parallel_loop3A_664 = arith.index_cast %parallel_loop3A_661 : i32 to index
      %parallel_loop3A_665 = tpu.vector_load %arg11[%parallel_loop3A_663, %parallel_loop3A_664] {strides = array<i32>} : memref<2x4096xf32, #tpu.memory_space<vmem>>, vector<16xf32>,
      %parallel_loop3A_666 = vector.bitcast %parallel_loop3A_665 : vector<16xf32> to vector<16xi32>
      %parallel_loop3A_667 = arith.constant 32 : i32
      %parallel_loop3A_668 = arith.muli %parallel_loop3A_659, %parallel_loop3A_667 : i32
      %parallel_loop3A_669 = arith.constant 16 : i32
      %parallel_loop3A_670 = arith.addi %parallel_loop3A_668, %parallel_loop3A_669 : i32
      %parallel_loop3A_671 = arith.constant 0 : i32
      %parallel_loop3A_672 = arith.index_cast %parallel_loop3A_671 : i32 to index
      %parallel_loop3A_673 = arith.index_cast %parallel_loop3A_670 : i32 to index
      %parallel_loop3A_674 = tpu.vector_load %arg11[%parallel_loop3A_672, %parallel_loop3A_673] {strides = array<i32>} : memref<2x4096xf32, #tpu.memory_space<vmem>>, vector<16xf32>,
      %parallel_loop3A_675 = vector.bitcast %parallel_loop3A_674 : vector<16xf32> to vector<16xi32>
      %parallel_loop3A_676 = vector.broadcast %parallel_loop3A_493 : i32 to vector<16xi32>
      %parallel_loop3A_677 = arith.addi %parallel_loop3A_675, %parallel_loop3A_676 : vector<16xi32>
      %parallel_loop3A_678 = vector.broadcast %parallel_loop3A_494 : i32 to vector<16xi32>
      %parallel_loop3A_679 = arith.andi %parallel_loop3A_677, %parallel_loop3A_678 : vector<16xi32>
      %parallel_loop3A_680 = vector.broadcast %parallel_loop3A_493 : i32 to vector<16xi32>
      %parallel_loop3A_681 = arith.addi %parallel_loop3A_666, %parallel_loop3A_680 : vector<16xi32>
      %parallel_loop3A_682 = arith.constant 16 : i32
      %parallel_loop3A_683 = vector.broadcast %parallel_loop3A_682 : i32 to vector<16xi32>
      %parallel_loop3A_684 = arith.shrui %parallel_loop3A_681, %parallel_loop3A_683 : vector<16xi32>
      %parallel_loop3A_685 = arith.ori %parallel_loop3A_679, %parallel_loop3A_684 : vector<16xi32>
      %parallel_loop3A_686 = arith.constant 16 : i32
      %parallel_loop3A_687 = arith.muli %parallel_loop3A_659, %parallel_loop3A_686 : i32
      %parallel_loop3A_688 = arith.addi %mul3A_489, %parallel_loop3A_687 : i32
      %parallel_loop3A_689 = arith.index_cast %parallel_loop3A_688 : i32 to index
      %parallel_loop3A_690 = tpu.vector_load %arg7[%parallel_loop3A_689] {strides = array<i32>} : memref<32768xi32, #tpu.memory_space<vmem>>, vector<16xi32>,
      tpu.vector_store %arg7[%parallel_loop3A_689], %parallel_loop3A_685 {strides = array<i32>} : memref<32768xi32, #tpu.memory_space<vmem>>, vector<16xi32>,
    } {sc.loop_unroll_factor = 8 : i64, sc.parallel_access}
    %add3A_495 = arith.constant 14 : i32
    %add3A_496 = arith.addi %add3A_495, %add3A : i32
    %rem3A_497 = arith.constant 16 : i32
    %rem3A_498 = arith.remsi %add3A_496, %rem3A_497 : i32
    %mul3A_499 = arith.constant 4096 : i32
    %mul3A_500 = arith.muli %rem3A_498, %mul3A_499 : i32
    %dma_start3A_501 = arith.constant 0 : i32
    %dma_start3A_502 = arith.constant 0 : i32
    %dma_start3A_503 = tpu.memref_slice %arg11[%dma_start3A_501, %dma_start3A_502] : memref<2x4096xf32, #tpu.memory_space<vmem>> -> memref<1x4096xf32, #tpu.memory_space<vmem>>
    %dma_start3A_504 = tpu.memref_squeeze %dma_start3A_503 : memref<1x4096xf32, #tpu.memory_space<vmem>> -> memref<4096xf32, #tpu.memory_space<vmem>>
    %dma_start3A_505 = tpu.memref_slice %arg2[%mul3A_500] : memref<65536xf32, #tpu.memory_space<hbm>> -> memref<4096xf32, #tpu.memory_space<hbm>>
    %dma_start3A_506 = arith.constant 0 : i32
    %dma_start3A_507 = tpu.memref_slice %arg11[%dma_start3A_501, %dma_start3A_506] : memref<2x4096xf32, #tpu.memory_space<vmem>> -> memref<1x4096xf32, #tpu.memory_space<vmem>>
    %dma_start3A_508 = tpu.memref_squeeze %dma_start3A_507 : memref<1x4096xf32, #tpu.memory_space<vmem>> -> memref<4096xf32, #tpu.memory_space<vmem>>
    %dma_start3A_509 = tpu.memref_slice %arg2[%mul3A_500] : memref<65536xf32, #tpu.memory_space<hbm>> -> memref<4096xf32, #tpu.memory_space<hbm>>
    tpu.enqueue_dma source(%dma_start3A_509 : memref<4096xf32, #tpu.memory_space<hbm>>) target(%dma_start3A_508 : memref<4096xf32, #tpu.memory_space<vmem>>) target_semaphore(%arg14 : memref<!tpu.dma_semaphore, #tpu.memory_space<semaphore_mem>>)
    %add3A_510 = arith.constant 13 : i32
    %add3A_511 = arith.addi %add3A_510, %add3A : i32
    %rem3A_512 = arith.constant 16 : i32
    %rem3A_513 = arith.remsi %add3A_511, %rem3A_512 : i32
    %mul3A_514 = arith.constant 4096 : i32
    %mul3A_515 = arith.muli %rem3A_513, %mul3A_514 : i32
    %dma_wait3A_516 = arith.constant 1 : i32
    %dma_wait3A_517 = arith.constant 0 : i32
    %dma_wait3A_518 = tpu.memref_slice %arg11[%dma_wait3A_516, %dma_wait3A_517] : memref<2x4096xf32, #tpu.memory_space<vmem>> -> memref<1x4096xf32, #tpu.memory_space<vmem>>
    %dma_wait3A_519 = tpu.memref_squeeze %dma_wait3A_518 : memref<1x4096xf32, #tpu.memory_space<vmem>> -> memref<4096xf32, #tpu.memory_space<vmem>>
    %dma_wait3A_520 = tpu.memref_slice %arg2[%mul3A_515] : memref<65536xf32, #tpu.memory_space<hbm>> -> memref<4096xf32, #tpu.memory_space<hbm>>
    %dma_wait3A_521 = arith.constant 0 : i32
    %dma_wait3A_522 = tpu.memref_slice %arg11[%dma_wait3A_516, %dma_wait3A_521] : memref<2x4096xf32, #tpu.memory_space<vmem>> -> memref<1x4096xf32, #tpu.memory_space<vmem>>
    %dma_wait3A_523 = tpu.memref_squeeze %dma_wait3A_522 : memref<1x4096xf32, #tpu.memory_space<vmem>> -> memref<4096xf32, #tpu.memory_space<vmem>>
    %dma_wait3A_524 = tpu.memref_slice %arg2[%mul3A_515] : memref<65536xf32, #tpu.memory_space<hbm>> -> memref<4096xf32, #tpu.memory_space<hbm>>
    tpu.wait_dma2 semaphore(%arg15 : memref<!tpu.dma_semaphore, #tpu.memory_space<semaphore_mem>>) src(%dma_wait3A_524 : memref<4096xf32, #tpu.memory_space<hbm>>) dst(%dma_wait3A_523 : memref<4096xf32, #tpu.memory_space<vmem>>)
    %mul3A_525 = arith.constant 2048 : i32
    %mul3A_526 = arith.muli %rem3A_513, %mul3A_525 : i32
    %parallel_loop3A_527 = arith.constant 0 : i32
    %parallel_loop3A_528 = arith.constant 128 : i32
    %parallel_loop3A_529 = arith.constant 1 : i32
    %parallel_loop3A_530 = arith.constant 32768 : i32
    %parallel_loop3A_531 = arith.constant -65536 : i32
    scf.for %parallel_loop3A_659 = %parallel_loop3A_527 to %parallel_loop3A_528 step %parallel_loop3A_529  : i32 {
      %parallel_loop3A_660 = arith.constant 32 : i32
      %parallel_loop3A_661 = arith.muli %parallel_loop3A_659, %parallel_loop3A_660 : i32
      %parallel_loop3A_662 = arith.constant 1 : i32
      %parallel_loop3A_663 = arith.index_cast %parallel_loop3A_662 : i32 to index
      %parallel_loop3A_664 = arith.index_cast %parallel_loop3A_661 : i32 to index
      %parallel_loop3A_665 = tpu.vector_load %arg11[%parallel_loop3A_663, %parallel_loop3A_664] {strides = array<i32>} : memref<2x4096xf32, #tpu.memory_space<vmem>>, vector<16xf32>,
      %parallel_loop3A_666 = vector.bitcast %parallel_loop3A_665 : vector<16xf32> to vector<16xi32>
      %parallel_loop3A_667 = arith.constant 32 : i32
      %parallel_loop3A_668 = arith.muli %parallel_loop3A_659, %parallel_loop3A_667 : i32
      %parallel_loop3A_669 = arith.constant 16 : i32
      %parallel_loop3A_670 = arith.addi %parallel_loop3A_668, %parallel_loop3A_669 : i32
      %parallel_loop3A_671 = arith.constant 1 : i32
      %parallel_loop3A_672 = arith.index_cast %parallel_loop3A_671 : i32 to index
      %parallel_loop3A_673 = arith.index_cast %parallel_loop3A_670 : i32 to index
      %parallel_loop3A_674 = tpu.vector_load %arg11[%parallel_loop3A_672, %parallel_loop3A_673] {strides = array<i32>} : memref<2x4096xf32, #tpu.memory_space<vmem>>, vector<16xf32>,
      %parallel_loop3A_675 = vector.bitcast %parallel_loop3A_674 : vector<16xf32> to vector<16xi32>
      %parallel_loop3A_676 = vector.broadcast %parallel_loop3A_530 : i32 to vector<16xi32>
      %parallel_loop3A_677 = arith.addi %parallel_loop3A_675, %parallel_loop3A_676 : vector<16xi32>
      %parallel_loop3A_678 = vector.broadcast %parallel_loop3A_531 : i32 to vector<16xi32>
      %parallel_loop3A_679 = arith.andi %parallel_loop3A_677, %parallel_loop3A_678 : vector<16xi32>
      %parallel_loop3A_680 = vector.broadcast %parallel_loop3A_530 : i32 to vector<16xi32>
      %parallel_loop3A_681 = arith.addi %parallel_loop3A_666, %parallel_loop3A_680 : vector<16xi32>
      %parallel_loop3A_682 = arith.constant 16 : i32
      %parallel_loop3A_683 = vector.broadcast %parallel_loop3A_682 : i32 to vector<16xi32>
      %parallel_loop3A_684 = arith.shrui %parallel_loop3A_681, %parallel_loop3A_683 : vector<16xi32>
      %parallel_loop3A_685 = arith.ori %parallel_loop3A_679, %parallel_loop3A_684 : vector<16xi32>
      %parallel_loop3A_686 = arith.constant 16 : i32
      %parallel_loop3A_687 = arith.muli %parallel_loop3A_659, %parallel_loop3A_686 : i32
      %parallel_loop3A_688 = arith.addi %mul3A_526, %parallel_loop3A_687 : i32
      %parallel_loop3A_689 = arith.index_cast %parallel_loop3A_688 : i32 to index
      %parallel_loop3A_690 = tpu.vector_load %arg7[%parallel_loop3A_689] {strides = array<i32>} : memref<32768xi32, #tpu.memory_space<vmem>>, vector<16xi32>,
      tpu.vector_store %arg7[%parallel_loop3A_689], %parallel_loop3A_685 {strides = array<i32>} : memref<32768xi32, #tpu.memory_space<vmem>>, vector<16xi32>,
    } {sc.loop_unroll_factor = 8 : i64, sc.parallel_access}
    %add3A_532 = arith.constant 15 : i32
    %add3A_533 = arith.addi %add3A_532, %add3A : i32
    %rem3A_534 = arith.constant 16 : i32
    %rem3A_535 = arith.remsi %add3A_533, %rem3A_534 : i32
    %mul3A_536 = arith.constant 4096 : i32
    %mul3A_537 = arith.muli %rem3A_535, %mul3A_536 : i32
    %dma_start3A_538 = arith.constant 1 : i32
    %dma_start3A_539 = arith.constant 0 : i32
    %dma_start3A_540 = tpu.memref_slice %arg11[%dma_start3A_538, %dma_start3A_539] : memref<2x4096xf32, #tpu.memory_space<vmem>> -> memref<1x4096xf32, #tpu.memory_space<vmem>>
    %dma_start3A_541 = tpu.memref_squeeze %dma_start3A_540 : memref<1x4096xf32, #tpu.memory_space<vmem>> -> memref<4096xf32, #tpu.memory_space<vmem>>
    %dma_start3A_542 = tpu.memref_slice %arg2[%mul3A_537] : memref<65536xf32, #tpu.memory_space<hbm>> -> memref<4096xf32, #tpu.memory_space<hbm>>
    %dma_start3A_543 = arith.constant 0 : i32
    %dma_start3A_544 = tpu.memref_slice %arg11[%dma_start3A_538, %dma_start3A_543] : memref<2x4096xf32, #tpu.memory_space<vmem>> -> memref<1x4096xf32, #tpu.memory_space<vmem>>
    %dma_start3A_545 = tpu.memref_squeeze %dma_start3A_544 : memref<1x4096xf32, #tpu.memory_space<vmem>> -> memref<4096xf32, #tpu.memory_space<vmem>>
    %dma_start3A_546 = tpu.memref_slice %arg2[%mul3A_537] : memref<65536xf32, #tpu.memory_space<hbm>> -> memref<4096xf32, #tpu.memory_space<hbm>>
    tpu.enqueue_dma source(%dma_start3A_546 : memref<4096xf32, #tpu.memory_space<hbm>>) target(%dma_start3A_545 : memref<4096xf32, #tpu.memory_space<vmem>>) target_semaphore(%arg15 : memref<!tpu.dma_semaphore, #tpu.memory_space<semaphore_mem>>)
    %add3A_547 = arith.constant 14 : i32
    %add3A_548 = arith.addi %add3A_547, %add3A : i32
    %rem3A_549 = arith.constant 16 : i32
    %rem3A_550 = arith.remsi %add3A_548, %rem3A_549 : i32
    %mul3A_551 = arith.constant 4096 : i32
    %mul3A_552 = arith.muli %rem3A_550, %mul3A_551 : i32
    %dma_wait3A_553 = arith.constant 0 : i32
    %dma_wait3A_554 = arith.constant 0 : i32
    %dma_wait3A_555 = tpu.memref_slice %arg11[%dma_wait3A_553, %dma_wait3A_554] : memref<2x4096xf32, #tpu.memory_space<vmem>> -> memref<1x4096xf32, #tpu.memory_space<vmem>>
    %dma_wait3A_556 = tpu.memref_squeeze %dma_wait3A_555 : memref<1x4096xf32, #tpu.memory_space<vmem>> -> memref<4096xf32, #tpu.memory_space<vmem>>
    %dma_wait3A_557 = tpu.memref_slice %arg2[%mul3A_552] : memref<65536xf32, #tpu.memory_space<hbm>> -> memref<4096xf32, #tpu.memory_space<hbm>>
    %dma_wait3A_558 = arith.constant 0 : i32
    %dma_wait3A_559 = tpu.memref_slice %arg11[%dma_wait3A_553, %dma_wait3A_558] : memref<2x4096xf32, #tpu.memory_space<vmem>> -> memref<1x4096xf32, #tpu.memory_space<vmem>>
    %dma_wait3A_560 = tpu.memref_squeeze %dma_wait3A_559 : memref<1x4096xf32, #tpu.memory_space<vmem>> -> memref<4096xf32, #tpu.memory_space<vmem>>
    %dma_wait3A_561 = tpu.memref_slice %arg2[%mul3A_552] : memref<65536xf32, #tpu.memory_space<hbm>> -> memref<4096xf32, #tpu.memory_space<hbm>>
    tpu.wait_dma2 semaphore(%arg14 : memref<!tpu.dma_semaphore, #tpu.memory_space<semaphore_mem>>) src(%dma_wait3A_561 : memref<4096xf32, #tpu.memory_space<hbm>>) dst(%dma_wait3A_560 : memref<4096xf32, #tpu.memory_space<vmem>>)
    %mul3A_562 = arith.constant 2048 : i32
    %mul3A_563 = arith.muli %rem3A_550, %mul3A_562 : i32
    %parallel_loop3A_564 = arith.constant 0 : i32
    %parallel_loop3A_565 = arith.constant 128 : i32
    %parallel_loop3A_566 = arith.constant 1 : i32
    %parallel_loop3A_567 = arith.constant 32768 : i32
    %parallel_loop3A_568 = arith.constant -65536 : i32
    scf.for %parallel_loop3A_659 = %parallel_loop3A_564 to %parallel_loop3A_565 step %parallel_loop3A_566  : i32 {
      %parallel_loop3A_660 = arith.constant 32 : i32
      %parallel_loop3A_661 = arith.muli %parallel_loop3A_659, %parallel_loop3A_660 : i32
      %parallel_loop3A_662 = arith.constant 0 : i32
      %parallel_loop3A_663 = arith.index_cast %parallel_loop3A_662 : i32 to index
      %parallel_loop3A_664 = arith.index_cast %parallel_loop3A_661 : i32 to index
      %parallel_loop3A_665 = tpu.vector_load %arg11[%parallel_loop3A_663, %parallel_loop3A_664] {strides = array<i32>} : memref<2x4096xf32, #tpu.memory_space<vmem>>, vector<16xf32>,
      %parallel_loop3A_666 = vector.bitcast %parallel_loop3A_665 : vector<16xf32> to vector<16xi32>
      %parallel_loop3A_667 = arith.constant 32 : i32
      %parallel_loop3A_668 = arith.muli %parallel_loop3A_659, %parallel_loop3A_667 : i32
      %parallel_loop3A_669 = arith.constant 16 : i32
      %parallel_loop3A_670 = arith.addi %parallel_loop3A_668, %parallel_loop3A_669 : i32
      %parallel_loop3A_671 = arith.constant 0 : i32
      %parallel_loop3A_672 = arith.index_cast %parallel_loop3A_671 : i32 to index
      %parallel_loop3A_673 = arith.index_cast %parallel_loop3A_670 : i32 to index
      %parallel_loop3A_674 = tpu.vector_load %arg11[%parallel_loop3A_672, %parallel_loop3A_673] {strides = array<i32>} : memref<2x4096xf32, #tpu.memory_space<vmem>>, vector<16xf32>,
      %parallel_loop3A_675 = vector.bitcast %parallel_loop3A_674 : vector<16xf32> to vector<16xi32>
      %parallel_loop3A_676 = vector.broadcast %parallel_loop3A_567 : i32 to vector<16xi32>
      %parallel_loop3A_677 = arith.addi %parallel_loop3A_675, %parallel_loop3A_676 : vector<16xi32>
      %parallel_loop3A_678 = vector.broadcast %parallel_loop3A_568 : i32 to vector<16xi32>
      %parallel_loop3A_679 = arith.andi %parallel_loop3A_677, %parallel_loop3A_678 : vector<16xi32>
      %parallel_loop3A_680 = vector.broadcast %parallel_loop3A_567 : i32 to vector<16xi32>
      %parallel_loop3A_681 = arith.addi %parallel_loop3A_666, %parallel_loop3A_680 : vector<16xi32>
      %parallel_loop3A_682 = arith.constant 16 : i32
      %parallel_loop3A_683 = vector.broadcast %parallel_loop3A_682 : i32 to vector<16xi32>
      %parallel_loop3A_684 = arith.shrui %parallel_loop3A_681, %parallel_loop3A_683 : vector<16xi32>
      %parallel_loop3A_685 = arith.ori %parallel_loop3A_679, %parallel_loop3A_684 : vector<16xi32>
      %parallel_loop3A_686 = arith.constant 16 : i32
      %parallel_loop3A_687 = arith.muli %parallel_loop3A_659, %parallel_loop3A_686 : i32
      %parallel_loop3A_688 = arith.addi %mul3A_563, %parallel_loop3A_687 : i32
      %parallel_loop3A_689 = arith.index_cast %parallel_loop3A_688 : i32 to index
      %parallel_loop3A_690 = tpu.vector_load %arg7[%parallel_loop3A_689] {strides = array<i32>} : memref<32768xi32, #tpu.memory_space<vmem>>, vector<16xi32>,
      tpu.vector_store %arg7[%parallel_loop3A_689], %parallel_loop3A_685 {strides = array<i32>} : memref<32768xi32, #tpu.memory_space<vmem>>, vector<16xi32>,
    } {sc.loop_unroll_factor = 8 : i64, sc.parallel_access}
    %add3A_569 = arith.constant 15 : i32
    %add3A_570 = arith.addi %add3A_569, %add3A : i32
    %rem3A_571 = arith.constant 16 : i32
    %rem3A_572 = arith.remsi %add3A_570, %rem3A_571 : i32
    %mul3A_573 = arith.constant 4096 : i32
    %mul3A_574 = arith.muli %rem3A_572, %mul3A_573 : i32
    %dma_wait3A_575 = arith.constant 1 : i32
    %dma_wait3A_576 = arith.constant 0 : i32
    %dma_wait3A_577 = tpu.memref_slice %arg11[%dma_wait3A_575, %dma_wait3A_576] : memref<2x4096xf32, #tpu.memory_space<vmem>> -> memref<1x4096xf32, #tpu.memory_space<vmem>>
    %dma_wait3A_578 = tpu.memref_squeeze %dma_wait3A_577 : memref<1x4096xf32, #tpu.memory_space<vmem>> -> memref<4096xf32, #tpu.memory_space<vmem>>
    %dma_wait3A_579 = tpu.memref_slice %arg2[%mul3A_574] : memref<65536xf32, #tpu.memory_space<hbm>> -> memref<4096xf32, #tpu.memory_space<hbm>>
    %dma_wait3A_580 = arith.constant 0 : i32
    %dma_wait3A_581 = tpu.memref_slice %arg11[%dma_wait3A_575, %dma_wait3A_580] : memref<2x4096xf32, #tpu.memory_space<vmem>> -> memref<1x4096xf32, #tpu.memory_space<vmem>>
    %dma_wait3A_582 = tpu.memref_squeeze %dma_wait3A_581 : memref<1x4096xf32, #tpu.memory_space<vmem>> -> memref<4096xf32, #tpu.memory_space<vmem>>
    %dma_wait3A_583 = tpu.memref_slice %arg2[%mul3A_574] : memref<65536xf32, #tpu.memory_space<hbm>> -> memref<4096xf32, #tpu.memory_space<hbm>>
    tpu.wait_dma2 semaphore(%arg15 : memref<!tpu.dma_semaphore, #tpu.memory_space<semaphore_mem>>) src(%dma_wait3A_583 : memref<4096xf32, #tpu.memory_space<hbm>>) dst(%dma_wait3A_582 : memref<4096xf32, #tpu.memory_space<vmem>>)
    %mul3A_584 = arith.constant 2048 : i32
    %mul3A_585 = arith.muli %rem3A_572, %mul3A_584 : i32
    %parallel_loop3A_586 = arith.constant 0 : i32
    %parallel_loop3A_587 = arith.constant 128 : i32
    %parallel_loop3A_588 = arith.constant 1 : i32
    %parallel_loop3A_589 = arith.constant 32768 : i32
    %parallel_loop3A_590 = arith.constant -65536 : i32
    scf.for %parallel_loop3A_659 = %parallel_loop3A_586 to %parallel_loop3A_587 step %parallel_loop3A_588  : i32 {
      %parallel_loop3A_660 = arith.constant 32 : i32
      %parallel_loop3A_661 = arith.muli %parallel_loop3A_659, %parallel_loop3A_660 : i32
      %parallel_loop3A_662 = arith.constant 1 : i32
      %parallel_loop3A_663 = arith.index_cast %parallel_loop3A_662 : i32 to index
      %parallel_loop3A_664 = arith.index_cast %parallel_loop3A_661 : i32 to index
      %parallel_loop3A_665 = tpu.vector_load %arg11[%parallel_loop3A_663, %parallel_loop3A_664] {strides = array<i32>} : memref<2x4096xf32, #tpu.memory_space<vmem>>, vector<16xf32>,
      %parallel_loop3A_666 = vector.bitcast %parallel_loop3A_665 : vector<16xf32> to vector<16xi32>
      %parallel_loop3A_667 = arith.constant 32 : i32
      %parallel_loop3A_668 = arith.muli %parallel_loop3A_659, %parallel_loop3A_667 : i32
      %parallel_loop3A_669 = arith.constant 16 : i32
      %parallel_loop3A_670 = arith.addi %parallel_loop3A_668, %parallel_loop3A_669 : i32
      %parallel_loop3A_671 = arith.constant 1 : i32
      %parallel_loop3A_672 = arith.index_cast %parallel_loop3A_671 : i32 to index
      %parallel_loop3A_673 = arith.index_cast %parallel_loop3A_670 : i32 to index
      %parallel_loop3A_674 = tpu.vector_load %arg11[%parallel_loop3A_672, %parallel_loop3A_673] {strides = array<i32>} : memref<2x4096xf32, #tpu.memory_space<vmem>>, vector<16xf32>,
      %parallel_loop3A_675 = vector.bitcast %parallel_loop3A_674 : vector<16xf32> to vector<16xi32>
      %parallel_loop3A_676 = vector.broadcast %parallel_loop3A_589 : i32 to vector<16xi32>
      %parallel_loop3A_677 = arith.addi %parallel_loop3A_675, %parallel_loop3A_676 : vector<16xi32>
      %parallel_loop3A_678 = vector.broadcast %parallel_loop3A_590 : i32 to vector<16xi32>
      %parallel_loop3A_679 = arith.andi %parallel_loop3A_677, %parallel_loop3A_678 : vector<16xi32>
      %parallel_loop3A_680 = vector.broadcast %parallel_loop3A_589 : i32 to vector<16xi32>
      %parallel_loop3A_681 = arith.addi %parallel_loop3A_666, %parallel_loop3A_680 : vector<16xi32>
      %parallel_loop3A_682 = arith.constant 16 : i32
      %parallel_loop3A_683 = vector.broadcast %parallel_loop3A_682 : i32 to vector<16xi32>
      %parallel_loop3A_684 = arith.shrui %parallel_loop3A_681, %parallel_loop3A_683 : vector<16xi32>
      %parallel_loop3A_685 = arith.ori %parallel_loop3A_679, %parallel_loop3A_684 : vector<16xi32>
      %parallel_loop3A_686 = arith.constant 16 : i32
      %parallel_loop3A_687 = arith.muli %parallel_loop3A_659, %parallel_loop3A_686 : i32
      %parallel_loop3A_688 = arith.addi %mul3A_585, %parallel_loop3A_687 : i32
      %parallel_loop3A_689 = arith.index_cast %parallel_loop3A_688 : i32 to index
      %parallel_loop3A_690 = tpu.vector_load %arg7[%parallel_loop3A_689] {strides = array<i32>} : memref<32768xi32, #tpu.memory_space<vmem>>, vector<16xi32>,
      tpu.vector_store %arg7[%parallel_loop3A_689], %parallel_loop3A_685 {strides = array<i32>} : memref<32768xi32, #tpu.memory_space<vmem>>, vector<16xi32>,
    } {sc.loop_unroll_factor = 8 : i64, sc.parallel_access}
    %add3A_591 = arith.constant 0 : i32
    %add3A_592 = arith.addi %mul3A_2, %add3A_591 : i32
    %dma_start3A_593 = arith.constant 0 : i32
    %dma_start3A_594 = arith.constant 0 : i32
    %dma_start3A_595 = tpu.memref_slice %arg9[%dma_start3A_593, %dma_start3A_594] : memref<2x4096xi32, #tpu.memory_space<vmem>> -> memref<1x4096xi32, #tpu.memory_space<vmem>>
    %dma_start3A_596 = tpu.memref_squeeze %dma_start3A_595 : memref<1x4096xi32, #tpu.memory_space<vmem>> -> memref<4096xi32, #tpu.memory_space<vmem>>
    %dma_start3A_597 = tpu.memref_slice %arg3[%add3A_592] : memref<4194304xi32, #tpu.memory_space<hbm>> -> memref<4096xi32, #tpu.memory_space<hbm>>
    %dma_start3A_598 = arith.constant 0 : i32
    %dma_start3A_599 = tpu.memref_slice %arg9[%dma_start3A_593, %dma_start3A_598] : memref<2x4096xi32, #tpu.memory_space<vmem>> -> memref<1x4096xi32, #tpu.memory_space<vmem>>
    %dma_start3A_600 = tpu.memref_squeeze %dma_start3A_599 : memref<1x4096xi32, #tpu.memory_space<vmem>> -> memref<4096xi32, #tpu.memory_space<vmem>>
    %dma_start3A_601 = tpu.memref_slice %arg3[%add3A_592] : memref<4194304xi32, #tpu.memory_space<hbm>> -> memref<4096xi32, #tpu.memory_space<hbm>>
    tpu.enqueue_dma source(%dma_start3A_601 : memref<4096xi32, #tpu.memory_space<hbm>>) target(%dma_start3A_600 : memref<4096xi32, #tpu.memory_space<vmem>>) target_semaphore(%arg12 : memref<!tpu.dma_semaphore, #tpu.memory_space<semaphore_mem>>)
    %dma_start3A_602 = arith.constant 0 : i32
    %dma_start3A_603 = arith.constant 0 : i32
    %dma_start3A_604 = tpu.memref_slice %arg10[%dma_start3A_602, %dma_start3A_603] : memref<2x4096xi32, #tpu.memory_space<vmem>> -> memref<1x4096xi32, #tpu.memory_space<vmem>>
    %dma_start3A_605 = tpu.memref_squeeze %dma_start3A_604 : memref<1x4096xi32, #tpu.memory_space<vmem>> -> memref<4096xi32, #tpu.memory_space<vmem>>
    %dma_start3A_606 = tpu.memref_slice %arg4[%add3A_592] : memref<4194304xi32, #tpu.memory_space<hbm>> -> memref<4096xi32, #tpu.memory_space<hbm>>
    %dma_start3A_607 = arith.constant 0 : i32
    %dma_start3A_608 = tpu.memref_slice %arg10[%dma_start3A_602, %dma_start3A_607] : memref<2x4096xi32, #tpu.memory_space<vmem>> -> memref<1x4096xi32, #tpu.memory_space<vmem>>
    %dma_start3A_609 = tpu.memref_squeeze %dma_start3A_608 : memref<1x4096xi32, #tpu.memory_space<vmem>> -> memref<4096xi32, #tpu.memory_space<vmem>>
    %dma_start3A_610 = tpu.memref_slice %arg4[%add3A_592] : memref<4194304xi32, #tpu.memory_space<hbm>> -> memref<4096xi32, #tpu.memory_space<hbm>>
    tpu.enqueue_dma source(%dma_start3A_610 : memref<4096xi32, #tpu.memory_space<hbm>>) target(%dma_start3A_609 : memref<4096xi32, #tpu.memory_space<vmem>>) target_semaphore(%arg12 : memref<!tpu.dma_semaphore, #tpu.memory_space<semaphore_mem>>)
    %dma_start3A_611 = arith.constant 0 : i32
    %dma_start3A_612 = arith.constant 0 : i32
    %dma_start3A_613 = tpu.memref_slice %arg11[%dma_start3A_611, %dma_start3A_612] : memref<2x4096xf32, #tpu.memory_space<vmem>> -> memref<1x4096xf32, #tpu.memory_space<vmem>>
    %dma_start3A_614 = tpu.memref_squeeze %dma_start3A_613 : memref<1x4096xf32, #tpu.memory_space<vmem>> -> memref<4096xf32, #tpu.memory_space<vmem>>
    %dma_start3A_615 = tpu.memref_slice %arg5[%add3A_592] : memref<4194304xf32, #tpu.memory_space<hbm>> -> memref<4096xf32, #tpu.memory_space<hbm>>
    %dma_start3A_616 = arith.constant 0 : i32
    %dma_start3A_617 = tpu.memref_slice %arg11[%dma_start3A_611, %dma_start3A_616] : memref<2x4096xf32, #tpu.memory_space<vmem>> -> memref<1x4096xf32, #tpu.memory_space<vmem>>
    %dma_start3A_618 = tpu.memref_squeeze %dma_start3A_617 : memref<1x4096xf32, #tpu.memory_space<vmem>> -> memref<4096xf32, #tpu.memory_space<vmem>>
    %dma_start3A_619 = tpu.memref_slice %arg5[%add3A_592] : memref<4194304xf32, #tpu.memory_space<hbm>> -> memref<4096xf32, #tpu.memory_space<hbm>>
    tpu.enqueue_dma source(%dma_start3A_619 : memref<4096xf32, #tpu.memory_space<hbm>>) target(%dma_start3A_618 : memref<4096xf32, #tpu.memory_space<vmem>>) target_semaphore(%arg12 : memref<!tpu.dma_semaphore, #tpu.memory_space<semaphore_mem>>)
    %add3A_620 = arith.constant 4096 : i32
    %add3A_621 = arith.addi %mul3A_2, %add3A_620 : i32
    %dma_start3A_622 = arith.constant 1 : i32
    %dma_start3A_623 = arith.constant 0 : i32
    %dma_start3A_624 = tpu.memref_slice %arg9[%dma_start3A_622, %dma_start3A_623] : memref<2x4096xi32, #tpu.memory_space<vmem>> -> memref<1x4096xi32, #tpu.memory_space<vmem>>
    %dma_start3A_625 = tpu.memref_squeeze %dma_start3A_624 : memref<1x4096xi32, #tpu.memory_space<vmem>> -> memref<4096xi32, #tpu.memory_space<vmem>>
    %dma_start3A_626 = tpu.memref_slice %arg3[%add3A_621] : memref<4194304xi32, #tpu.memory_space<hbm>> -> memref<4096xi32, #tpu.memory_space<hbm>>
    %dma_start3A_627 = arith.constant 0 : i32
    %dma_start3A_628 = tpu.memref_slice %arg9[%dma_start3A_622, %dma_start3A_627] : memref<2x4096xi32, #tpu.memory_space<vmem>> -> memref<1x4096xi32, #tpu.memory_space<vmem>>
    %dma_start3A_629 = tpu.memref_squeeze %dma_start3A_628 : memref<1x4096xi32, #tpu.memory_space<vmem>> -> memref<4096xi32, #tpu.memory_space<vmem>>
    %dma_start3A_630 = tpu.memref_slice %arg3[%add3A_621] : memref<4194304xi32, #tpu.memory_space<hbm>> -> memref<4096xi32, #tpu.memory_space<hbm>>
    tpu.enqueue_dma source(%dma_start3A_630 : memref<4096xi32, #tpu.memory_space<hbm>>) target(%dma_start3A_629 : memref<4096xi32, #tpu.memory_space<vmem>>) target_semaphore(%arg13 : memref<!tpu.dma_semaphore, #tpu.memory_space<semaphore_mem>>)
    %dma_start3A_631 = arith.constant 1 : i32
    %dma_start3A_632 = arith.constant 0 : i32
    %dma_start3A_633 = tpu.memref_slice %arg10[%dma_start3A_631, %dma_start3A_632] : memref<2x4096xi32, #tpu.memory_space<vmem>> -> memref<1x4096xi32, #tpu.memory_space<vmem>>
    %dma_start3A_634 = tpu.memref_squeeze %dma_start3A_633 : memref<1x4096xi32, #tpu.memory_space<vmem>> -> memref<4096xi32, #tpu.memory_space<vmem>>
    %dma_start3A_635 = tpu.memref_slice %arg4[%add3A_621] : memref<4194304xi32, #tpu.memory_space<hbm>> -> memref<4096xi32, #tpu.memory_space<hbm>>
    %dma_start3A_636 = arith.constant 0 : i32
    %dma_start3A_637 = tpu.memref_slice %arg10[%dma_start3A_631, %dma_start3A_636] : memref<2x4096xi32, #tpu.memory_space<vmem>> -> memref<1x4096xi32, #tpu.memory_space<vmem>>
    %dma_start3A_638 = tpu.memref_squeeze %dma_start3A_637 : memref<1x4096xi32, #tpu.memory_space<vmem>> -> memref<4096xi32, #tpu.memory_space<vmem>>
    %dma_start3A_639 = tpu.memref_slice %arg4[%add3A_621] : memref<4194304xi32, #tpu.memory_space<hbm>> -> memref<4096xi32, #tpu.memory_space<hbm>>
    tpu.enqueue_dma source(%dma_start3A_639 : memref<4096xi32, #tpu.memory_space<hbm>>) target(%dma_start3A_638 : memref<4096xi32, #tpu.memory_space<vmem>>) target_semaphore(%arg13 : memref<!tpu.dma_semaphore, #tpu.memory_space<semaphore_mem>>)
    %dma_start3A_640 = arith.constant 1 : i32
    %dma_start3A_641 = arith.constant 0 : i32
    %dma_start3A_642 = tpu.memref_slice %arg11[%dma_start3A_640, %dma_start3A_641] : memref<2x4096xf32, #tpu.memory_space<vmem>> -> memref<1x4096xf32, #tpu.memory_space<vmem>>
    %dma_start3A_643 = tpu.memref_squeeze %dma_start3A_642 : memref<1x4096xf32, #tpu.memory_space<vmem>> -> memref<4096xf32, #tpu.memory_space<vmem>>
    %dma_start3A_644 = tpu.memref_slice %arg5[%add3A_621] : memref<4194304xf32, #tpu.memory_space<hbm>> -> memref<4096xf32, #tpu.memory_space<hbm>>
    %dma_start3A_645 = arith.constant 0 : i32
    %dma_start3A_646 = tpu.memref_slice %arg11[%dma_start3A_640, %dma_start3A_645] : memref<2x4096xf32, #tpu.memory_space<vmem>> -> memref<1x4096xf32, #tpu.memory_space<vmem>>
    %dma_start3A_647 = tpu.memref_squeeze %dma_start3A_646 : memref<1x4096xf32, #tpu.memory_space<vmem>> -> memref<4096xf32, #tpu.memory_space<vmem>>
    %dma_start3A_648 = tpu.memref_slice %arg5[%add3A_621] : memref<4194304xf32, #tpu.memory_space<hbm>> -> memref<4096xf32, #tpu.memory_space<hbm>>
    tpu.enqueue_dma source(%dma_start3A_648 : memref<4096xf32, #tpu.memory_space<hbm>>) target(%dma_start3A_647 : memref<4096xf32, #tpu.memory_space<vmem>>) target_semaphore(%arg13 : memref<!tpu.dma_semaphore, #tpu.memory_space<semaphore_mem>>)
    %broadcast_in_dim3A = arith.constant 0.000000e+00 : f32
    %broadcast_in_dim3A_649 = vector.broadcast %broadcast_in_dim3A : f32 to vector<16xf32>
    %parallel_loop3A_650 = arith.constant 0 : i32
    %parallel_loop3A_651 = arith.constant 4096 : i32
    %parallel_loop3A_652 = arith.constant 1 : i32
    scf.for %parallel_loop3A_659 = %parallel_loop3A_650 to %parallel_loop3A_651 step %parallel_loop3A_652  : i32 {
      %parallel_loop3A_660 = arith.constant 16 : i32
      %parallel_loop3A_661 = arith.muli %parallel_loop3A_659, %parallel_loop3A_660 : i32
      %parallel_loop3A_662 = arith.index_cast %parallel_loop3A_661 : i32 to index
      %parallel_loop3A_663 = tpu.vector_load %arg8[%parallel_loop3A_662] {strides = array<i32>} : memref<65536xf32, #tpu.memory_space<vmem>>, vector<16xf32>,
      tpu.vector_store %arg8[%parallel_loop3A_662], %broadcast_in_dim3A_649 {strides = array<i32>} : memref<65536xf32, #tpu.memory_space<vmem>>, vector<16xf32>,
    } {sc.loop_unroll_factor = 8 : i64, sc.parallel_access}
    %scan3A = arith.constant 0 : i32
    %scan3A_653 = arith.constant -65536 : i32
    %scan3A_654 = arith.constant 0 : i32
    %scan3A_655 = arith.constant 16 : i32
    %scan3A_656 = arith.addi %scan3A_654, %scan3A_655 : i32
    %scan3A_657 = arith.constant 1 : i32
    scf.for %scan3A_659 = %scan3A_654 to %scan3A_656 step %scan3A_657  : i32 {
      %mul3A_660 = arith.constant 2 : i32
      %mul3A_661 = arith.muli %scan3A_659, %mul3A_660 : i32
      %mul3A_662 = arith.constant 4096 : i32
      %mul3A_663 = arith.muli %mul3A_661, %mul3A_662 : i32
      %add3A_664 = arith.addi %mul3A_2, %mul3A_663 : i32
      %dma_wait3A_665 = arith.constant 0 : i32
      %dma_wait3A_666 = arith.constant 0 : i32
      %dma_wait3A_667 = tpu.memref_slice %arg9[%dma_wait3A_665, %dma_wait3A_666] : memref<2x4096xi32, #tpu.memory_space<vmem>> -> memref<1x4096xi32, #tpu.memory_space<vmem>>
      %dma_wait3A_668 = tpu.memref_squeeze %dma_wait3A_667 : memref<1x4096xi32, #tpu.memory_space<vmem>> -> memref<4096xi32, #tpu.memory_space<vmem>>
      %dma_wait3A_669 = tpu.memref_slice %arg3[%add3A_664] : memref<4194304xi32, #tpu.memory_space<hbm>> -> memref<4096xi32, #tpu.memory_space<hbm>>
      %dma_wait3A_670 = arith.constant 0 : i32
      %dma_wait3A_671 = tpu.memref_slice %arg9[%dma_wait3A_665, %dma_wait3A_670] : memref<2x4096xi32, #tpu.memory_space<vmem>> -> memref<1x4096xi32, #tpu.memory_space<vmem>>
      %dma_wait3A_672 = tpu.memref_squeeze %dma_wait3A_671 : memref<1x4096xi32, #tpu.memory_space<vmem>> -> memref<4096xi32, #tpu.memory_space<vmem>>
      %dma_wait3A_673 = tpu.memref_slice %arg3[%add3A_664] : memref<4194304xi32, #tpu.memory_space<hbm>> -> memref<4096xi32, #tpu.memory_space<hbm>>
      tpu.wait_dma2 semaphore(%arg12 : memref<!tpu.dma_semaphore, #tpu.memory_space<semaphore_mem>>) src(%dma_wait3A_673 : memref<4096xi32, #tpu.memory_space<hbm>>) dst(%dma_wait3A_672 : memref<4096xi32, #tpu.memory_space<vmem>>)
      %dma_wait3A_674 = arith.constant 0 : i32
      %dma_wait3A_675 = arith.constant 0 : i32
      %dma_wait3A_676 = tpu.memref_slice %arg10[%dma_wait3A_674, %dma_wait3A_675] : memref<2x4096xi32, #tpu.memory_space<vmem>> -> memref<1x4096xi32, #tpu.memory_space<vmem>>
      %dma_wait3A_677 = tpu.memref_squeeze %dma_wait3A_676 : memref<1x4096xi32, #tpu.memory_space<vmem>> -> memref<4096xi32, #tpu.memory_space<vmem>>
      %dma_wait3A_678 = tpu.memref_slice %arg4[%add3A_664] : memref<4194304xi32, #tpu.memory_space<hbm>> -> memref<4096xi32, #tpu.memory_space<hbm>>
      %dma_wait3A_679 = arith.constant 0 : i32
      %dma_wait3A_680 = tpu.memref_slice %arg10[%dma_wait3A_674, %dma_wait3A_679] : memref<2x4096xi32, #tpu.memory_space<vmem>> -> memref<1x4096xi32, #tpu.memory_space<vmem>>
      %dma_wait3A_681 = tpu.memref_squeeze %dma_wait3A_680 : memref<1x4096xi32, #tpu.memory_space<vmem>> -> memref<4096xi32, #tpu.memory_space<vmem>>
      %dma_wait3A_682 = tpu.memref_slice %arg4[%add3A_664] : memref<4194304xi32, #tpu.memory_space<hbm>> -> memref<4096xi32, #tpu.memory_space<hbm>>
      tpu.wait_dma2 semaphore(%arg12 : memref<!tpu.dma_semaphore, #tpu.memory_space<semaphore_mem>>) src(%dma_wait3A_682 : memref<4096xi32, #tpu.memory_space<hbm>>) dst(%dma_wait3A_681 : memref<4096xi32, #tpu.memory_space<vmem>>)
      %dma_wait3A_683 = arith.constant 0 : i32
      %dma_wait3A_684 = arith.constant 0 : i32
      %dma_wait3A_685 = tpu.memref_slice %arg11[%dma_wait3A_683, %dma_wait3A_684] : memref<2x4096xf32, #tpu.memory_space<vmem>> -> memref<1x4096xf32, #tpu.memory_space<vmem>>
      %dma_wait3A_686 = tpu.memref_squeeze %dma_wait3A_685 : memref<1x4096xf32, #tpu.memory_space<vmem>> -> memref<4096xf32, #tpu.memory_space<vmem>>
      %dma_wait3A_687 = tpu.memref_slice %arg5[%add3A_664] : memref<4194304xf32, #tpu.memory_space<hbm>> -> memref<4096xf32, #tpu.memory_space<hbm>>
      %dma_wait3A_688 = arith.constant 0 : i32
      %dma_wait3A_689 = tpu.memref_slice %arg11[%dma_wait3A_683, %dma_wait3A_688] : memref<2x4096xf32, #tpu.memory_space<vmem>> -> memref<1x4096xf32, #tpu.memory_space<vmem>>
      %dma_wait3A_690 = tpu.memref_squeeze %dma_wait3A_689 : memref<1x4096xf32, #tpu.memory_space<vmem>> -> memref<4096xf32, #tpu.memory_space<vmem>>
      %dma_wait3A_691 = tpu.memref_slice %arg5[%add3A_664] : memref<4194304xf32, #tpu.memory_space<hbm>> -> memref<4096xf32, #tpu.memory_space<hbm>>
      tpu.wait_dma2 semaphore(%arg12 : memref<!tpu.dma_semaphore, #tpu.memory_space<semaphore_mem>>) src(%dma_wait3A_691 : memref<4096xf32, #tpu.memory_space<hbm>>) dst(%dma_wait3A_690 : memref<4096xf32, #tpu.memory_space<vmem>>)
      %parallel_loop3A_692 = arith.constant 0 : i32
      %parallel_loop3A_693 = arith.constant 256 : i32
      %parallel_loop3A_694 = arith.constant 1 : i32
      scf.for %parallel_loop3A_741 = %parallel_loop3A_692 to %parallel_loop3A_693 step %parallel_loop3A_694  : i32 {
        %parallel_loop3A_742 = arith.constant 16 : i32
        %parallel_loop3A_743 = arith.muli %parallel_loop3A_741, %parallel_loop3A_742 : i32
        %parallel_loop3A_744 = arith.constant 0 : i32
        %parallel_loop3A_745 = arith.index_cast %parallel_loop3A_744 : i32 to index
        %parallel_loop3A_746 = arith.index_cast %parallel_loop3A_743 : i32 to index
        %parallel_loop3A_747 = tpu.vector_load %arg10[%parallel_loop3A_745, %parallel_loop3A_746] {strides = array<i32>} : memref<2x4096xi32, #tpu.memory_space<vmem>>, vector<16xi32>,
        %parallel_loop3A_748 = arith.constant 0 : i32
        %parallel_loop3A_749 = arith.index_cast %parallel_loop3A_748 : i32 to index
        %parallel_loop3A_750 = arith.index_cast %parallel_loop3A_743 : i32 to index
        %parallel_loop3A_751 = tpu.vector_load %arg9[%parallel_loop3A_749, %parallel_loop3A_750] {strides = array<i32>} : memref<2x4096xi32, #tpu.memory_space<vmem>>, vector<16xi32>,
        %parallel_loop3A_752 = arith.constant 0 : i32
        %parallel_loop3A_753 = arith.index_cast %parallel_loop3A_752 : i32 to index
        %parallel_loop3A_754 = arith.index_cast %parallel_loop3A_743 : i32 to index
        %parallel_loop3A_755 = tpu.vector_load %arg11[%parallel_loop3A_753, %parallel_loop3A_754] {strides = array<i32>} : memref<2x4096xf32, #tpu.memory_space<vmem>>, vector<16xf32>,
        %parallel_loop3A_756 = arith.constant 1 : i32
        %parallel_loop3A_757 = vector.broadcast %parallel_loop3A_756 : i32 to vector<16xi32>
        %parallel_loop3A_758 = arith.shrui %parallel_loop3A_747, %parallel_loop3A_757 : vector<16xi32>
        %parallel_loop3A_759 = arith.constant -16 : i32
        %parallel_loop3A_760 = vector.broadcast %parallel_loop3A_759 : i32 to vector<16xi32>
        %parallel_loop3A_761 = arith.andi %parallel_loop3A_758, %parallel_loop3A_760 : vector<16xi32>
        %parallel_loop3A_762 = arith.constant 15 : i32
        %parallel_loop3A_763 = vector.broadcast %parallel_loop3A_762 : i32 to vector<16xi32>
        %parallel_loop3A_764 = arith.andi %parallel_loop3A_747, %parallel_loop3A_763 : vector<16xi32>
        %parallel_loop3A_765 = arith.ori %parallel_loop3A_761, %parallel_loop3A_764 : vector<16xi32>
        %parallel_loop3A_766 = tpu.vector_load_idx %arg7[%parallel_loop3A_765] : memref<32768xi32, #tpu.memory_space<vmem>>[vector<16xi32>], vector<16xi32>,
        %parallel_loop3A_767 = vector.broadcast %scan3A_653 : i32 to vector<16xi32>
        %parallel_loop3A_768 = arith.andi %parallel_loop3A_766, %parallel_loop3A_767 : vector<16xi32>
        %parallel_loop3A_769 = arith.constant 16 : i32
        %parallel_loop3A_770 = vector.broadcast %parallel_loop3A_769 : i32 to vector<16xi32>
        %parallel_loop3A_771 = arith.shli %parallel_loop3A_766, %parallel_loop3A_770 : vector<16xi32>
        %parallel_loop3A_772 = arith.constant 16 : i32
        %parallel_loop3A_773 = vector.broadcast %parallel_loop3A_772 : i32 to vector<16xi32>
        %parallel_loop3A_774 = arith.andi %parallel_loop3A_747, %parallel_loop3A_773 : vector<16xi32>
        %parallel_loop3A_775 = arith.constant 0 : i32
        %parallel_loop3A_776 = vector.broadcast %parallel_loop3A_775 : i32 to vector<16xi32>
        %parallel_loop3A_777 = arith.cmpi ne, %parallel_loop3A_774, %parallel_loop3A_776 : vector<16xi32>
        %parallel_loop3A_778 = arith.select %parallel_loop3A_777, %parallel_loop3A_768, %parallel_loop3A_771 : vector<16xi1>, vector<16xi32>
        %parallel_loop3A_779 = vector.bitcast %parallel_loop3A_778 : vector<16xi32> to vector<16xf32>
        %parallel_loop3A_780 = arith.mulf %parallel_loop3A_779, %parallel_loop3A_755 : vector<16xf32>
        tpu.vector_store_idx %arg8[%parallel_loop3A_751], %parallel_loop3A_780 {add = true} : memref<65536xf32, #tpu.memory_space<vmem>>[vector<16xi32>], vector<16xf32>,
      } {sc.loop_unroll_factor = 8 : i64, sc.parallel_access}
      %add3A_695 = arith.constant 2 : i32
      %add3A_696 = arith.addi %mul3A_661, %add3A_695 : i32
      %lt3A = arith.constant 32 : i32
      %lt3A_697 = arith.cmpi slt, %add3A_696, %lt3A : i32
      %convert_element_type3A = arith.extui %lt3A_697 : i1 to i32
      %cond3A = arith.constant 0 : i32
      %cond3A_698 = arith.cmpi ne, %convert_element_type3A, %cond3A : i32
      scf.if %cond3A_698 {
        %add3A_741 = arith.constant 2 : i32
        %add3A_742 = arith.addi %mul3A_661, %add3A_741 : i32
        %mul3A_743 = arith.constant 4096 : i32
        %mul3A_744 = arith.muli %add3A_742, %mul3A_743 : i32
        %add3A_745 = arith.addi %mul3A_2, %mul3A_744 : i32
        %dma_start3A_746 = arith.constant 0 : i32
        %dma_start3A_747 = arith.constant 0 : i32
        %dma_start3A_748 = tpu.memref_slice %arg9[%dma_start3A_746, %dma_start3A_747] : memref<2x4096xi32, #tpu.memory_space<vmem>> -> memref<1x4096xi32, #tpu.memory_space<vmem>>
        %dma_start3A_749 = tpu.memref_squeeze %dma_start3A_748 : memref<1x4096xi32, #tpu.memory_space<vmem>> -> memref<4096xi32, #tpu.memory_space<vmem>>
        %dma_start3A_750 = tpu.memref_slice %arg3[%add3A_745] : memref<4194304xi32, #tpu.memory_space<hbm>> -> memref<4096xi32, #tpu.memory_space<hbm>>
        %dma_start3A_751 = arith.constant 0 : i32
        %dma_start3A_752 = tpu.memref_slice %arg9[%dma_start3A_746, %dma_start3A_751] : memref<2x4096xi32, #tpu.memory_space<vmem>> -> memref<1x4096xi32, #tpu.memory_space<vmem>>
        %dma_start3A_753 = tpu.memref_squeeze %dma_start3A_752 : memref<1x4096xi32, #tpu.memory_space<vmem>> -> memref<4096xi32, #tpu.memory_space<vmem>>
        %dma_start3A_754 = tpu.memref_slice %arg3[%add3A_745] : memref<4194304xi32, #tpu.memory_space<hbm>> -> memref<4096xi32, #tpu.memory_space<hbm>>
        tpu.enqueue_dma source(%dma_start3A_754 : memref<4096xi32, #tpu.memory_space<hbm>>) target(%dma_start3A_753 : memref<4096xi32, #tpu.memory_space<vmem>>) target_semaphore(%arg12 : memref<!tpu.dma_semaphore, #tpu.memory_space<semaphore_mem>>)
        %dma_start3A_755 = arith.constant 0 : i32
        %dma_start3A_756 = arith.constant 0 : i32
        %dma_start3A_757 = tpu.memref_slice %arg10[%dma_start3A_755, %dma_start3A_756] : memref<2x4096xi32, #tpu.memory_space<vmem>> -> memref<1x4096xi32, #tpu.memory_space<vmem>>
        %dma_start3A_758 = tpu.memref_squeeze %dma_start3A_757 : memref<1x4096xi32, #tpu.memory_space<vmem>> -> memref<4096xi32, #tpu.memory_space<vmem>>
        %dma_start3A_759 = tpu.memref_slice %arg4[%add3A_745] : memref<4194304xi32, #tpu.memory_space<hbm>> -> memref<4096xi32, #tpu.memory_space<hbm>>
        %dma_start3A_760 = arith.constant 0 : i32
        %dma_start3A_761 = tpu.memref_slice %arg10[%dma_start3A_755, %dma_start3A_760] : memref<2x4096xi32, #tpu.memory_space<vmem>> -> memref<1x4096xi32, #tpu.memory_space<vmem>>
        %dma_start3A_762 = tpu.memref_squeeze %dma_start3A_761 : memref<1x4096xi32, #tpu.memory_space<vmem>> -> memref<4096xi32, #tpu.memory_space<vmem>>
        %dma_start3A_763 = tpu.memref_slice %arg4[%add3A_745] : memref<4194304xi32, #tpu.memory_space<hbm>> -> memref<4096xi32, #tpu.memory_space<hbm>>
        tpu.enqueue_dma source(%dma_start3A_763 : memref<4096xi32, #tpu.memory_space<hbm>>) target(%dma_start3A_762 : memref<4096xi32, #tpu.memory_space<vmem>>) target_semaphore(%arg12 : memref<!tpu.dma_semaphore, #tpu.memory_space<semaphore_mem>>)
        %dma_start3A_764 = arith.constant 0 : i32
        %dma_start3A_765 = arith.constant 0 : i32
        %dma_start3A_766 = tpu.memref_slice %arg11[%dma_start3A_764, %dma_start3A_765] : memref<2x4096xf32, #tpu.memory_space<vmem>> -> memref<1x4096xf32, #tpu.memory_space<vmem>>
        %dma_start3A_767 = tpu.memref_squeeze %dma_start3A_766 : memref<1x4096xf32, #tpu.memory_space<vmem>> -> memref<4096xf32, #tpu.memory_space<vmem>>
        %dma_start3A_768 = tpu.memref_slice %arg5[%add3A_745] : memref<4194304xf32, #tpu.memory_space<hbm>> -> memref<4096xf32, #tpu.memory_space<hbm>>
        %dma_start3A_769 = arith.constant 0 : i32
        %dma_start3A_770 = tpu.memref_slice %arg11[%dma_start3A_764, %dma_start3A_769] : memref<2x4096xf32, #tpu.memory_space<vmem>> -> memref<1x4096xf32, #tpu.memory_space<vmem>>
        %dma_start3A_771 = tpu.memref_squeeze %dma_start3A_770 : memref<1x4096xf32, #tpu.memory_space<vmem>> -> memref<4096xf32, #tpu.memory_space<vmem>>
        %dma_start3A_772 = tpu.memref_slice %arg5[%add3A_745] : memref<4194304xf32, #tpu.memory_space<hbm>> -> memref<4096xf32, #tpu.memory_space<hbm>>
        tpu.enqueue_dma source(%dma_start3A_772 : memref<4096xf32, #tpu.memory_space<hbm>>) target(%dma_start3A_771 : memref<4096xf32, #tpu.memory_space<vmem>>) target_semaphore(%arg12 : memref<!tpu.dma_semaphore, #tpu.memory_space<semaphore_mem>>)
      } else {
      }
      %add3A_699 = arith.constant 1 : i32
      %add3A_700 = arith.addi %mul3A_661, %add3A_699 : i32
      %mul3A_701 = arith.constant 4096 : i32
      %mul3A_702 = arith.muli %add3A_700, %mul3A_701 : i32
      %add3A_703 = arith.addi %mul3A_2, %mul3A_702 : i32
      %dma_wait3A_704 = arith.constant 1 : i32
      %dma_wait3A_705 = arith.constant 0 : i32
      %dma_wait3A_706 = tpu.memref_slice %arg9[%dma_wait3A_704, %dma_wait3A_705] : memref<2x4096xi32, #tpu.memory_space<vmem>> -> memref<1x4096xi32, #tpu.memory_space<vmem>>
      %dma_wait3A_707 = tpu.memref_squeeze %dma_wait3A_706 : memref<1x4096xi32, #tpu.memory_space<vmem>> -> memref<4096xi32, #tpu.memory_space<vmem>>
      %dma_wait3A_708 = tpu.memref_slice %arg3[%add3A_703] : memref<4194304xi32, #tpu.memory_space<hbm>> -> memref<4096xi32, #tpu.memory_space<hbm>>
      %dma_wait3A_709 = arith.constant 0 : i32
      %dma_wait3A_710 = tpu.memref_slice %arg9[%dma_wait3A_704, %dma_wait3A_709] : memref<2x4096xi32, #tpu.memory_space<vmem>> -> memref<1x4096xi32, #tpu.memory_space<vmem>>
      %dma_wait3A_711 = tpu.memref_squeeze %dma_wait3A_710 : memref<1x4096xi32, #tpu.memory_space<vmem>> -> memref<4096xi32, #tpu.memory_space<vmem>>
      %dma_wait3A_712 = tpu.memref_slice %arg3[%add3A_703] : memref<4194304xi32, #tpu.memory_space<hbm>> -> memref<4096xi32, #tpu.memory_space<hbm>>
      tpu.wait_dma2 semaphore(%arg13 : memref<!tpu.dma_semaphore, #tpu.memory_space<semaphore_mem>>) src(%dma_wait3A_712 : memref<4096xi32, #tpu.memory_space<hbm>>) dst(%dma_wait3A_711 : memref<4096xi32, #tpu.memory_space<vmem>>)
      %dma_wait3A_713 = arith.constant 1 : i32
      %dma_wait3A_714 = arith.constant 0 : i32
      %dma_wait3A_715 = tpu.memref_slice %arg10[%dma_wait3A_713, %dma_wait3A_714] : memref<2x4096xi32, #tpu.memory_space<vmem>> -> memref<1x4096xi32, #tpu.memory_space<vmem>>
      %dma_wait3A_716 = tpu.memref_squeeze %dma_wait3A_715 : memref<1x4096xi32, #tpu.memory_space<vmem>> -> memref<4096xi32, #tpu.memory_space<vmem>>
      %dma_wait3A_717 = tpu.memref_slice %arg4[%add3A_703] : memref<4194304xi32, #tpu.memory_space<hbm>> -> memref<4096xi32, #tpu.memory_space<hbm>>
      %dma_wait3A_718 = arith.constant 0 : i32
      %dma_wait3A_719 = tpu.memref_slice %arg10[%dma_wait3A_713, %dma_wait3A_718] : memref<2x4096xi32, #tpu.memory_space<vmem>> -> memref<1x4096xi32, #tpu.memory_space<vmem>>
      %dma_wait3A_720 = tpu.memref_squeeze %dma_wait3A_719 : memref<1x4096xi32, #tpu.memory_space<vmem>> -> memref<4096xi32, #tpu.memory_space<vmem>>
      %dma_wait3A_721 = tpu.memref_slice %arg4[%add3A_703] : memref<4194304xi32, #tpu.memory_space<hbm>> -> memref<4096xi32, #tpu.memory_space<hbm>>
      tpu.wait_dma2 semaphore(%arg13 : memref<!tpu.dma_semaphore, #tpu.memory_space<semaphore_mem>>) src(%dma_wait3A_721 : memref<4096xi32, #tpu.memory_space<hbm>>) dst(%dma_wait3A_720 : memref<4096xi32, #tpu.memory_space<vmem>>)
      %dma_wait3A_722 = arith.constant 1 : i32
      %dma_wait3A_723 = arith.constant 0 : i32
      %dma_wait3A_724 = tpu.memref_slice %arg11[%dma_wait3A_722, %dma_wait3A_723] : memref<2x4096xf32, #tpu.memory_space<vmem>> -> memref<1x4096xf32, #tpu.memory_space<vmem>>
      %dma_wait3A_725 = tpu.memref_squeeze %dma_wait3A_724 : memref<1x4096xf32, #tpu.memory_space<vmem>> -> memref<4096xf32, #tpu.memory_space<vmem>>
      %dma_wait3A_726 = tpu.memref_slice %arg5[%add3A_703] : memref<4194304xf32, #tpu.memory_space<hbm>> -> memref<4096xf32, #tpu.memory_space<hbm>>
      %dma_wait3A_727 = arith.constant 0 : i32
      %dma_wait3A_728 = tpu.memref_slice %arg11[%dma_wait3A_722, %dma_wait3A_727] : memref<2x4096xf32, #tpu.memory_space<vmem>> -> memref<1x4096xf32, #tpu.memory_space<vmem>>
      %dma_wait3A_729 = tpu.memref_squeeze %dma_wait3A_728 : memref<1x4096xf32, #tpu.memory_space<vmem>> -> memref<4096xf32, #tpu.memory_space<vmem>>
      %dma_wait3A_730 = tpu.memref_slice %arg5[%add3A_703] : memref<4194304xf32, #tpu.memory_space<hbm>> -> memref<4096xf32, #tpu.memory_space<hbm>>
      tpu.wait_dma2 semaphore(%arg13 : memref<!tpu.dma_semaphore, #tpu.memory_space<semaphore_mem>>) src(%dma_wait3A_730 : memref<4096xf32, #tpu.memory_space<hbm>>) dst(%dma_wait3A_729 : memref<4096xf32, #tpu.memory_space<vmem>>)
      %parallel_loop3A_731 = arith.constant 0 : i32
      %parallel_loop3A_732 = arith.constant 256 : i32
      %parallel_loop3A_733 = arith.constant 1 : i32
      scf.for %parallel_loop3A_741 = %parallel_loop3A_731 to %parallel_loop3A_732 step %parallel_loop3A_733  : i32 {
        %parallel_loop3A_742 = arith.constant 16 : i32
        %parallel_loop3A_743 = arith.muli %parallel_loop3A_741, %parallel_loop3A_742 : i32
        %parallel_loop3A_744 = arith.constant 1 : i32
        %parallel_loop3A_745 = arith.index_cast %parallel_loop3A_744 : i32 to index
        %parallel_loop3A_746 = arith.index_cast %parallel_loop3A_743 : i32 to index
        %parallel_loop3A_747 = tpu.vector_load %arg10[%parallel_loop3A_745, %parallel_loop3A_746] {strides = array<i32>} : memref<2x4096xi32, #tpu.memory_space<vmem>>, vector<16xi32>,
        %parallel_loop3A_748 = arith.constant 1 : i32
        %parallel_loop3A_749 = arith.index_cast %parallel_loop3A_748 : i32 to index
        %parallel_loop3A_750 = arith.index_cast %parallel_loop3A_743 : i32 to index
        %parallel_loop3A_751 = tpu.vector_load %arg9[%parallel_loop3A_749, %parallel_loop3A_750] {strides = array<i32>} : memref<2x4096xi32, #tpu.memory_space<vmem>>, vector<16xi32>,
        %parallel_loop3A_752 = arith.constant 1 : i32
        %parallel_loop3A_753 = arith.index_cast %parallel_loop3A_752 : i32 to index
        %parallel_loop3A_754 = arith.index_cast %parallel_loop3A_743 : i32 to index
        %parallel_loop3A_755 = tpu.vector_load %arg11[%parallel_loop3A_753, %parallel_loop3A_754] {strides = array<i32>} : memref<2x4096xf32, #tpu.memory_space<vmem>>, vector<16xf32>,
        %parallel_loop3A_756 = arith.constant 1 : i32
        %parallel_loop3A_757 = vector.broadcast %parallel_loop3A_756 : i32 to vector<16xi32>
        %parallel_loop3A_758 = arith.shrui %parallel_loop3A_747, %parallel_loop3A_757 : vector<16xi32>
        %parallel_loop3A_759 = arith.constant -16 : i32
        %parallel_loop3A_760 = vector.broadcast %parallel_loop3A_759 : i32 to vector<16xi32>
        %parallel_loop3A_761 = arith.andi %parallel_loop3A_758, %parallel_loop3A_760 : vector<16xi32>
        %parallel_loop3A_762 = arith.constant 15 : i32
        %parallel_loop3A_763 = vector.broadcast %parallel_loop3A_762 : i32 to vector<16xi32>
        %parallel_loop3A_764 = arith.andi %parallel_loop3A_747, %parallel_loop3A_763 : vector<16xi32>
        %parallel_loop3A_765 = arith.ori %parallel_loop3A_761, %parallel_loop3A_764 : vector<16xi32>
        %parallel_loop3A_766 = tpu.vector_load_idx %arg7[%parallel_loop3A_765] : memref<32768xi32, #tpu.memory_space<vmem>>[vector<16xi32>], vector<16xi32>,
        %parallel_loop3A_767 = vector.broadcast %scan3A_653 : i32 to vector<16xi32>
        %parallel_loop3A_768 = arith.andi %parallel_loop3A_766, %parallel_loop3A_767 : vector<16xi32>
        %parallel_loop3A_769 = arith.constant 16 : i32
        %parallel_loop3A_770 = vector.broadcast %parallel_loop3A_769 : i32 to vector<16xi32>
        %parallel_loop3A_771 = arith.shli %parallel_loop3A_766, %parallel_loop3A_770 : vector<16xi32>
        %parallel_loop3A_772 = arith.constant 16 : i32
        %parallel_loop3A_773 = vector.broadcast %parallel_loop3A_772 : i32 to vector<16xi32>
        %parallel_loop3A_774 = arith.andi %parallel_loop3A_747, %parallel_loop3A_773 : vector<16xi32>
        %parallel_loop3A_775 = arith.constant 0 : i32
        %parallel_loop3A_776 = vector.broadcast %parallel_loop3A_775 : i32 to vector<16xi32>
        %parallel_loop3A_777 = arith.cmpi ne, %parallel_loop3A_774, %parallel_loop3A_776 : vector<16xi32>
        %parallel_loop3A_778 = arith.select %parallel_loop3A_777, %parallel_loop3A_768, %parallel_loop3A_771 : vector<16xi1>, vector<16xi32>
        %parallel_loop3A_779 = vector.bitcast %parallel_loop3A_778 : vector<16xi32> to vector<16xf32>
        %parallel_loop3A_780 = arith.mulf %parallel_loop3A_779, %parallel_loop3A_755 : vector<16xf32>
        tpu.vector_store_idx %arg8[%parallel_loop3A_751], %parallel_loop3A_780 {add = true} : memref<65536xf32, #tpu.memory_space<vmem>>[vector<16xi32>], vector<16xf32>,
      } {sc.loop_unroll_factor = 8 : i64, sc.parallel_access}
      %add3A_734 = arith.constant 3 : i32
      %add3A_735 = arith.addi %mul3A_661, %add3A_734 : i32
      %lt3A_736 = arith.constant 32 : i32
      %lt3A_737 = arith.cmpi slt, %add3A_735, %lt3A_736 : i32
      %convert_element_type3A_738 = arith.extui %lt3A_737 : i1 to i32
      %cond3A_739 = arith.constant 0 : i32
      %cond3A_740 = arith.cmpi ne, %convert_element_type3A_738, %cond3A_739 : i32
      scf.if %cond3A_740 {
        %add3A_741 = arith.constant 3 : i32
        %add3A_742 = arith.addi %mul3A_661, %add3A_741 : i32
        %mul3A_743 = arith.constant 4096 : i32
        %mul3A_744 = arith.muli %add3A_742, %mul3A_743 : i32
        %add3A_745 = arith.addi %mul3A_2, %mul3A_744 : i32
        %dma_start3A_746 = arith.constant 1 : i32
        %dma_start3A_747 = arith.constant 0 : i32
        %dma_start3A_748 = tpu.memref_slice %arg9[%dma_start3A_746, %dma_start3A_747] : memref<2x4096xi32, #tpu.memory_space<vmem>> -> memref<1x4096xi32, #tpu.memory_space<vmem>>
        %dma_start3A_749 = tpu.memref_squeeze %dma_start3A_748 : memref<1x4096xi32, #tpu.memory_space<vmem>> -> memref<4096xi32, #tpu.memory_space<vmem>>
        %dma_start3A_750 = tpu.memref_slice %arg3[%add3A_745] : memref<4194304xi32, #tpu.memory_space<hbm>> -> memref<4096xi32, #tpu.memory_space<hbm>>
        %dma_start3A_751 = arith.constant 0 : i32
        %dma_start3A_752 = tpu.memref_slice %arg9[%dma_start3A_746, %dma_start3A_751] : memref<2x4096xi32, #tpu.memory_space<vmem>> -> memref<1x4096xi32, #tpu.memory_space<vmem>>
        %dma_start3A_753 = tpu.memref_squeeze %dma_start3A_752 : memref<1x4096xi32, #tpu.memory_space<vmem>> -> memref<4096xi32, #tpu.memory_space<vmem>>
        %dma_start3A_754 = tpu.memref_slice %arg3[%add3A_745] : memref<4194304xi32, #tpu.memory_space<hbm>> -> memref<4096xi32, #tpu.memory_space<hbm>>
        tpu.enqueue_dma source(%dma_start3A_754 : memref<4096xi32, #tpu.memory_space<hbm>>) target(%dma_start3A_753 : memref<4096xi32, #tpu.memory_space<vmem>>) target_semaphore(%arg13 : memref<!tpu.dma_semaphore, #tpu.memory_space<semaphore_mem>>)
        %dma_start3A_755 = arith.constant 1 : i32
        %dma_start3A_756 = arith.constant 0 : i32
        %dma_start3A_757 = tpu.memref_slice %arg10[%dma_start3A_755, %dma_start3A_756] : memref<2x4096xi32, #tpu.memory_space<vmem>> -> memref<1x4096xi32, #tpu.memory_space<vmem>>
        %dma_start3A_758 = tpu.memref_squeeze %dma_start3A_757 : memref<1x4096xi32, #tpu.memory_space<vmem>> -> memref<4096xi32, #tpu.memory_space<vmem>>
        %dma_start3A_759 = tpu.memref_slice %arg4[%add3A_745] : memref<4194304xi32, #tpu.memory_space<hbm>> -> memref<4096xi32, #tpu.memory_space<hbm>>
        %dma_start3A_760 = arith.constant 0 : i32
        %dma_start3A_761 = tpu.memref_slice %arg10[%dma_start3A_755, %dma_start3A_760] : memref<2x4096xi32, #tpu.memory_space<vmem>> -> memref<1x4096xi32, #tpu.memory_space<vmem>>
        %dma_start3A_762 = tpu.memref_squeeze %dma_start3A_761 : memref<1x4096xi32, #tpu.memory_space<vmem>> -> memref<4096xi32, #tpu.memory_space<vmem>>
        %dma_start3A_763 = tpu.memref_slice %arg4[%add3A_745] : memref<4194304xi32, #tpu.memory_space<hbm>> -> memref<4096xi32, #tpu.memory_space<hbm>>
        tpu.enqueue_dma source(%dma_start3A_763 : memref<4096xi32, #tpu.memory_space<hbm>>) target(%dma_start3A_762 : memref<4096xi32, #tpu.memory_space<vmem>>) target_semaphore(%arg13 : memref<!tpu.dma_semaphore, #tpu.memory_space<semaphore_mem>>)
        %dma_start3A_764 = arith.constant 1 : i32
        %dma_start3A_765 = arith.constant 0 : i32
        %dma_start3A_766 = tpu.memref_slice %arg11[%dma_start3A_764, %dma_start3A_765] : memref<2x4096xf32, #tpu.memory_space<vmem>> -> memref<1x4096xf32, #tpu.memory_space<vmem>>
        %dma_start3A_767 = tpu.memref_squeeze %dma_start3A_766 : memref<1x4096xf32, #tpu.memory_space<vmem>> -> memref<4096xf32, #tpu.memory_space<vmem>>
        %dma_start3A_768 = tpu.memref_slice %arg5[%add3A_745] : memref<4194304xf32, #tpu.memory_space<hbm>> -> memref<4096xf32, #tpu.memory_space<hbm>>
        %dma_start3A_769 = arith.constant 0 : i32
        %dma_start3A_770 = tpu.memref_slice %arg11[%dma_start3A_764, %dma_start3A_769] : memref<2x4096xf32, #tpu.memory_space<vmem>> -> memref<1x4096xf32, #tpu.memory_space<vmem>>
        %dma_start3A_771 = tpu.memref_squeeze %dma_start3A_770 : memref<1x4096xf32, #tpu.memory_space<vmem>> -> memref<4096xf32, #tpu.memory_space<vmem>>
        %dma_start3A_772 = tpu.memref_slice %arg5[%add3A_745] : memref<4194304xf32, #tpu.memory_space<hbm>> -> memref<4096xf32, #tpu.memory_space<hbm>>
        tpu.enqueue_dma source(%dma_start3A_772 : memref<4096xf32, #tpu.memory_space<hbm>>) target(%dma_start3A_771 : memref<4096xf32, #tpu.memory_space<vmem>>) target_semaphore(%arg13 : memref<!tpu.dma_semaphore, #tpu.memory_space<semaphore_mem>>)
      } else {
      }
    }
    %scan3A_658 = arith.constant 16 : i32
    "tpu.region"() ({
      %run_scoped3A = tpu.sem_alloc : memref<!tpu.dma_semaphore, #tpu.memory_space<semaphore_mem>>
      %dma_start3A_659 = arith.constant 0 : i32
      %dma_start3A_660 = tpu.memref_slice %arg6[%add3A, %dma_start3A_659] : memref<32x65536xf32, #tpu.memory_space<hbm>> -> memref<1x65536xf32, #tpu.memory_space<hbm>>
      %dma_start3A_661 = tpu.memref_squeeze %dma_start3A_660 : memref<1x65536xf32, #tpu.memory_space<hbm>> -> memref<65536xf32, #tpu.memory_space<hbm>>
      %dma_start3A_662 = arith.constant 0 : i32
      %dma_start3A_663 = tpu.memref_slice %arg6[%add3A, %dma_start3A_662] : memref<32x65536xf32, #tpu.memory_space<hbm>> -> memref<1x65536xf32, #tpu.memory_space<hbm>>
      %dma_start3A_664 = tpu.memref_squeeze %dma_start3A_663 : memref<1x65536xf32, #tpu.memory_space<hbm>> -> memref<65536xf32, #tpu.memory_space<hbm>>
      tpu.enqueue_dma source(%arg8 : memref<65536xf32, #tpu.memory_space<vmem>>) target(%dma_start3A_664 : memref<65536xf32, #tpu.memory_space<hbm>>) target_semaphore(%run_scoped3A : memref<!tpu.dma_semaphore, #tpu.memory_space<semaphore_mem>>)
      %dma_wait3A_665 = arith.constant 0 : i32
      %dma_wait3A_666 = tpu.memref_slice %arg6[%add3A, %dma_wait3A_665] : memref<32x65536xf32, #tpu.memory_space<hbm>> -> memref<1x65536xf32, #tpu.memory_space<hbm>>
      %dma_wait3A_667 = tpu.memref_squeeze %dma_wait3A_666 : memref<1x65536xf32, #tpu.memory_space<hbm>> -> memref<65536xf32, #tpu.memory_space<hbm>>
      %dma_wait3A_668 = arith.constant 0 : i32
      %dma_wait3A_669 = tpu.memref_slice %arg6[%add3A, %dma_wait3A_668] : memref<32x65536xf32, #tpu.memory_space<hbm>> -> memref<1x65536xf32, #tpu.memory_space<hbm>>
      %dma_wait3A_670 = tpu.memref_squeeze %dma_wait3A_669 : memref<1x65536xf32, #tpu.memory_space<hbm>> -> memref<65536xf32, #tpu.memory_space<hbm>>
      tpu.wait_dma2 semaphore(%run_scoped3A : memref<!tpu.dma_semaphore, #tpu.memory_space<semaphore_mem>>) src(%arg8 : memref<65536xf32, #tpu.memory_space<vmem>>) dst(%dma_wait3A_670 : memref<65536xf32, #tpu.memory_space<hbm>>)
      tpu.yield
    }) : () -> ()
    return
  }
}

module attributes {stable_mosaic.version = 14 : i64} {
  func.func @_combine_body(%arg0: memref<32x65536xf32, #tpu.memory_space<vmem>>, %arg1: memref<65536xf32, #tpu.memory_space<vmem>>, %arg2: memref<65536xf32, #tpu.memory_space<vmem>>) attributes {dimension_semantics = [], scalar_prefetch = 0 : i64, scratch_operands = 0 : i64, tpu.core_type = #tpu.core_type<tc>} {
    %get3A = arith.constant 0 : index
    %get3A_0 = arith.constant 0 : index
    %get3A_1 = vector.load %arg0[%get3A, %get3A_0] : memref<32x65536xf32, #tpu.memory_space<vmem>>, vector<32x65536xf32>
    %reduce_sum3A = arith.constant dense<0.000000e+00> : vector<65536xf32>
    %reduce_sum3A_2 = vector.multi_reduction <add>, %get3A_1, %reduce_sum3A [0] : vector<32x65536xf32> to vector<65536xf32>
    %get3A_3 = arith.constant 0 : index
    %get3A_4 = vector.load %arg1[%get3A_3] : memref<65536xf32, #tpu.memory_space<vmem>>, vector<65536xf32>
    %mul3A = arith.constant 5.000000e-01 : f32
    %mul3A_5 = vector.broadcast %mul3A : f32 to vector<65536xf32>
    %mul3A_6 = arith.mulf %mul3A_5, %get3A_4 : vector<65536xf32>
    %sub3A = arith.subf %reduce_sum3A_2, %mul3A_6 : vector<65536xf32>
    %swap3A = arith.constant 0 : index
    %swap3A_7 = vector.load %arg2[%swap3A] : memref<65536xf32, #tpu.memory_space<vmem>>, vector<65536xf32>
    tpu.vector_store %arg2[%swap3A], %sub3A {strides = array<i32>} : memref<65536xf32, #tpu.memory_space<vmem>>, vector<65536xf32>,
    return
  }
}

</mosaic_0001>

<sc_bundles>
// kernel: kernel.4.cloned.1.call-start
scs
__scs_entry_jumppad:
0x0: {  	(pc) =	sbr.rel $0x88, $3  }
0x1: {  	(tag) =	ssettag $0x0;
	lr =	simm.s32 $0x1  }
0x2: {  	[smem:$0x3F9D] =	sst lr;
	_ =	strace $0xD0000000  }
0x3: {  	_ = 	snop  }
0x4: {  	_ = 	snop  }
0x5: {  	_ = 	snop  }
0x6: {  	_ = 	snop  }
0x7: {  	_ = 	snop  }
__scs_overlays_trampoline_lowered:
0x8: {  	[smem:$0x3FAC] =	sst s0  }
0x9: {  	[smem:$0x3FAD] =	sst s1  }
0xa: {  	[smem:$0x3FAE] =	sst s2  }
0xb: {  	[smem:$0x3FAF] =	sst s3  }
0xc: {  	[smem:$0x3FB0] =	sst s4  }
0xd: {  	[smem:$0x3FB1] =	sst s5  }
0xe: {  	[smem:$0x3FB2] =	sst s6  }
0xf: {  	[smem:$0x3FB3] =	sst s7  }
0x10: {  	[smem:$0x3FB4] =	sst s8  }
0x11: {  	[smem:$0x3FB5] =	sst s9;
	s0 =	simm.s32 @!p0 $0x0  }
0x12: {  	s1 =	sld [smem:$0x3F9B];
	s0 =	simm.s32 @p0 $0x1  }
0x13: {  	[smem:$0x3FB6] =	sst s0;
	s0 =	simm.s32 @!p1 $0x0  }
0x14: {  	s2 =	sld [smem:$0x3F9A];
	s0 =	simm.s32 @p1 $0x1  }
0x15: {  	[smem:$0x3FB7] =	sst s0;
	s0 =	simm.s32 @!p2 $0x0  }
0x16: {  	s3 =	sld [smem:$0x3FDB];
	s0 =	simm.s32 @p2 $0x1  }
0x17: {  	s4 =	simm.s32 $0x1BF5;
	[smem:$0x3FB9] =	sst s0  }
0x18: {  	s0 =	sld [smem:$0x3F9C];
	_ =	swait.ge [sflag:s4], $0x0  }
0x19: {  	s7 =	sld [smem:$0x3F9D]  }
0x1a: {  	s8 =	sadd.s32 $0xFFFFE003, lr  }
0x1b: {  	s9 =	sadd.s32 $0xFFFFFEF7, lr;
	s5 =	simm.s32 $0xFFFFFFFF;
	p2 =	slt.u32 s8, $0xFFFFF086  }
0x1c: {  	p1 =	slt.u32 s9, $0xF7A;
	s5 =	simm.s32 @!p2 $0x0  }
0x1d: {  	s5 =	simm.s32 @p1 $0x1;
	p0 =	seq.s32 s7, s2  }
0x1e: {  	s7 =	smul.u32 @!p0 $0xF7A, s2;
	p2 =	seq.s32 @!p0 s5, $0x0  }
0x1f: {  	s9 =	smul.u32 $0xF7A, s1;
	s8 =	simm.s32 @!p0 $0x1BF5;
	p2 =	por !p2, p0  }
0x20: {  	[sflag:s8] =	ssyncset.s32 @!p0 $0xFFFFF086;
	s6 =	sadd.s32 @!p0 s3, s7;
	s7 =	simm.s32 @!p0 $0x108  }
0x21: {  	s3 =	sadd.s32 s3, s9;
	s6 =	sadd.s32 @!p0 $0x88, s6;
	s7 =	simm.s32 @p2 $0x1082  }
0x22: {  	[simem:s7], [sflag:s8] =	dma.local @!p0 [hbm:s6], $0xF7A  }
0x23: {  	s9 =	sor.u32 $0xD0000000, s2;
	s6 =	simm.s32 $0x108;
	_ =	swait.ge @!p0 [sflag:s8], $0x0  }
0x24: {  	s3 =	sadd.s32 $0x88, s3;
	s6 =	simm.s32 @!p1 $0x1082;
	[sflag:s4] =	ssyncset.s32 $0xFFFFF086  }
0x25: {  	[simem:s6], [sflag:s4] =	dma.local [hbm:s3], $0xF7A  }
0x26: {  	[smem:$0x3F9D] =	sst s1;
	(tag) =	ssettag s2;
	_ =	strace s9  }
0x27: {  	s1 =	sld [smem:$0x3FAD]  }
0x28: {  	s2 =	sld [smem:$0x3FAE]  }
0x29: {  	s4 =	sld [smem:$0x3FB0]  }
0x2a: {  	p0 =	seq.s32 s5, $0x0;
	s5 =	sld [smem:$0x3FB1]  }
0x2b: {  	s6 =	sld [smem:$0x3FB2]  }
0x2c: {  	s7 =	sld [smem:$0x3FB3]  }
0x2d: {  	s3 =	simm.s32 $0x108;
	s8 =	sld [smem:$0x3FB4]  }
0x2e: {  	s3 =	simm.s32 @!p0 $0x1082;
	s9 =	sld [smem:$0x3FB5]  }
0x2f: {  	lr =	sadd.s32 s0, s3;
	s0 =	sld [smem:$0x3FAC]  }
0x30: {  	s3 =	sld [smem:$0x3FAF]  }
0x31: {  	[smem:$0x3FB8] =	sst s10  }
0x32: {  	s10 =	sld [smem:$0x3FB6];
	_ =	sdelay $0x3  }
0x33: {  	p0 =	seq.s32 s10, $0x1;
	s10 =	sld [smem:$0x3FB8];
	_ =	sdelay $0x3  }
0x34: {  	[smem:$0x3FB8] =	sst s10  }
0x35: {  	s10 =	sld [smem:$0x3FB7];
	_ =	sdelay $0x3  }
0x36: {  	p1 =	seq.s32 s10, $0x1;
	s10 =	sld [smem:$0x3FB8];
	_ =	sdelay $0x3  }
0x37: {  	[smem:$0x3FB8] =	sst s10  }
0x38: {  	s10 =	sld [smem:$0x3FB9]  }
0x39: {  	_ = 	snop;
	(pc) =	sbr.ind lr, $3  }
0x3a: {  	_ = 	snop  }
0x3b: {  	_ = 	snop  }
0x3c: {  	p2 =	seq.s32 s10, $0x1;
	s10 =	sld [smem:$0x3FB8]  }
0x3d: {  	_ =	shalt  }
0x3e: {  	_ =	shalt  }
0x3f: {  	_ =	shalt  }
0x40: {  	_ =	shalt  }
0x41: {  	_ =	shalt  }
0x42: {  	_ =	shalt  }
0x43: {  	_ =	shalt  }
0x44: {  	_ =	shalt  }
0x45: {  	_ =	shalt  }
0x46: {  	_ =	shalt  }
0x47: {  	_ =	shalt  }
0x48: {  	_ =	shalt  }
0x49: {  	_ =	shalt  }
0x4a: {  	_ =	shalt  }
0x4b: {  	_ =	shalt  }
0x4c: {  	_ =	shalt  }
0x4d: {  	_ =	shalt  }
0x4e: {  	_ =	shalt  }
0x4f: {  	_ =	shalt  }
0x50: {  	_ =	shalt  }
0x51: {  	_ =	shalt  }
0x52: {  	_ =	shalt  }
0x53: {  	_ =	shalt  }
0x54: {  	_ =	shalt  }
0x55: {  	_ =	shalt  }
0x56: {  	_ =	shalt  }
0x57: {  	_ =	shalt  }
0x58: {  	_ =	shalt  }
0x59: {  	_ =	shalt  }
0x5a: {  	_ =	shalt  }
0x5b: {  	_ =	shalt  }
0x5c: {  	_ =	shalt  }
0x5d: {  	_ =	shalt  }
0x5e: {  	_ =	shalt  }
0x5f: {  	_ =	shalt  }
0x60: {  	_ =	shalt  }
0x61: {  	_ =	shalt  }
0x62: {  	_ =	shalt  }
0x63: {  	_ =	shalt  }
0x64: {  	_ =	shalt  }
0x65: {  	_ =	shalt  }
0x66: {  	_ =	shalt  }
0x67: {  	_ =	shalt  }
0x68: {  	_ =	shalt  }
0x69: {  	_ =	shalt  }
0x6a: {  	_ =	shalt  }
0x6b: {  	_ =	shalt  }
0x6c: {  	_ =	shalt  }
0x6d: {  	_ =	shalt  }
0x6e: {  	_ =	shalt  }
0x6f: {  	_ =	shalt  }
0x70: {  	_ =	shalt  }
0x71: {  	_ =	shalt  }
0x72: {  	_ =	shalt  }
0x73: {  	_ =	shalt  }
0x74: {  	_ =	shalt  }
0x75: {  	_ =	shalt  }
0x76: {  	_ =	shalt  }
0x77: {  	_ =	shalt  }
0x78: {  	_ =	shalt  }
0x79: {  	_ =	shalt  }
0x7a: {  	_ =	shalt  }
0x7b: {  	_ =	shalt  }
0x7c: {  	_ =	shalt  }
0x7d: {  	_ =	shalt  }
0x7e: {  	_ =	shalt  }
0x7f: {  	_ =	shalt  }
0x80: {  	_ =	shalt  }
0x81: {  	_ =	shalt  }
0x82: {  	_ =	shalt  }
0x83: {  	_ =	shalt  }
0x84: {  	_ =	shalt  }
0x85: {  	_ =	shalt  }
0x86: {  	_ =	shalt  }
0x87: {  	_ =	shalt  }
.Lfunc_end0:
.L_simem_size_0:
called_computation_lowered:
.L_overlay_start_0:
0x88: {  	s2 =	sld [smem:$0x3FD9]  }
0x89: {  	s3 =	sld [smem:$0x3FFE];
	_ =	sdelay $0x1  }
0x8a: {  	s1 =	srdreg.scid  }
0x8b: {  	s0 =	sand.u32 $0x1, s1  }
0x8c: {  	s17 =	sshll.u32 s0, $0xA;
	s2 =	sadd.s32 s3, s2  }
0x8d: {  	s2 =	sadd.s32 s2, s17  }
0x8e: {  	[smem:$0x3FC4] =	sst s2  }
0x8f: {  	_ = 	snop  }
0x90: {  	s2 =	sld [smem:$0x3FC9]  }
0x91: {  	s18 =	sld [smem:$0x3FC8]  }
0x92: {  	s4 =	sld [smem:$0x3FC7]  }
0x93: {  	s5 =	sld [smem:$0x3FC6];
	(tm) =	ssettm $0x1  }
0x94: {  	s6 =	sld [smem:$0x3FFB];
	_ =	sdelay $0x3  }
0x95: {  	_ =	strace s6  }
0x96: {  	s6 =	sld [smem:$0x3FFC];
	_ =	sdelay $0x3  }
0x97: {  	_ =	strace s6  }
0x98: {  	s6 =	sld [smem:$0x3FFD];
	_ =	sdelay $0x3  }
0x99: {  	_ =	strace s6  }
0x9a: {  	_ =	strace $0x8FFFFFFF  }
0x9b: {  	s19 =	sld [smem:$0x3FDB];
	_ =	sdelay $0x1  }
0x9c: {  	s7 =	simm.s32 $_scs_section_size  }
0x9d: {  	s8 =	simm.s32 $_size__tile_overlayer_lowered;
	s9 =	simm.s32 $_tile_overlayer_lowered  }
0x9e: {  	s22 =	simm.s32 $0x1BFF;
	s21 =	sshll.u32 s9, $0x1;
	s6 =	sadd.s32 s7, s19  }
0x9f: {  	s10 =	simm.s32 $0x0;
	s20 =	sshll.u32 s8, $0x1;
	s8 =	sadd.s32 s21, s6  }
0xa0: {  	[timem:s10], [sflag:s22] =	dma.local [hbm:s8], s20  }
0xa1: {  	_ =	swait.ge [sflag:s22], s20  }
0xa2: {  	s7 =	ssub.s32 $0x0, s20;
	[sflag:s22] =	ssyncset.done $0x0  }
0xa3: {  	[sflag:s22] =	ssyncadd.s32 s7;
	_ =	sdelay $0x1  }
0xa4: {  	s23 =	simm.s32 $0x1B8B  }
0xa5: {  	_ =	swait.ge [sflag:s23], $0x1  }
0xa6: {  	[sflag:s23] =	ssyncset.done $0x0  }
0xa7: {  	s25 =	simm.s32 $0x1B8E;
	s24 =	sld [smem:$0x3FFE];
	[sflag:s23] =	ssyncadd.s32 $0xFFFFFFFF  }
0xa8: {  	s26 =	simm.s32 $execute0_lowered;
	[smem:$0x3FD2] =	sst s25  }
0xa9: {  	s8 =	sshll.u32 s26, $0x1;
	_ =	strace $0x80000046;
	[dreg:$0x1] =	wrdreg $0xFFFFFFFF  }
0xaa: {  	s28 =	simm.s32 $_size_execute0_lowered;
	s6 =	sadd.s32 s6, s8;
	[dreg:$0x0] =	wrdreg $0x0  }
0xab: {  	s8 =	sshll.u32 s28, $0x1;
	[dreg:$0x2] =	wrdreg s6  }
0xac: {  	[dreg:$0x3] =	wrdreg s8  }
0xad: {  	[dreg:$0x4] =	wrdreg $0xC0  }
0xae: {  	_ =	task [dreg:s10], $0x5FFFF  }
0xaf: {  	[dreg:$0x1] =	wrdreg $0xFFFFFFFF  }
0xb0: {  	[dreg:$0x0] =	wrdreg $0x60  }
0xb1: {  	[dreg:$0x2] =	wrdreg s2  }
0xb2: {  	[dreg:$0x3] =	wrdreg s18  }
0xb3: {  	[dreg:$0x4] =	wrdreg s4  }
0xb4: {  	[dreg:$0x5] =	wrdreg s5  }
0xb5: {  	[dreg:$0x6] =	wrdreg s24  }
0xb6: {  	[dreg:$0x7] =	wrdreg $0x9  }
0xb7: {  	_ =	task.clear_ibuf [dreg:s10], $0x8FFFF;
	_ =	strace $0x90000046  }
0xb8: {  	s29 =	simm.s32 $0x9;
	_ =	strace $0x80000048  }
0xb9: {  	_ =	swait.ge [sflag:s29], $0x1  }
0xba: {  	[sflag:s29] =	ssyncadd.s32 $0xFFFFFFFF  }
0xbb: {  	_ =	strace $0x90000048  }
0xbc: {  	_ =	sfence  }
0xbd: {  	s30 =	sld [smem:$0x0];
	_ =	sdelay $0x2  }
0xbe: {  	s31 =	sshll.u32 s1, $0xD;
	s1 =	sshrl.u32 s1, $0x2  }
0xbf: {  	s3 =	sand.u32 $0x4000, s31;
	s1 =	sadd.s32 s1, s30  }
0xc0: {  	s0 =	sor.u32 s3, s0;
	s1 =	sshll.u32 s1, $0x11  }
0xc1: {  	s0 =	sor.u32 s1, s0  }
0xc2: {  	s0 =	sadd.s32 $0x8F2B, s0  }
0xc3: {  	[sflag:s0] =	ssyncadd.remote.s32 $0x1  }
0xc4: {  	_ =	sfence.sel $0xFFFF  }
0xc5: {  	[dreg:$0x0] =	wrdreg $0xFFFFFFFF;
	(pc) =	sbr.abs _section_cstart, $3  }
0xc6: {  	[dreg:$0x1] =	wrdreg $0xFFFFFFFF  }
0xc7: {  	_ =	task.clear_ibuf [dreg:s10], $0x2FFFF;
	_ =	strace $0x9FFFFFFF  }
0xc8: {  	(tm) =	ssettm $0x7FFFFFFF  }
0xc9: {  	_ =	shalt  }
tec
execute0_lowered:
.L_overlay_start_1:
0x0: {  	(tag) =	ssettag $0x1  }
0x1: {  	s0 =	srdreg.scid;
	s5 =	rddreg [dreg:$0x0]  }
0x2: {  	s1 =	stileid.u32;
	s3 =	rddreg [dreg:$0x4];
	s28 =	simm.s32 $0x1  }
0x3: {  	s2 =	sand.u32 $0x1, s0;
	s23 =	sshll.u32 s1, $0x1;
	s1 =	simm.s32 $0x0  }
0x4: {  	s31 =	simm.s32 $0x8000;
	s7 =	sor.u32 s2, s23;
	[smem:$0x7FF] =	sst s1  }
0x5: {  	s4 =	ssub.s32 $0x2, s2;
	s0 =	sshll.u32 s7, $0xD;
	s24 =	sadd.s32 $0x1, s7  }
0x6: {  	s6 =	sshrl.u32 s4, $0x1;
	s9 =	sadd.s32 $0x3, s7;
	s10 =	sadd.s32 $0x4, s7  }
0x7: {  	s16 =	sadd.s32 $0x5, s7;
	s17 =	sadd.s32 $0x6, s7;
	s22 =	sadd.s32 $0x9, s7  }
0x8: {  	s0 =	sadd.s32 s0, s3;
	s3 =	sand.u32 $0xF, s7;
	s2 =	sand.u32 $0xF, s24  }
0x9: {  	s4 =	ssub.s32 s4, s6;
	s9 =	sand.u32 $0xF, s9;
	s25 =	sshll.u32 s3, $0x9  }
0xa: {  	s8 =	sshll.u32 s2, $0x9;
	s13 =	sshll.u32 s9, $0x9;
	s6 =	sadd.s32 s5, s25  }
0xb: {  	s26 =	sadd.s32 s5, s8;
	s8 =	sadd.s32 $0x2, s7;
	[dreg:$0x6] =	wrdreg s6  }
0xc: {  	s25 =	sadd.s32 $0xB, s7;
	[dreg:$0x7] =	wrdreg s26;
	s6 =	sand.u32 $0xF, s8  }
0xd: {  	s8 =	sand.u32 $0xF, s10;
	s10 =	sadd.s32 s5, s13;
	s13 =	sadd.s32 $0x7, s7  }
0xe: {  	s26 =	sadd.s32 $0xC, s7;
	s11 =	sshll.u32 s6, $0x9;
	s14 =	sshll.u32 s8, $0x9  }
0xf: {  	[dreg:$0x9] =	wrdreg s10;
	s10 =	sand.u32 $0xF, s16;
	s12 =	sadd.s32 s5, s11  }
0x10: {  	s15 =	sadd.s32 s5, s14;
	s14 =	sshll.u32 s10, $0x9;
	[dreg:$0x8] =	wrdreg s12  }
0x11: {  	s11 =	sand.u32 $0xF, s13;
	[dreg:$0xa] =	wrdreg s15;
	s12 =	sand.u32 $0xF, s17  }
0x12: {  	s18 =	sadd.s32 s5, s14;
	s20 =	sshll.u32 s11, $0x9;
	s14 =	sand.u32 $0xF, s22  }
0x13: {  	s15 =	sadd.s32 $0xA, s7;
	[dreg:$0xb] =	wrdreg s18;
	s19 =	sshll.u32 s12, $0x9  }
0x14: {  	s21 =	sadd.s32 s5, s20;
	s15 =	sand.u32 $0xF, s15;
	s17 =	sshll.u32 s14, $0x9  }
0x15: {  	s20 =	sand.u32 $0xF, s25;
	s18 =	sadd.s32 $0xD, s7;
	s13 =	sadd.s32 s5, s19  }
0x16: {  	[dreg:$0xd] =	wrdreg s21;
	s23 =	sadd.s32 s5, s17;
	s24 =	sshll.u32 s15, $0x9  }
0x17: {  	s17 =	sand.u32 $0xF, s26;
	s21 =	sand.u32 $0xF, s18;
	[dreg:$0xc] =	wrdreg s13  }
0x18: {  	s13 =	sxor.u32 $0x8, s3;
	[dreg:$0xf] =	wrdreg s23;
	s18 =	sshll.u32 s17, $0x9  }
0x19: {  	s16 =	sshll.u32 s13, $0x9;
	s22 =	sadd.s32 s5, s18;
	s18 =	rddreg [dreg:$0x2]  }
0x1a: {  	s19 =	sshll.u32 s20, $0x9;
	s16 =	sadd.s32 s5, s16;
	[dreg:$0x12] =	wrdreg s22  }
0x1b: {  	s23 =	sshll.u32 s21, $0x9;
	[dreg:$0xe] =	wrdreg s16;
	s16 =	sadd.s32 s5, s24  }
0x1c: {  	s24 =	sadd.s32 $0xE, s7;
	[dreg:$0x10] =	wrdreg s16;
	s16 =	sadd.s32 s5, s19  }
0x1d: {  	s22 =	sand.u32 $0xF, s24;
	s19 =	sadd.s32 $0xFFFFFFFF, s7;
	[dreg:$0x11] =	wrdreg s16  }
0x1e: {  	s16 =	sadd.s32 s5, s23;
	s23 =	sand.u32 $0xF, s19;
	s19 =	rddreg [dreg:$0x3]  }
0x1f: {  	s0 =	sadd.s32 $0x600, s0;
	s24 =	sshll.u32 s22, $0x9;
	[dreg:$0x13] =	wrdreg s16  }
0x20: {  	s16 =	rddreg [dreg:$0x1];
	s24 =	sadd.s32 s5, s24;
	s25 =	sshll.u32 s23, $0x9  }
0x21: {  	s11 =	sshll.u32 s11, $0xB;
	[dreg:$0x14] =	wrdreg s24;
	s5 =	sadd.s32 s5, s25  }
0x22: {  	[dreg:$0x15] =	wrdreg s5;
	s5 =	sshll.u32 s7, $0xE;
	s7 =	sshll.u32 s7, $0x11  }
0x23: {  	_ =	strace $0x80000047;
	s26 =	sadd.s32 s16, s5;
	s24 =	sor.u32 $0x200, s5  }
0x24: {  	s25 =	sadd.s32 s18, s5;
	s5 =	sadd.s32 s19, s5;
	[dreg:$0x1c] =	wrdreg s0  }
0x25: {  	s29 =	sor.u32 $0x2000, s7;
	s30 =	sor.u32 $0x3000, s7;
	[dreg:$0x16] =	wrdreg s26  }
0x26: {  	s7 =	sshll.u32 s8, $0xB;
	s8 =	sshll.u32 s10, $0xB;
	[dreg:$0x17] =	wrdreg s25  }
0x27: {  	[dreg:$0x18] =	wrdreg s5;
	s25 =	sadd.s32 s16, s24;
	s26 =	sadd.s32 s18, s24  }
0x28: {  	s24 =	sadd.s32 s19, s24;
	s5 =	sshll.u32 s9, $0xB;
	s9 =	sshll.u32 s12, $0xB  }
0x29: {  	s12 =	sshll.u32 s13, $0xB;
	s13 =	sshll.u32 s14, $0xB;
	[dreg:$0x19] =	wrdreg s25  }
0x2a: {  	s14 =	sshll.u32 s15, $0xB;
	s15 =	sshll.u32 s20, $0xB;
	[dreg:$0x1a] =	wrdreg s26  }
0x2b: {  	s20 =	sshll.u32 s17, $0xB;
	s17 =	simm.s32 $0x2;
	[dreg:$0x1b] =	wrdreg s24  }
0x2c: {  	s25 =	sshll.u32 s3, $0xB;
	s26 =	smax.u32 s4, $0x1;
	s3 =	sshll.u32 s2, $0xB  }
0x2d: {  	s4 =	sshll.u32 s6, $0xB;
	s6 =	sor.u32 $0x40, s5;
	s10 =	sor.u32 $0x40, s9  }
0x2e: {  	s9 =	sor.u32 $0x40, s12;
	s12 =	sor.u32 $0x40, s15;
	[dreg:$0x1d] =	wrdreg s26  }
0x2f: {  	s24 =	sshll.u32 s21, $0xB;
	s21 =	simm.s32 $0x1C000;
	[smem:$0x7FA] =	sst s6  }
0x30: {  	s0 =	sor.u32 $0x40, s25;
	[smem:$0x7FD] =	sst s10;
	s10 =	sor.u32 $0x40, s13  }
0x31: {  	s13 =	sor.u32 $0x40, s20;
	s25 =	sshll.u32 s22, $0xB;
	s26 =	sshll.u32 s23, $0xB  }
0x32: {  	s22 =	simm.s32 $0x1D000;
	s23 =	simm.s32 $0x3;
	[dreg:$0x1e] =	wrdreg s0  }
0x33: {  	s0 =	sor.u32 $0x40, s3;
	s15 =	sor.u32 $0x40, s25;
	s20 =	sor.u32 $0x40, s26  }
.Ltmp0:
0x34: {  	[dreg:$0x1f] =	wrdreg s0;
	s0 =	sor.u32 $0x40, s4;
	(pc) =	sbr.rel .LBB2_1-.Ltmp0, $4  }
0x35: {  	s25 =	simm.s32 $0x19000;
	[smem:$0x7F9] =	sst s0;
	s0 =	sor.u32 $0x40, s7  }
0x36: {  	s26 =	simm.s32 $0x1B000;
	[smem:$0x7FB] =	sst s0;
	s0 =	sor.u32 $0x40, s8  }
0x37: {  	s8 =	sor.u32 $0x40, s11;
	s11 =	sor.u32 $0x40, s14;
	s14 =	sor.u32 $0x40, s24  }
0x38: {  	v0 =	vimm.f32 $0.0e+00;
	s24 =	simm.s32 $0x4;
	[smem:$0x7FC] =	sst s0;
	s0 =	simm.s32 $0x0  }
.LBB2_42:
0x39: {  	s2 =	rddreg [dreg:$0x1c];
	s3 =	simm.s32 $0x5  }
0x3a: {  	[hbm4b:s2+s1] =	stream.linear.scatter [tilespmem:s31], [sflag:$0x5], $0x10000, $0x38;
	[tilespmem:$0x1E000] =	vst v63  }
0x3b: {  	_ =	swait.ge [sflag:s3], $0x10000  }
0x3c: {  	s0 =	sadd.s32 $0x1, s0;
	s7 =	rddreg [dreg:$0x1d]  }
0x3d: {  	p0 =	sne.s32 s0, s7  }
.Ltmp1:
0x3e: {  	_ = 	snop;
	(pc) =	sbr.rel @!p0 .LBB2_43-.Ltmp1, $3  }
0x3f: {  	_ =	sdelay $0x1  }
0x40: {  	[sflag:s3] =	ssyncset.done $0x0  }
0x41: {  	[sflag:s3] =	ssyncadd.s32 $0xFFFF0000  }
.LBB2_1:
0x42: {  	s2 =	rddreg [dreg:$0x6]  }
0x43: {  	[tilespmem:s21], [sflag:$0x3] =	stream.linear.gather [hbm4b:s2+s1], $0x1000, $0x38;
	[tilespmem:$0x1E000] =	vst v63  }
0x44: {  	s6 =	rddreg [dreg:$0x7]  }
0x45: {  	[tilespmem:s22], [sflag:$0x4] =	stream.linear.gather [hbm4b:s6+s1], $0x1000, $0x38;
	[tilespmem:$0x1E000] =	vst v63  }
0x46: {  	_ =	swait.ge [sflag:s23], $0x1000  }
0x47: {  	[sflag:s23] =	ssyncset.done $0x0  }
0x48: {  	s7 =	simm.s32 $0x1C080;
	[sflag:s23] =	ssyncadd.s32 $0xFFFFF000  }
0x49: {  	v1 =	vld [tilespmem:s7+$0x60]  }
0x4a: {  	v2 =	vld [tilespmem:s7+$0x70]  }
0x4b: {  	v3 =	vld [tilespmem:s7+$0xFFFFFF90]  }
0x4c: {  	v4 =	vld [tilespmem:s7+$0xFFFFFFA0]  }
0x4d: {  	v5 =	vld [tilespmem:s7+$0xFFFFFFB0]  }
0x4e: {  	v6 =	vld [tilespmem:s7+$0xFFFFFFC0]  }
0x4f: {  	v7 =	vld [tilespmem:s7+$0xFFFFFFD0]  }
0x50: {  	v8 =	vld [tilespmem:s7+$0xFFFFFFE0];
	v2 =	vadd.s32 $0x8000, v2  }
0x51: {  	v9 =	vld [tilespmem:s7+$0xFFFFFFF0];
	v1 =	vadd.s32 $0x8000, v1;
	v3 =	vadd.s32 $0x8000, v3;
	v2 =	vand.u32 $0xFFFF0000, v2  }
0x52: {  	v11 =	vld [tilespmem:s7+$0x0];
	v10 =	vshrl.u32 v1, $0x10;
	v1 =	vand.u32 $0xFFFF0000, v3;
	v3 =	vadd.s32 $0x8000, v4  }
0x53: {  	v12 =	vld [tilespmem:s7+$0x10];
	v10 =	vor.u32 v10, v2;
	v2 =	vadd.s32 $0x8000, v5;
	v3 =	vshrl.u32 v3, $0x10  }
0x54: {  	v5 =	vadd.s32 $0x8000, v6;
	v6 =	vadd.s32 $0x8000, v7;
	v4 =	vand.u32 $0xFFFF0000, v2;
	v2 =	vld [tilespmem:s7+$0x20]  }
0x55: {  	s5 =	rddreg [dreg:$0x1e];
	v7 =	vor.u32 v3, v4;
	v3 =	vshrl.u32 v5, $0x10;
	v5 =	vand.u32 $0xFFFF0000, v6;
	v4 =	vld [tilespmem:s7+$0x30]  }
0x56: {  	[tilespmem:s5+$0x30] =	vst v10;
	v6 =	vadd.s32 $0x8000, v8;
	v8 =	vadd.s32 $0x8000, v9;
	v5 =	vor.u32 v3, v5;
	v3 =	vld [tilespmem:s7+$0x40]  }
0x57: {  	v10 =	vadd.s32 $0x8000, v11;
	[tilespmem:s5+$0xFFFFFFD0] =	vst v7;
	v7 =	vshrl.u32 v6, $0x10;
	v8 =	vand.u32 $0xFFFF0000, v8;
	v6 =	vld [tilespmem:s7+$0x50]  }
0x58: {  	s3 =	simm.s32 $0x0;
	s4 =	simm.s32 $0x1C180;
	s2 =	smov.u32 s5;
	v9 =	vadd.s32 $0x8000, v12;
	[tilespmem:s5+$0xFFFFFFE0] =	vst v5;
	v5 =	vld [tilespmem:s7+$0xFFFFFF80];
	v7 =	vor.u32 v7, v8;
	v8 =	vshrl.u32 v10, $0x10  }
.LBB2_2:
0x59: {  	v10 =	vld [tilespmem:s4+$0x60];
	[tilespmem:s2+$0xFFFFFFF0] =	vst v7;
	v7 =	vand.u32 $0xFFFF0000, v9;
	v2 =	vadd.s32 $0x8000, v2  }
0x5a: {  	s3 =	sadd.s32 $0x8, s3;
	v9 =	vld [tilespmem:s4+$0x70];
	v7 =	vor.u32 v8, v7;
	v4 =	vadd.s32 $0x8000, v4;
	v2 =	vshrl.u32 v2, $0x10  }
0x5b: {  	p0 =	slt.u32 s3, $0x78;
	v8 =	vld [tilespmem:s4+$0xFFFFFF90];
	[tilespmem:s2+$0x0] =	vst v7;
	v4 =	vand.u32 $0xFFFF0000, v4;
	v3 =	vadd.s32 $0x8000, v3  }
0x5c: {  	v7 =	vld [tilespmem:s4+$0xFFFFFFA0];
	v2 =	vor.u32 v2, v4;
	v4 =	vadd.s32 $0x8000, v6;
	v3 =	vshrl.u32 v3, $0x10  }
0x5d: {  	v6 =	vld [tilespmem:s4+$0xFFFFFFB0];
	v5 =	vadd.s32 $0x8000, v5;
	[tilespmem:s2+$0x10] =	vst v2;
	v2 =	vand.u32 $0xFFFF0000, v4  }
0x5e: {  	v4 =	vld [tilespmem:s4+$0xFFFFFFC0];
	v5 =	vshrl.u32 v5, $0x10;
	v2 =	vor.u32 v3, v2  }
0x5f: {  	v10 =	vadd.s32 $0x8000, v10;
	v3 =	vld [tilespmem:s4+$0xFFFFFFD0];
	v9 =	vadd.s32 $0x8000, v9;
	v1 =	vor.u32 v5, v1;
	[tilespmem:s2+$0x20] =	vst v2  }
0x60: {  	v2 =	vadd.s32 $0x8000, v8;
	v5 =	vld [tilespmem:s4+$0xFFFFFFE0];
	v8 =	vand.u32 $0xFFFF0000, v9;
	v9 =	vshrl.u32 v10, $0x10;
	[tilespmem:s2+$0xFFFFFFC0] =	vst v1  }
0x61: {  	s2 =	sadd.s32 $0x80, s2;
	v1 =	vand.u32 $0xFFFF0000, v2;
	v2 =	vadd.s32 $0x8000, v7;
	v7 =	vld [tilespmem:s4+$0xFFFFFFF0];
	v8 =	vor.u32 v9, v8  }
0x62: {  	v6 =	vadd.s32 $0x8000, v6;
	v2 =	vshrl.u32 v2, $0x10;
	v9 =	vld [tilespmem:s4+$0x0];
	[tilespmem:s2+$0x30] =	vst v8  }
0x63: {  	v6 =	vand.u32 $0xFFFF0000, v6;
	v4 =	vadd.s32 $0x8000, v4;
	v8 =	vld [tilespmem:s4+$0x10]  }
.Ltmp2:
0x64: {  	v6 =	vor.u32 v2, v6;
	v3 =	vadd.s32 $0x8000, v3;
	v10 =	vshrl.u32 v4, $0x10;
	v2 =	vld [tilespmem:s4+$0x20];
	(pc) =	sbr.rel @p0 .LBB2_2-.Ltmp2, $4  }
0x65: {  	[tilespmem:s2+$0xFFFFFFD0] =	vst v6;
	v3 =	vand.u32 $0xFFFF0000, v3;
	v5 =	vadd.s32 $0x8000, v5;
	v4 =	vld [tilespmem:s4+$0x30]  }
0x66: {  	v6 =	vor.u32 v10, v3;
	v7 =	vadd.s32 $0x8000, v7;
	v10 =	vshrl.u32 v5, $0x10;
	v3 =	vld [tilespmem:s4+$0x40]  }
0x67: {  	[tilespmem:s2+$0xFFFFFFE0] =	vst v6;
	v7 =	vand.u32 $0xFFFF0000, v7;
	v11 =	vadd.s32 $0x8000, v9;
	v6 =	vld [tilespmem:s4+$0x50]  }
0x68: {  	v5 =	vld [tilespmem:s4+$0xFFFFFF80];
	v7 =	vor.u32 v10, v7;
	v9 =	vadd.s32 $0x8000, v8;
	v8 =	vshrl.u32 v11, $0x10;
	s4 =	sadd.s32 $0x100, s4  }
0x69: {  	_ = 	snop  }
0x6a: {  	v9 =	vand.u32 $0xFFFF0000, v9;
	v2 =	vadd.s32 $0x8000, v2;
	v4 =	vadd.s32 $0x8000, v4  }
0x6b: {  	v8 =	vor.u32 v8, v9;
	v2 =	vshrl.u32 v2, $0x10;
	v4 =	vand.u32 $0xFFFF0000, v4  }
0x6c: {  	[tilespmem:s2+$0xFFFFFFF0] =	vst v7;
	v3 =	vadd.s32 $0x8000, v3;
	v2 =	vor.u32 v2, v4;
	v4 =	vadd.s32 $0x8000, v6  }
0x6d: {  	[tilespmem:s2+$0x0] =	vst v8;
	v3 =	vshrl.u32 v3, $0x10;
	v5 =	vadd.s32 $0x8000, v5;
	v4 =	vand.u32 $0xFFFF0000, v4  }
0x6e: {  	[tilespmem:s2+$0x10] =	vst v2;
	v2 =	vshrl.u32 v5, $0x10;
	v3 =	vor.u32 v3, v4  }
0x6f: {  	v1 =	vor.u32 v2, v1;
	[tilespmem:s2+$0x20] =	vst v3  }
0x70: {  	[tilespmem:s2+$0xFFFFFFC0] =	vst v1  }
0x71: {  	s2 =	rddreg [dreg:$0x8]  }
0x72: {  	[tilespmem:s21], [sflag:$0x3] =	stream.linear.gather [hbm4b:s2+s1], $0x1000, $0x38;
	[tilespmem:$0x1E000] =	vst v63  }
0x73: {  	_ =	swait.ge [sflag:s24], $0x1000  }
0x74: {  	[sflag:s24] =	ssyncset.done $0x0  }
0x75: {  	s7 =	simm.s32 $0x1D0F0;
	[sflag:s24] =	ssyncadd.s32 $0xFFFFF000  }
0x76: {  	v1 =	vld [tilespmem:s7+$0xFFFFFFF0]  }
0x77: {  	v2 =	vld [tilespmem:s7+$0x0]  }
0x78: {  	v3 =	vld [tilespmem:s7+$0xFFFFFF20]  }
0x79: {  	v4 =	vld [tilespmem:s7+$0xFFFFFF30]  }
0x7a: {  	v5 =	vld [tilespmem:s7+$0xFFFFFF40]  }
0x7b: {  	v6 =	vld [tilespmem:s7+$0xFFFFFF50]  }
0x7c: {  	v7 =	vld [tilespmem:s7+$0xFFFFFF60]  }
0x7d: {  	v8 =	vld [tilespmem:s7+$0xFFFFFF70];
	v2 =	vadd.s32 $0x8000, v2  }
0x7e: {  	v9 =	vld [tilespmem:s7+$0xFFFFFF80];
	v1 =	vadd.s32 $0x8000, v1;
	v3 =	vadd.s32 $0x8000, v3;
	v2 =	vand.u32 $0xFFFF0000, v2  }
0x7f: {  	v11 =	vld [tilespmem:s7+$0xFFFFFF90];
	v10 =	vshrl.u32 v1, $0x10;
	v1 =	vand.u32 $0xFFFF0000, v3;
	v3 =	vadd.s32 $0x8000, v4  }
0x80: {  	v12 =	vld [tilespmem:s7+$0xFFFFFFA0];
	v10 =	vor.u32 v10, v2;
	v2 =	vadd.s32 $0x8000, v5;
	v3 =	vshrl.u32 v3, $0x10  }
0x81: {  	v5 =	vadd.s32 $0x8000, v6;
	v6 =	vadd.s32 $0x8000, v7;
	v4 =	vand.u32 $0xFFFF0000, v2;
	v2 =	vld [tilespmem:s7+$0xFFFFFFB0]  }
0x82: {  	s5 =	rddreg [dreg:$0x1f];
	v7 =	vor.u32 v3, v4;
	v3 =	vshrl.u32 v5, $0x10;
	v5 =	vand.u32 $0xFFFF0000, v6;
	v4 =	vld [tilespmem:s7+$0xFFFFFFC0]  }
0x83: {  	[tilespmem:s5+$0x30] =	vst v10;
	v6 =	vadd.s32 $0x8000, v8;
	v8 =	vadd.s32 $0x8000, v9;
	v5 =	vor.u32 v3, v5;
	v3 =	vld [tilespmem:s7+$0xFFFFFFD0]  }
0x84: {  	v10 =	vadd.s32 $0x8000, v11;
	[tilespmem:s5+$0xFFFFFFD0] =	vst v7;
	v7 =	vshrl.u32 v6, $0x10;
	v8 =	vand.u32 $0xFFFF0000, v8;
	v6 =	vld [tilespmem:s7+$0xFFFFFFE0]  }
0x85: {  	s3 =	simm.s32 $0x0;
	s4 =	simm.s32 $0x1D1F0;
	s2 =	smov.u32 s5;
	v9 =	vadd.s32 $0x8000, v12;
	[tilespmem:s5+$0xFFFFFFE0] =	vst v5;
	v5 =	vld [tilespmem:s7+$0xFFFFFF10];
	v7 =	vor.u32 v7, v8;
	v8 =	vshrl.u32 v10, $0x10  }
.LBB2_4:
0x86: {  	v10 =	vld [tilespmem:s4+$0xFFFFFFF0];
	[tilespmem:s2+$0xFFFFFFF0] =	vst v7;
	v7 =	vand.u32 $0xFFFF0000, v9;
	v2 =	vadd.s32 $0x8000, v2  }
0x87: {  	s3 =	sadd.s32 $0x8, s3;
	v9 =	vld [tilespmem:s4+$0x0];
	v7 =	vor.u32 v8, v7;
	v4 =	vadd.s32 $0x8000, v4;
	v2 =	vshrl.u32 v2, $0x10  }
0x88: {  	p0 =	slt.u32 s3, $0x78;
	v8 =	vld [tilespmem:s4+$0xFFFFFF20];
	[tilespmem:s2+$0x0] =	vst v7;
	v4 =	vand.u32 $0xFFFF0000, v4;
	v3 =	vadd.s32 $0x8000, v3  }
0x89: {  	v7 =	vld [tilespmem:s4+$0xFFFFFF30];
	v2 =	vor.u32 v2, v4;
	v4 =	vadd.s32 $0x8000, v6;
	v3 =	vshrl.u32 v3, $0x10  }
0x8a: {  	v6 =	vld [tilespmem:s4+$0xFFFFFF40];
	v5 =	vadd.s32 $0x8000, v5;
	[tilespmem:s2+$0x10] =	vst v2;
	v2 =	vand.u32 $0xFFFF0000, v4  }
0x8b: {  	v4 =	vld [tilespmem:s4+$0xFFFFFF50];
	v5 =	vshrl.u32 v5, $0x10;
	v2 =	vor.u32 v3, v2  }
0x8c: {  	v10 =	vadd.s32 $0x8000, v10;
	v3 =	vld [tilespmem:s4+$0xFFFFFF60];
	v9 =	vadd.s32 $0x8000, v9;
	v1 =	vor.u32 v5, v1;
	[tilespmem:s2+$0x20] =	vst v2  }
0x8d: {  	v2 =	vadd.s32 $0x8000, v8;
	v5 =	vld [tilespmem:s4+$0xFFFFFF70];
	v8 =	vand.u32 $0xFFFF0000, v9;
	v9 =	vshrl.u32 v10, $0x10;
	[tilespmem:s2+$0xFFFFFFC0] =	vst v1  }
0x8e: {  	s2 =	sadd.s32 $0x80, s2;
	v1 =	vand.u32 $0xFFFF0000, v2;
	v2 =	vadd.s32 $0x8000, v7;
	v7 =	vld [tilespmem:s4+$0xFFFFFF80];
	v8 =	vor.u32 v9, v8  }
0x8f: {  	v6 =	vadd.s32 $0x8000, v6;
	v2 =	vshrl.u32 v2, $0x10;
	v9 =	vld [tilespmem:s4+$0xFFFFFF90];
	[tilespmem:s2+$0x30] =	vst v8  }
0x90: {  	v6 =	vand.u32 $0xFFFF0000, v6;
	v4 =	vadd.s32 $0x8000, v4;
	v8 =	vld [tilespmem:s4+$0xFFFFFFA0]  }
.Ltmp3:
0x91: {  	v6 =	vor.u32 v2, v6;
	v3 =	vadd.s32 $0x8000, v3;
	v10 =	vshrl.u32 v4, $0x10;
	v2 =	vld [tilespmem:s4+$0xFFFFFFB0];
	(pc) =	sbr.rel @p0 .LBB2_4-.Ltmp3, $4  }
0x92: {  	[tilespmem:s2+$0xFFFFFFD0] =	vst v6;
	v3 =	vand.u32 $0xFFFF0000, v3;
	v5 =	vadd.s32 $0x8000, v5;
	v4 =	vld [tilespmem:s4+$0xFFFFFFC0]  }
0x93: {  	v6 =	vor.u32 v10, v3;
	v7 =	vadd.s32 $0x8000, v7;
	v10 =	vshrl.u32 v5, $0x10;
	v3 =	vld [tilespmem:s4+$0xFFFFFFD0]  }
0x94: {  	[tilespmem:s2+$0xFFFFFFE0] =	vst v6;
	v7 =	vand.u32 $0xFFFF0000, v7;
	v11 =	vadd.s32 $0x8000, v9;
	v6 =	vld [tilespmem:s4+$0xFFFFFFE0]  }
0x95: {  	v5 =	vld [tilespmem:s4+$0xFFFFFF10];
	v7 =	vor.u32 v10, v7;
	v9 =	vadd.s32 $0x8000, v8;
	v8 =	vshrl.u32 v11, $0x10;
	s4 =	sadd.s32 $0x100, s4  }
0x96: {  	_ = 	snop  }
0x97: {  	v9 =	vand.u32 $0xFFFF0000, v9;
	v2 =	vadd.s32 $0x8000, v2;
	v4 =	vadd.s32 $0x8000, v4  }
0x98: {  	v8 =	vor.u32 v8, v9;
	v2 =	vshrl.u32 v2, $0x10;
	v4 =	vand.u32 $0xFFFF0000, v4  }
0x99: {  	[tilespmem:s2+$0xFFFFFFF0] =	vst v7;
	v3 =	vadd.s32 $0x8000, v3;
	v2 =	vor.u32 v2, v4;
	v4 =	vadd.s32 $0x8000, v6  }
0x9a: {  	[tilespmem:s2+$0x0] =	vst v8;
	v3 =	vshrl.u32 v3, $0x10;
	v5 =	vadd.s32 $0x8000, v5;
	v4 =	vand.u32 $0xFFFF0000, v4  }
0x9b: {  	[tilespmem:s2+$0x10] =	vst v2;
	v2 =	vshrl.u32 v5, $0x10;
	v3 =	vor.u32 v3, v4  }
0x9c: {  	v1 =	vor.u32 v2, v1;
	[tilespmem:s2+$0x20] =	vst v3  }
0x9d: {  	[tilespmem:s2+$0xFFFFFFC0] =	vst v1  }
0x9e: {  	s2 =	rddreg [dreg:$0x9]  }
0x9f: {  	[tilespmem:s22], [sflag:$0x4] =	stream.linear.gather [hbm4b:s2+s1], $0x1000, $0x38;
	[tilespmem:$0x1E000] =	vst v63  }
0xa0: {  	_ =	swait.ge [sflag:s23], $0x1000  }
0xa1: {  	[sflag:s23] =	ssyncset.done $0x0  }
0xa2: {  	s7 =	simm.s32 $0x1C080;
	[sflag:s23] =	ssyncadd.s32 $0xFFFFF000  }
0xa3: {  	v1 =	vld [tilespmem:s7+$0x60]  }
0xa4: {  	v2 =	vld [tilespmem:s7+$0x70]  }
0xa5: {  	v3 =	vld [tilespmem:s7+$0xFFFFFF90]  }
0xa6: {  	v4 =	vld [tilespmem:s7+$0xFFFFFFA0]  }
0xa7: {  	v5 =	vld [tilespmem:s7+$0xFFFFFFB0]  }
0xa8: {  	v6 =	vld [tilespmem:s7+$0xFFFFFFC0]  }
0xa9: {  	v7 =	vld [tilespmem:s7+$0xFFFFFFD0]  }
0xaa: {  	v8 =	vld [tilespmem:s7+$0xFFFFFFE0];
	v2 =	vadd.s32 $0x8000, v2  }
0xab: {  	v9 =	vld [tilespmem:s7+$0xFFFFFFF0];
	v1 =	vadd.s32 $0x8000, v1;
	v3 =	vadd.s32 $0x8000, v3;
	v2 =	vand.u32 $0xFFFF0000, v2  }
0xac: {  	v11 =	vld [tilespmem:s7+$0x0];
	v10 =	vshrl.u32 v1, $0x10;
	v1 =	vand.u32 $0xFFFF0000, v3;
	v3 =	vadd.s32 $0x8000, v4  }
0xad: {  	s5 =	sld [smem:$0x7F9];
	v12 =	vld [tilespmem:s7+$0x10];
	v10 =	vor.u32 v10, v2;
	v2 =	vadd.s32 $0x8000, v5;
	v3 =	vshrl.u32 v3, $0x10  }
0xae: {  	v5 =	vadd.s32 $0x8000, v6;
	v6 =	vadd.s32 $0x8000, v7;
	v4 =	vand.u32 $0xFFFF0000, v2;
	v2 =	vld [tilespmem:s7+$0x20]  }
0xaf: {  	v7 =	vor.u32 v3, v4;
	v3 =	vshrl.u32 v5, $0x10;
	v5 =	vand.u32 $0xFFFF0000, v6;
	v4 =	vld [tilespmem:s7+$0x30]  }
0xb0: {  	[tilespmem:s5+$0x30] =	vst v10;
	v6 =	vadd.s32 $0x8000, v8;
	v8 =	vadd.s32 $0x8000, v9;
	v5 =	vor.u32 v3, v5;
	v3 =	vld [tilespmem:s7+$0x40]  }
0xb1: {  	v10 =	vadd.s32 $0x8000, v11;
	[tilespmem:s5+$0xFFFFFFD0] =	vst v7;
	v7 =	vshrl.u32 v6, $0x10;
	v8 =	vand.u32 $0xFFFF0000, v8;
	v6 =	vld [tilespmem:s7+$0x50]  }
0xb2: {  	s3 =	simm.s32 $0x0;
	s4 =	simm.s32 $0x1C180;
	s2 =	smov.u32 s5;
	v9 =	vadd.s32 $0x8000, v12;
	[tilespmem:s5+$0xFFFFFFE0] =	vst v5;
	v5 =	vld [tilespmem:s7+$0xFFFFFF80];
	v7 =	vor.u32 v7, v8;
	v8 =	vshrl.u32 v10, $0x10  }
.LBB2_6:
0xb3: {  	v10 =	vld [tilespmem:s4+$0x60];
	[tilespmem:s2+$0xFFFFFFF0] =	vst v7;
	v7 =	vand.u32 $0xFFFF0000, v9;
	v2 =	vadd.s32 $0x8000, v2  }
0xb4: {  	s3 =	sadd.s32 $0x8, s3;
	v9 =	vld [tilespmem:s4+$0x70];
	v7 =	vor.u32 v8, v7;
	v4 =	vadd.s32 $0x8000, v4;
	v2 =	vshrl.u32 v2, $0x10  }
0xb5: {  	p0 =	slt.u32 s3, $0x78;
	v8 =	vld [tilespmem:s4+$0xFFFFFF90];
	[tilespmem:s2+$0x0] =	vst v7;
	v4 =	vand.u32 $0xFFFF0000, v4;
	v3 =	vadd.s32 $0x8000, v3  }
0xb6: {  	v7 =	vld [tilespmem:s4+$0xFFFFFFA0];
	v2 =	vor.u32 v2, v4;
	v4 =	vadd.s32 $0x8000, v6;
	v3 =	vshrl.u32 v3, $0x10  }
0xb7: {  	v6 =	vld [tilespmem:s4+$0xFFFFFFB0];
	v5 =	vadd.s32 $0x8000, v5;
	[tilespmem:s2+$0x10] =	vst v2;
	v2 =	vand.u32 $0xFFFF0000, v4  }
0xb8: {  	v4 =	vld [tilespmem:s4+$0xFFFFFFC0];
	v5 =	vshrl.u32 v5, $0x10;
	v2 =	vor.u32 v3, v2  }
0xb9: {  	v10 =	vadd.s32 $0x8000, v10;
	v3 =	vld [tilespmem:s4+$0xFFFFFFD0];
	v9 =	vadd.s32 $0x8000, v9;
	v1 =	vor.u32 v5, v1;
	[tilespmem:s2+$0x20] =	vst v2  }
0xba: {  	v2 =	vadd.s32 $0x8000, v8;
	v5 =	vld [tilespmem:s4+$0xFFFFFFE0];
	v8 =	vand.u32 $0xFFFF0000, v9;
	v9 =	vshrl.u32 v10, $0x10;
	[tilespmem:s2+$0xFFFFFFC0] =	vst v1  }
0xbb: {  	s2 =	sadd.s32 $0x80, s2;
	v1 =	vand.u32 $0xFFFF0000, v2;
	v2 =	vadd.s32 $0x8000, v7;
	v7 =	vld [tilespmem:s4+$0xFFFFFFF0];
	v8 =	vor.u32 v9, v8  }
0xbc: {  	v6 =	vadd.s32 $0x8000, v6;
	v2 =	vshrl.u32 v2, $0x10;
	v9 =	vld [tilespmem:s4+$0x0];
	[tilespmem:s2+$0x30] =	vst v8  }
0xbd: {  	v6 =	vand.u32 $0xFFFF0000, v6;
	v4 =	vadd.s32 $0x8000, v4;
	v8 =	vld [tilespmem:s4+$0x10]  }
.Ltmp4:
0xbe: {  	v6 =	vor.u32 v2, v6;
	v3 =	vadd.s32 $0x8000, v3;
	v10 =	vshrl.u32 v4, $0x10;
	v2 =	vld [tilespmem:s4+$0x20];
	(pc) =	sbr.rel @p0 .LBB2_6-.Ltmp4, $4  }
0xbf: {  	[tilespmem:s2+$0xFFFFFFD0] =	vst v6;
	v3 =	vand.u32 $0xFFFF0000, v3;
	v5 =	vadd.s32 $0x8000, v5;
	v4 =	vld [tilespmem:s4+$0x30]  }
0xc0: {  	v6 =	vor.u32 v10, v3;
	v7 =	vadd.s32 $0x8000, v7;
	v10 =	vshrl.u32 v5, $0x10;
	v3 =	vld [tilespmem:s4+$0x40]  }
0xc1: {  	[tilespmem:s2+$0xFFFFFFE0] =	vst v6;
	v7 =	vand.u32 $0xFFFF0000, v7;
	v11 =	vadd.s32 $0x8000, v9;
	v6 =	vld [tilespmem:s4+$0x50]  }
0xc2: {  	v5 =	vld [tilespmem:s4+$0xFFFFFF80];
	v7 =	vor.u32 v10, v7;
	v9 =	vadd.s32 $0x8000, v8;
	v8 =	vshrl.u32 v11, $0x10;
	s4 =	sadd.s32 $0x100, s4  }
0xc3: {  	_ = 	snop  }
0xc4: {  	v9 =	vand.u32 $0xFFFF0000, v9;
	v2 =	vadd.s32 $0x8000, v2;
	v4 =	vadd.s32 $0x8000, v4  }
0xc5: {  	v8 =	vor.u32 v8, v9;
	v2 =	vshrl.u32 v2, $0x10;
	v4 =	vand.u32 $0xFFFF0000, v4  }
0xc6: {  	[tilespmem:s2+$0xFFFFFFF0] =	vst v7;
	v3 =	vadd.s32 $0x8000, v3;
	v2 =	vor.u32 v2, v4;
	v4 =	vadd.s32 $0x8000, v6  }
0xc7: {  	[tilespmem:s2+$0x0] =	vst v8;
	v3 =	vshrl.u32 v3, $0x10;
	v5 =	vadd.s32 $0x8000, v5;
	v4 =	vand.u32 $0xFFFF0000, v4  }
0xc8: {  	[tilespmem:s2+$0x10] =	vst v2;
	v2 =	vshrl.u32 v5, $0x10;
	v3 =	vor.u32 v3, v4  }
0xc9: {  	v1 =	vor.u32 v2, v1;
	[tilespmem:s2+$0x20] =	vst v3  }
0xca: {  	[tilespmem:s2+$0xFFFFFFC0] =	vst v1  }
0xcb: {  	s2 =	rddreg [dreg:$0xa]  }
0xcc: {  	[tilespmem:s21], [sflag:$0x3] =	stream.linear.gather [hbm4b:s2+s1], $0x1000, $0x38;
	[tilespmem:$0x1E000] =	vst v63  }
0xcd: {  	_ =	swait.ge [sflag:s24], $0x1000  }
0xce: {  	[sflag:s24] =	ssyncset.done $0x0  }
0xcf: {  	s7 =	simm.s32 $0x1D0F0;
	[sflag:s24] =	ssyncadd.s32 $0xFFFFF000  }
0xd0: {  	v1 =	vld [tilespmem:s7+$0xFFFFFFF0]  }
0xd1: {  	v2 =	vld [tilespmem:s7+$0x0]  }
0xd2: {  	v3 =	vld [tilespmem:s7+$0xFFFFFF20]  }
0xd3: {  	v4 =	vld [tilespmem:s7+$0xFFFFFF30]  }
0xd4: {  	v5 =	vld [tilespmem:s7+$0xFFFFFF40]  }
0xd5: {  	v6 =	vld [tilespmem:s7+$0xFFFFFF50]  }
0xd6: {  	v7 =	vld [tilespmem:s7+$0xFFFFFF60]  }
0xd7: {  	v8 =	vld [tilespmem:s7+$0xFFFFFF70];
	v2 =	vadd.s32 $0x8000, v2  }
0xd8: {  	v9 =	vld [tilespmem:s7+$0xFFFFFF80];
	v1 =	vadd.s32 $0x8000, v1;
	v3 =	vadd.s32 $0x8000, v3;
	v2 =	vand.u32 $0xFFFF0000, v2  }
0xd9: {  	v11 =	vld [tilespmem:s7+$0xFFFFFF90];
	v10 =	vshrl.u32 v1, $0x10;
	v1 =	vand.u32 $0xFFFF0000, v3;
	v3 =	vadd.s32 $0x8000, v4  }
0xda: {  	s5 =	sld [smem:$0x7FA];
	v12 =	vld [tilespmem:s7+$0xFFFFFFA0];
	v10 =	vor.u32 v10, v2;
	v2 =	vadd.s32 $0x8000, v5;
	v3 =	vshrl.u32 v3, $0x10  }
0xdb: {  	v5 =	vadd.s32 $0x8000, v6;
	v6 =	vadd.s32 $0x8000, v7;
	v4 =	vand.u32 $0xFFFF0000, v2;
	v2 =	vld [tilespmem:s7+$0xFFFFFFB0]  }
0xdc: {  	v7 =	vor.u32 v3, v4;
	v3 =	vshrl.u32 v5, $0x10;
	v5 =	vand.u32 $0xFFFF0000, v6;
	v4 =	vld [tilespmem:s7+$0xFFFFFFC0]  }
0xdd: {  	[tilespmem:s5+$0x30] =	vst v10;
	v6 =	vadd.s32 $0x8000, v8;
	v8 =	vadd.s32 $0x8000, v9;
	v5 =	vor.u32 v3, v5;
	v3 =	vld [tilespmem:s7+$0xFFFFFFD0]  }
0xde: {  	v10 =	vadd.s32 $0x8000, v11;
	[tilespmem:s5+$0xFFFFFFD0] =	vst v7;
	v7 =	vshrl.u32 v6, $0x10;
	v8 =	vand.u32 $0xFFFF0000, v8;
	v6 =	vld [tilespmem:s7+$0xFFFFFFE0]  }
0xdf: {  	s3 =	simm.s32 $0x0;
	s4 =	simm.s32 $0x1D1F0;
	s2 =	smov.u32 s5;
	v9 =	vadd.s32 $0x8000, v12;
	[tilespmem:s5+$0xFFFFFFE0] =	vst v5;
	v5 =	vld [tilespmem:s7+$0xFFFFFF10];
	v7 =	vor.u32 v7, v8;
	v8 =	vshrl.u32 v10, $0x10  }
.LBB2_8:
0xe0: {  	v10 =	vld [tilespmem:s4+$0xFFFFFFF0];
	[tilespmem:s2+$0xFFFFFFF0] =	vst v7;
	v7 =	vand.u32 $0xFFFF0000, v9;
	v2 =	vadd.s32 $0x8000, v2  }
0xe1: {  	s3 =	sadd.s32 $0x8, s3;
	v9 =	vld [tilespmem:s4+$0x0];
	v7 =	vor.u32 v8, v7;
	v4 =	vadd.s32 $0x8000, v4;
	v2 =	vshrl.u32 v2, $0x10  }
0xe2: {  	p0 =	slt.u32 s3, $0x78;
	v8 =	vld [tilespmem:s4+$0xFFFFFF20];
	[tilespmem:s2+$0x0] =	vst v7;
	v4 =	vand.u32 $0xFFFF0000, v4;
	v3 =	vadd.s32 $0x8000, v3  }
0xe3: {  	v7 =	vld [tilespmem:s4+$0xFFFFFF30];
	v2 =	vor.u32 v2, v4;
	v4 =	vadd.s32 $0x8000, v6;
	v3 =	vshrl.u32 v3, $0x10  }
0xe4: {  	v6 =	vld [tilespmem:s4+$0xFFFFFF40];
	v5 =	vadd.s32 $0x8000, v5;
	[tilespmem:s2+$0x10] =	vst v2;
	v2 =	vand.u32 $0xFFFF0000, v4  }
0xe5: {  	v4 =	vld [tilespmem:s4+$0xFFFFFF50];
	v5 =	vshrl.u32 v5, $0x10;
	v2 =	vor.u32 v3, v2  }
0xe6: {  	v10 =	vadd.s32 $0x8000, v10;
	v3 =	vld [tilespmem:s4+$0xFFFFFF60];
	v9 =	vadd.s32 $0x8000, v9;
	v1 =	vor.u32 v5, v1;
	[tilespmem:s2+$0x20] =	vst v2  }
0xe7: {  	v2 =	vadd.s32 $0x8000, v8;
	v5 =	vld [tilespmem:s4+$0xFFFFFF70];
	v8 =	vand.u32 $0xFFFF0000, v9;
	v9 =	vshrl.u32 v10, $0x10;
	[tilespmem:s2+$0xFFFFFFC0] =	vst v1  }
0xe8: {  	s2 =	sadd.s32 $0x80, s2;
	v1 =	vand.u32 $0xFFFF0000, v2;
	v2 =	vadd.s32 $0x8000, v7;
	v7 =	vld [tilespmem:s4+$0xFFFFFF80];
	v8 =	vor.u32 v9, v8  }
0xe9: {  	v6 =	vadd.s32 $0x8000, v6;
	v2 =	vshrl.u32 v2, $0x10;
	v9 =	vld [tilespmem:s4+$0xFFFFFF90];
	[tilespmem:s2+$0x30] =	vst v8  }
0xea: {  	v6 =	vand.u32 $0xFFFF0000, v6;
	v4 =	vadd.s32 $0x8000, v4;
	v8 =	vld [tilespmem:s4+$0xFFFFFFA0]  }
.Ltmp5:
0xeb: {  	v6 =	vor.u32 v2, v6;
	v3 =	vadd.s32 $0x8000, v3;
	v10 =	vshrl.u32 v4, $0x10;
	v2 =	vld [tilespmem:s4+$0xFFFFFFB0];
	(pc) =	sbr.rel @p0 .LBB2_8-.Ltmp5, $4  }
0xec: {  	[tilespmem:s2+$0xFFFFFFD0] =	vst v6;
	v3 =	vand.u32 $0xFFFF0000, v3;
	v5 =	vadd.s32 $0x8000, v5;
	v4 =	vld [tilespmem:s4+$0xFFFFFFC0]  }
0xed: {  	v6 =	vor.u32 v10, v3;
	v7 =	vadd.s32 $0x8000, v7;
	v10 =	vshrl.u32 v5, $0x10;
	v3 =	vld [tilespmem:s4+$0xFFFFFFD0]  }
0xee: {  	[tilespmem:s2+$0xFFFFFFE0] =	vst v6;
	v7 =	vand.u32 $0xFFFF0000, v7;
	v11 =	vadd.s32 $0x8000, v9;
	v6 =	vld [tilespmem:s4+$0xFFFFFFE0]  }
0xef: {  	v5 =	vld [tilespmem:s4+$0xFFFFFF10];
	v7 =	vor.u32 v10, v7;
	v9 =	vadd.s32 $0x8000, v8;
	v8 =	vshrl.u32 v11, $0x10;
	s4 =	sadd.s32 $0x100, s4  }
0xf0: {  	_ = 	snop  }
0xf1: {  	v9 =	vand.u32 $0xFFFF0000, v9;
	v2 =	vadd.s32 $0x8000, v2;
	v4 =	vadd.s32 $0x8000, v4  }
0xf2: {  	v8 =	vor.u32 v8, v9;
	v2 =	vshrl.u32 v2, $0x10;
	v4 =	vand.u32 $0xFFFF0000, v4  }
0xf3: {  	[tilespmem:s2+$0xFFFFFFF0] =	vst v7;
	v3 =	vadd.s32 $0x8000, v3;
	v2 =	vor.u32 v2, v4;
	v4 =	vadd.s32 $0x8000, v6  }
0xf4: {  	[tilespmem:s2+$0x0] =	vst v8;
	v3 =	vshrl.u32 v3, $0x10;
	v5 =	vadd.s32 $0x8000, v5;
	v4 =	vand.u32 $0xFFFF0000, v4  }
0xf5: {  	[tilespmem:s2+$0x10] =	vst v2;
	v2 =	vshrl.u32 v5, $0x10;
	v3 =	vor.u32 v3, v4  }
0xf6: {  	v1 =	vor.u32 v2, v1;
	[tilespmem:s2+$0x20] =	vst v3  }
0xf7: {  	[tilespmem:s2+$0xFFFFFFC0] =	vst v1  }
0xf8: {  	s2 =	rddreg [dreg:$0xb]  }
0xf9: {  	[tilespmem:s22], [sflag:$0x4] =	stream.linear.gather [hbm4b:s2+s1], $0x1000, $0x38;
	[tilespmem:$0x1E000] =	vst v63  }
0xfa: {  	_ =	swait.ge [sflag:s23], $0x1000  }
0xfb: {  	[sflag:s23] =	ssyncset.done $0x0  }
0xfc: {  	s7 =	simm.s32 $0x1C080;
	[sflag:s23] =	ssyncadd.s32 $0xFFFFF000  }
0xfd: {  	v1 =	vld [tilespmem:s7+$0x60]  }
0xfe: {  	v2 =	vld [tilespmem:s7+$0x70]  }
0xff: {  	v3 =	vld [tilespmem:s7+$0xFFFFFF90]  }
0x100: {  	v4 =	vld [tilespmem:s7+$0xFFFFFFA0]  }
0x101: {  	v5 =	vld [tilespmem:s7+$0xFFFFFFB0]  }
0x102: {  	v6 =	vld [tilespmem:s7+$0xFFFFFFC0]  }
0x103: {  	v7 =	vld [tilespmem:s7+$0xFFFFFFD0]  }
0x104: {  	v8 =	vld [tilespmem:s7+$0xFFFFFFE0];
	v2 =	vadd.s32 $0x8000, v2  }
0x105: {  	v9 =	vld [tilespmem:s7+$0xFFFFFFF0];
	v1 =	vadd.s32 $0x8000, v1;
	v3 =	vadd.s32 $0x8000, v3;
	v2 =	vand.u32 $0xFFFF0000, v2  }
0x106: {  	v11 =	vld [tilespmem:s7+$0x0];
	v10 =	vshrl.u32 v1, $0x10;
	v1 =	vand.u32 $0xFFFF0000, v3;
	v3 =	vadd.s32 $0x8000, v4  }
0x107: {  	s5 =	sld [smem:$0x7FB];
	v12 =	vld [tilespmem:s7+$0x10];
	v10 =	vor.u32 v10, v2;
	v2 =	vadd.s32 $0x8000, v5;
	v3 =	vshrl.u32 v3, $0x10  }
0x108: {  	v5 =	vadd.s32 $0x8000, v6;
	v6 =	vadd.s32 $0x8000, v7;
	v4 =	vand.u32 $0xFFFF0000, v2;
	v2 =	vld [tilespmem:s7+$0x20]  }
0x109: {  	v7 =	vor.u32 v3, v4;
	v3 =	vshrl.u32 v5, $0x10;
	v5 =	vand.u32 $0xFFFF0000, v6;
	v4 =	vld [tilespmem:s7+$0x30]  }
0x10a: {  	[tilespmem:s5+$0x30] =	vst v10;
	v6 =	vadd.s32 $0x8000, v8;
	v8 =	vadd.s32 $0x8000, v9;
	v5 =	vor.u32 v3, v5;
	v3 =	vld [tilespmem:s7+$0x40]  }
0x10b: {  	v10 =	vadd.s32 $0x8000, v11;
	[tilespmem:s5+$0xFFFFFFD0] =	vst v7;
	v7 =	vshrl.u32 v6, $0x10;
	v8 =	vand.u32 $0xFFFF0000, v8;
	v6 =	vld [tilespmem:s7+$0x50]  }
0x10c: {  	s3 =	simm.s32 $0x0;
	s4 =	simm.s32 $0x1C180;
	s2 =	smov.u32 s5;
	v9 =	vadd.s32 $0x8000, v12;
	[tilespmem:s5+$0xFFFFFFE0] =	vst v5;
	v5 =	vld [tilespmem:s7+$0xFFFFFF80];
	v7 =	vor.u32 v7, v8;
	v8 =	vshrl.u32 v10, $0x10  }
.LBB2_10:
0x10d: {  	v10 =	vld [tilespmem:s4+$0x60];
	[tilespmem:s2+$0xFFFFFFF0] =	vst v7;
	v7 =	vand.u32 $0xFFFF0000, v9;
	v2 =	vadd.s32 $0x8000, v2  }
0x10e: {  	s3 =	sadd.s32 $0x8, s3;
	v9 =	vld [tilespmem:s4+$0x70];
	v7 =	vor.u32 v8, v7;
	v4 =	vadd.s32 $0x8000, v4;
	v2 =	vshrl.u32 v2, $0x10  }
0x10f: {  	p0 =	slt.u32 s3, $0x78;
	v8 =	vld [tilespmem:s4+$0xFFFFFF90];
	[tilespmem:s2+$0x0] =	vst v7;
	v4 =	vand.u32 $0xFFFF0000, v4;
	v3 =	vadd.s32 $0x8000, v3  }
0x110: {  	v7 =	vld [tilespmem:s4+$0xFFFFFFA0];
	v2 =	vor.u32 v2, v4;
	v4 =	vadd.s32 $0x8000, v6;
	v3 =	vshrl.u32 v3, $0x10  }
0x111: {  	v6 =	vld [tilespmem:s4+$0xFFFFFFB0];
	v5 =	vadd.s32 $0x8000, v5;
	[tilespmem:s2+$0x10] =	vst v2;
	v2 =	vand.u32 $0xFFFF0000, v4  }
0x112: {  	v4 =	vld [tilespmem:s4+$0xFFFFFFC0];
	v5 =	vshrl.u32 v5, $0x10;
	v2 =	vor.u32 v3, v2  }
0x113: {  	v10 =	vadd.s32 $0x8000, v10;
	v3 =	vld [tilespmem:s4+$0xFFFFFFD0];
	v9 =	vadd.s32 $0x8000, v9;
	v1 =	vor.u32 v5, v1;
	[tilespmem:s2+$0x20] =	vst v2  }
0x114: {  	v2 =	vadd.s32 $0x8000, v8;
	v5 =	vld [tilespmem:s4+$0xFFFFFFE0];
	v8 =	vand.u32 $0xFFFF0000, v9;
	v9 =	vshrl.u32 v10, $0x10;
	[tilespmem:s2+$0xFFFFFFC0] =	vst v1  }
0x115: {  	s2 =	sadd.s32 $0x80, s2;
	v1 =	vand.u32 $0xFFFF0000, v2;
	v2 =	vadd.s32 $0x8000, v7;
	v7 =	vld [tilespmem:s4+$0xFFFFFFF0];
	v8 =	vor.u32 v9, v8  }
0x116: {  	v6 =	vadd.s32 $0x8000, v6;
	v2 =	vshrl.u32 v2, $0x10;
	v9 =	vld [tilespmem:s4+$0x0];
	[tilespmem:s2+$0x30] =	vst v8  }
0x117: {  	v6 =	vand.u32 $0xFFFF0000, v6;
	v4 =	vadd.s32 $0x8000, v4;
	v8 =	vld [tilespmem:s4+$0x10]  }
.Ltmp6:
0x118: {  	v6 =	vor.u32 v2, v6;
	v3 =	vadd.s32 $0x8000, v3;
	v10 =	vshrl.u32 v4, $0x10;
	v2 =	vld [tilespmem:s4+$0x20];
	(pc) =	sbr.rel @p0 .LBB2_10-.Ltmp6, $4  }
0x119: {  	[tilespmem:s2+$0xFFFFFFD0] =	vst v6;
	v3 =	vand.u32 $0xFFFF0000, v3;
	v5 =	vadd.s32 $0x8000, v5;
	v4 =	vld [tilespmem:s4+$0x30]  }
0x11a: {  	v6 =	vor.u32 v10, v3;
	v7 =	vadd.s32 $0x8000, v7;
	v10 =	vshrl.u32 v5, $0x10;
	v3 =	vld [tilespmem:s4+$0x40]  }
0x11b: {  	[tilespmem:s2+$0xFFFFFFE0] =	vst v6;
	v7 =	vand.u32 $0xFFFF0000, v7;
	v11 =	vadd.s32 $0x8000, v9;
	v6 =	vld [tilespmem:s4+$0x50]  }
0x11c: {  	v5 =	vld [tilespmem:s4+$0xFFFFFF80];
	v7 =	vor.u32 v10, v7;
	v9 =	vadd.s32 $0x8000, v8;
	v8 =	vshrl.u32 v11, $0x10;
	s4 =	sadd.s32 $0x100, s4  }
0x11d: {  	_ = 	snop  }
0x11e: {  	v9 =	vand.u32 $0xFFFF0000, v9;
	v2 =	vadd.s32 $0x8000, v2;
	v4 =	vadd.s32 $0x8000, v4  }
0x11f: {  	v8 =	vor.u32 v8, v9;
	v2 =	vshrl.u32 v2, $0x10;
	v4 =	vand.u32 $0xFFFF0000, v4  }
0x120: {  	[tilespmem:s2+$0xFFFFFFF0] =	vst v7;
	v3 =	vadd.s32 $0x8000, v3;
	v2 =	vor.u32 v2, v4;
	v4 =	vadd.s32 $0x8000, v6  }
0x121: {  	[tilespmem:s2+$0x0] =	vst v8;
	v3 =	vshrl.u32 v3, $0x10;
	v5 =	vadd.s32 $0x8000, v5;
	v4 =	vand.u32 $0xFFFF0000, v4  }
0x122: {  	[tilespmem:s2+$0x10] =	vst v2;
	v2 =	vshrl.u32 v5, $0x10;
	v3 =	vor.u32 v3, v4  }
0x123: {  	v1 =	vor.u32 v2, v1;
	[tilespmem:s2+$0x20] =	vst v3  }
0x124: {  	[tilespmem:s2+$0xFFFFFFC0] =	vst v1  }
0x125: {  	s2 =	rddreg [dreg:$0xc]  }
0x126: {  	[tilespmem:s21], [sflag:$0x3] =	stream.linear.gather [hbm4b:s2+s1], $0x1000, $0x38;
	[tilespmem:$0x1E000] =	vst v63  }
0x127: {  	_ =	swait.ge [sflag:s24], $0x1000  }
0x128: {  	[sflag:s24] =	ssyncset.done $0x0  }
0x129: {  	s7 =	simm.s32 $0x1D0F0;
	[sflag:s24] =	ssyncadd.s32 $0xFFFFF000  }
0x12a: {  	v1 =	vld [tilespmem:s7+$0xFFFFFFF0]  }
0x12b: {  	v2 =	vld [tilespmem:s7+$0x0]  }
0x12c: {  	v3 =	vld [tilespmem:s7+$0xFFFFFF20]  }
0x12d: {  	v4 =	vld [tilespmem:s7+$0xFFFFFF30]  }
0x12e: {  	v5 =	vld [tilespmem:s7+$0xFFFFFF40]  }
0x12f: {  	v6 =	vld [tilespmem:s7+$0xFFFFFF50]  }
0x130: {  	v7 =	vld [tilespmem:s7+$0xFFFFFF60]  }
0x131: {  	v8 =	vld [tilespmem:s7+$0xFFFFFF70];
	v2 =	vadd.s32 $0x8000, v2  }
0x132: {  	v9 =	vld [tilespmem:s7+$0xFFFFFF80];
	v1 =	vadd.s32 $0x8000, v1;
	v3 =	vadd.s32 $0x8000, v3;
	v2 =	vand.u32 $0xFFFF0000, v2  }
0x133: {  	v11 =	vld [tilespmem:s7+$0xFFFFFF90];
	v10 =	vshrl.u32 v1, $0x10;
	v1 =	vand.u32 $0xFFFF0000, v3;
	v3 =	vadd.s32 $0x8000, v4  }
0x134: {  	s5 =	sld [smem:$0x7FC];
	v12 =	vld [tilespmem:s7+$0xFFFFFFA0];
	v10 =	vor.u32 v10, v2;
	v2 =	vadd.s32 $0x8000, v5;
	v3 =	vshrl.u32 v3, $0x10  }
0x135: {  	v5 =	vadd.s32 $0x8000, v6;
	v6 =	vadd.s32 $0x8000, v7;
	v4 =	vand.u32 $0xFFFF0000, v2;
	v2 =	vld [tilespmem:s7+$0xFFFFFFB0]  }
0x136: {  	v7 =	vor.u32 v3, v4;
	v3 =	vshrl.u32 v5, $0x10;
	v5 =	vand.u32 $0xFFFF0000, v6;
	v4 =	vld [tilespmem:s7+$0xFFFFFFC0]  }
0x137: {  	[tilespmem:s5+$0x30] =	vst v10;
	v6 =	vadd.s32 $0x8000, v8;
	v8 =	vadd.s32 $0x8000, v9;
	v5 =	vor.u32 v3, v5;
	v3 =	vld [tilespmem:s7+$0xFFFFFFD0]  }
0x138: {  	v10 =	vadd.s32 $0x8000, v11;
	[tilespmem:s5+$0xFFFFFFD0] =	vst v7;
	v7 =	vshrl.u32 v6, $0x10;
	v8 =	vand.u32 $0xFFFF0000, v8;
	v6 =	vld [tilespmem:s7+$0xFFFFFFE0]  }
0x139: {  	s3 =	simm.s32 $0x0;
	s4 =	simm.s32 $0x1D1F0;
	s2 =	smov.u32 s5;
	v9 =	vadd.s32 $0x8000, v12;
	[tilespmem:s5+$0xFFFFFFE0] =	vst v5;
	v5 =	vld [tilespmem:s7+$0xFFFFFF10];
	v7 =	vor.u32 v7, v8;
	v8 =	vshrl.u32 v10, $0x10  }
.LBB2_12:
0x13a: {  	v10 =	vld [tilespmem:s4+$0xFFFFFFF0];
	[tilespmem:s2+$0xFFFFFFF0] =	vst v7;
	v7 =	vand.u32 $0xFFFF0000, v9;
	v2 =	vadd.s32 $0x8000, v2  }
0x13b: {  	s3 =	sadd.s32 $0x8, s3;
	v9 =	vld [tilespmem:s4+$0x0];
	v7 =	vor.u32 v8, v7;
	v4 =	vadd.s32 $0x8000, v4;
	v2 =	vshrl.u32 v2, $0x10  }
0x13c: {  	p0 =	slt.u32 s3, $0x78;
	v8 =	vld [tilespmem:s4+$0xFFFFFF20];
	[tilespmem:s2+$0x0] =	vst v7;
	v4 =	vand.u32 $0xFFFF0000, v4;
	v3 =	vadd.s32 $0x8000, v3  }
0x13d: {  	v7 =	vld [tilespmem:s4+$0xFFFFFF30];
	v2 =	vor.u32 v2, v4;
	v4 =	vadd.s32 $0x8000, v6;
	v3 =	vshrl.u32 v3, $0x10  }
0x13e: {  	v6 =	vld [tilespmem:s4+$0xFFFFFF40];
	v5 =	vadd.s32 $0x8000, v5;
	[tilespmem:s2+$0x10] =	vst v2;
	v2 =	vand.u32 $0xFFFF0000, v4  }
0x13f: {  	v4 =	vld [tilespmem:s4+$0xFFFFFF50];
	v5 =	vshrl.u32 v5, $0x10;
	v2 =	vor.u32 v3, v2  }
0x140: {  	v10 =	vadd.s32 $0x8000, v10;
	v3 =	vld [tilespmem:s4+$0xFFFFFF60];
	v9 =	vadd.s32 $0x8000, v9;
	v1 =	vor.u32 v5, v1;
	[tilespmem:s2+$0x20] =	vst v2  }
0x141: {  	v2 =	vadd.s32 $0x8000, v8;
	v5 =	vld [tilespmem:s4+$0xFFFFFF70];
	v8 =	vand.u32 $0xFFFF0000, v9;
	v9 =	vshrl.u32 v10, $0x10;
	[tilespmem:s2+$0xFFFFFFC0] =	vst v1  }
0x142: {  	s2 =	sadd.s32 $0x80, s2;
	v1 =	vand.u32 $0xFFFF0000, v2;
	v2 =	vadd.s32 $0x8000, v7;
	v7 =	vld [tilespmem:s4+$0xFFFFFF80];
	v8 =	vor.u32 v9, v8  }
0x143: {  	v6 =	vadd.s32 $0x8000, v6;
	v2 =	vshrl.u32 v2, $0x10;
	v9 =	vld [tilespmem:s4+$0xFFFFFF90];
	[tilespmem:s2+$0x30] =	vst v8  }
0x144: {  	v6 =	vand.u32 $0xFFFF0000, v6;
	v4 =	vadd.s32 $0x8000, v4;
	v8 =	vld [tilespmem:s4+$0xFFFFFFA0]  }
.Ltmp7:
0x145: {  	v6 =	vor.u32 v2, v6;
	v3 =	vadd.s32 $0x8000, v3;
	v10 =	vshrl.u32 v4, $0x10;
	v2 =	vld [tilespmem:s4+$0xFFFFFFB0];
	(pc) =	sbr.rel @p0 .LBB2_12-.Ltmp7, $4  }
0x146: {  	[tilespmem:s2+$0xFFFFFFD0] =	vst v6;
	v3 =	vand.u32 $0xFFFF0000, v3;
	v5 =	vadd.s32 $0x8000, v5;
	v4 =	vld [tilespmem:s4+$0xFFFFFFC0]  }
0x147: {  	v6 =	vor.u32 v10, v3;
	v7 =	vadd.s32 $0x8000, v7;
	v10 =	vshrl.u32 v5, $0x10;
	v3 =	vld [tilespmem:s4+$0xFFFFFFD0]  }
0x148: {  	[tilespmem:s2+$0xFFFFFFE0] =	vst v6;
	v7 =	vand.u32 $0xFFFF0000, v7;
	v11 =	vadd.s32 $0x8000, v9;
	v6 =	vld [tilespmem:s4+$0xFFFFFFE0]  }
0x149: {  	v5 =	vld [tilespmem:s4+$0xFFFFFF10];
	v7 =	vor.u32 v10, v7;
	v9 =	vadd.s32 $0x8000, v8;
	v8 =	vshrl.u32 v11, $0x10;
	s4 =	sadd.s32 $0x100, s4  }
0x14a: {  	_ = 	snop  }
0x14b: {  	v9 =	vand.u32 $0xFFFF0000, v9;
	v2 =	vadd.s32 $0x8000, v2;
	v4 =	vadd.s32 $0x8000, v4  }
0x14c: {  	v8 =	vor.u32 v8, v9;
	v2 =	vshrl.u32 v2, $0x10;
	v4 =	vand.u32 $0xFFFF0000, v4  }
0x14d: {  	[tilespmem:s2+$0xFFFFFFF0] =	vst v7;
	v3 =	vadd.s32 $0x8000, v3;
	v2 =	vor.u32 v2, v4;
	v4 =	vadd.s32 $0x8000, v6  }
0x14e: {  	[tilespmem:s2+$0x0] =	vst v8;
	v3 =	vshrl.u32 v3, $0x10;
	v5 =	vadd.s32 $0x8000, v5;
	v4 =	vand.u32 $0xFFFF0000, v4  }
0x14f: {  	[tilespmem:s2+$0x10] =	vst v2;
	v2 =	vshrl.u32 v5, $0x10;
	v3 =	vor.u32 v3, v4  }
0x150: {  	v1 =	vor.u32 v2, v1;
	[tilespmem:s2+$0x20] =	vst v3  }
0x151: {  	[tilespmem:s2+$0xFFFFFFC0] =	vst v1  }
0x152: {  	s2 =	rddreg [dreg:$0xd]  }
0x153: {  	[tilespmem:s22], [sflag:$0x4] =	stream.linear.gather [hbm4b:s2+s1], $0x1000, $0x38;
	[tilespmem:$0x1E000] =	vst v63  }
0x154: {  	_ =	swait.ge [sflag:s23], $0x1000  }
0x155: {  	[sflag:s23] =	ssyncset.done $0x0  }
0x156: {  	s7 =	simm.s32 $0x1C080;
	[sflag:s23] =	ssyncadd.s32 $0xFFFFF000  }
0x157: {  	v1 =	vld [tilespmem:s7+$0x60]  }
0x158: {  	v2 =	vld [tilespmem:s7+$0x70]  }
0x159: {  	v3 =	vld [tilespmem:s7+$0xFFFFFF90]  }
0x15a: {  	v4 =	vld [tilespmem:s7+$0xFFFFFFA0]  }
0x15b: {  	v5 =	vld [tilespmem:s7+$0xFFFFFFB0]  }
0x15c: {  	v6 =	vld [tilespmem:s7+$0xFFFFFFC0]  }
0x15d: {  	v7 =	vld [tilespmem:s7+$0xFFFFFFD0]  }
0x15e: {  	v8 =	vld [tilespmem:s7+$0xFFFFFFE0];
	v2 =	vadd.s32 $0x8000, v2  }
0x15f: {  	v9 =	vld [tilespmem:s7+$0xFFFFFFF0];
	v1 =	vadd.s32 $0x8000, v1;
	v3 =	vadd.s32 $0x8000, v3;
	v2 =	vand.u32 $0xFFFF0000, v2  }
0x160: {  	v11 =	vld [tilespmem:s7+$0x0];
	v10 =	vshrl.u32 v1, $0x10;
	v1 =	vand.u32 $0xFFFF0000, v3;
	v3 =	vadd.s32 $0x8000, v4  }
0x161: {  	s5 =	sld [smem:$0x7FD];
	v12 =	vld [tilespmem:s7+$0x10];
	v10 =	vor.u32 v10, v2;
	v2 =	vadd.s32 $0x8000, v5;
	v3 =	vshrl.u32 v3, $0x10  }
0x162: {  	v5 =	vadd.s32 $0x8000, v6;
	v6 =	vadd.s32 $0x8000, v7;
	v4 =	vand.u32 $0xFFFF0000, v2;
	v2 =	vld [tilespmem:s7+$0x20]  }
0x163: {  	v7 =	vor.u32 v3, v4;
	v3 =	vshrl.u32 v5, $0x10;
	v5 =	vand.u32 $0xFFFF0000, v6;
	v4 =	vld [tilespmem:s7+$0x30]  }
0x164: {  	[tilespmem:s5+$0x30] =	vst v10;
	v6 =	vadd.s32 $0x8000, v8;
	v8 =	vadd.s32 $0x8000, v9;
	v5 =	vor.u32 v3, v5;
	v3 =	vld [tilespmem:s7+$0x40]  }
0x165: {  	v10 =	vadd.s32 $0x8000, v11;
	[tilespmem:s5+$0xFFFFFFD0] =	vst v7;
	v7 =	vshrl.u32 v6, $0x10;
	v8 =	vand.u32 $0xFFFF0000, v8;
	v6 =	vld [tilespmem:s7+$0x50]  }
0x166: {  	s3 =	simm.s32 $0x0;
	s4 =	simm.s32 $0x1C180;
	s2 =	smov.u32 s5;
	v9 =	vadd.s32 $0x8000, v12;
	[tilespmem:s5+$0xFFFFFFE0] =	vst v5;
	v5 =	vld [tilespmem:s7+$0xFFFFFF80];
	v7 =	vor.u32 v7, v8;
	v8 =	vshrl.u32 v10, $0x10  }
.LBB2_14:
0x167: {  	v10 =	vld [tilespmem:s4+$0x60];
	[tilespmem:s2+$0xFFFFFFF0] =	vst v7;
	v7 =	vand.u32 $0xFFFF0000, v9;
	v2 =	vadd.s32 $0x8000, v2  }
0x168: {  	s3 =	sadd.s32 $0x8, s3;
	v9 =	vld [tilespmem:s4+$0x70];
	v7 =	vor.u32 v8, v7;
	v4 =	vadd.s32 $0x8000, v4;
	v2 =	vshrl.u32 v2, $0x10  }
0x169: {  	p0 =	slt.u32 s3, $0x78;
	v8 =	vld [tilespmem:s4+$0xFFFFFF90];
	[tilespmem:s2+$0x0] =	vst v7;
	v4 =	vand.u32 $0xFFFF0000, v4;
	v3 =	vadd.s32 $0x8000, v3  }
0x16a: {  	v7 =	vld [tilespmem:s4+$0xFFFFFFA0];
	v2 =	vor.u32 v2, v4;
	v4 =	vadd.s32 $0x8000, v6;
	v3 =	vshrl.u32 v3, $0x10  }
0x16b: {  	v6 =	vld [tilespmem:s4+$0xFFFFFFB0];
	v5 =	vadd.s32 $0x8000, v5;
	[tilespmem:s2+$0x10] =	vst v2;
	v2 =	vand.u32 $0xFFFF0000, v4  }
0x16c: {  	v4 =	vld [tilespmem:s4+$0xFFFFFFC0];
	v5 =	vshrl.u32 v5, $0x10;
	v2 =	vor.u32 v3, v2  }
0x16d: {  	v10 =	vadd.s32 $0x8000, v10;
	v3 =	vld [tilespmem:s4+$0xFFFFFFD0];
	v9 =	vadd.s32 $0x8000, v9;
	v1 =	vor.u32 v5, v1;
	[tilespmem:s2+$0x20] =	vst v2  }
0x16e: {  	v2 =	vadd.s32 $0x8000, v8;
	v5 =	vld [tilespmem:s4+$0xFFFFFFE0];
	v8 =	vand.u32 $0xFFFF0000, v9;
	v9 =	vshrl.u32 v10, $0x10;
	[tilespmem:s2+$0xFFFFFFC0] =	vst v1  }
0x16f: {  	s2 =	sadd.s32 $0x80, s2;
	v1 =	vand.u32 $0xFFFF0000, v2;
	v2 =	vadd.s32 $0x8000, v7;
	v7 =	vld [tilespmem:s4+$0xFFFFFFF0];
	v8 =	vor.u32 v9, v8  }
0x170: {  	v6 =	vadd.s32 $0x8000, v6;
	v2 =	vshrl.u32 v2, $0x10;
	v9 =	vld [tilespmem:s4+$0x0];
	[tilespmem:s2+$0x30] =	vst v8  }
0x171: {  	v6 =	vand.u32 $0xFFFF0000, v6;
	v4 =	vadd.s32 $0x8000, v4;
	v8 =	vld [tilespmem:s4+$0x10]  }
.Ltmp8:
0x172: {  	v6 =	vor.u32 v2, v6;
	v3 =	vadd.s32 $0x8000, v3;
	v10 =	vshrl.u32 v4, $0x10;
	v2 =	vld [tilespmem:s4+$0x20];
	(pc) =	sbr.rel @p0 .LBB2_14-.Ltmp8, $4  }
0x173: {  	[tilespmem:s2+$0xFFFFFFD0] =	vst v6;
	v3 =	vand.u32 $0xFFFF0000, v3;
	v5 =	vadd.s32 $0x8000, v5;
	v4 =	vld [tilespmem:s4+$0x30]  }
0x174: {  	v6 =	vor.u32 v10, v3;
	v7 =	vadd.s32 $0x8000, v7;
	v10 =	vshrl.u32 v5, $0x10;
	v3 =	vld [tilespmem:s4+$0x40]  }
0x175: {  	[tilespmem:s2+$0xFFFFFFE0] =	vst v6;
	v7 =	vand.u32 $0xFFFF0000, v7;
	v11 =	vadd.s32 $0x8000, v9;
	v6 =	vld [tilespmem:s4+$0x50]  }
0x176: {  	v5 =	vld [tilespmem:s4+$0xFFFFFF80];
	v7 =	vor.u32 v10, v7;
	v9 =	vadd.s32 $0x8000, v8;
	v8 =	vshrl.u32 v11, $0x10;
	s4 =	sadd.s32 $0x100, s4  }
0x177: {  	_ = 	snop  }
0x178: {  	v9 =	vand.u32 $0xFFFF0000, v9;
	v2 =	vadd.s32 $0x8000, v2;
	v4 =	vadd.s32 $0x8000, v4  }
0x179: {  	v8 =	vor.u32 v8, v9;
	v2 =	vshrl.u32 v2, $0x10;
	v4 =	vand.u32 $0xFFFF0000, v4  }
0x17a: {  	[tilespmem:s2+$0xFFFFFFF0] =	vst v7;
	v3 =	vadd.s32 $0x8000, v3;
	v2 =	vor.u32 v2, v4;
	v4 =	vadd.s32 $0x8000, v6  }
0x17b: {  	[tilespmem:s2+$0x0] =	vst v8;
	v3 =	vshrl.u32 v3, $0x10;
	v5 =	vadd.s32 $0x8000, v5;
	v4 =	vand.u32 $0xFFFF0000, v4  }
0x17c: {  	[tilespmem:s2+$0x10] =	vst v2;
	v2 =	vshrl.u32 v5, $0x10;
	v3 =	vor.u32 v3, v4  }
0x17d: {  	v1 =	vor.u32 v2, v1;
	[tilespmem:s2+$0x20] =	vst v3  }
0x17e: {  	[tilespmem:s2+$0xFFFFFFC0] =	vst v1  }
0x17f: {  	s2 =	rddreg [dreg:$0xe]  }
0x180: {  	[tilespmem:s21], [sflag:$0x3] =	stream.linear.gather [hbm4b:s2+s1], $0x1000, $0x38;
	[tilespmem:$0x1E000] =	vst v63  }
0x181: {  	_ =	swait.ge [sflag:s24], $0x1000  }
0x182: {  	[sflag:s24] =	ssyncset.done $0x0  }
0x183: {  	s7 =	simm.s32 $0x1D0F0;
	[sflag:s24] =	ssyncadd.s32 $0xFFFFF000  }
0x184: {  	v1 =	vld [tilespmem:s7+$0xFFFFFFF0]  }
0x185: {  	v2 =	vld [tilespmem:s7+$0x0]  }
0x186: {  	v3 =	vld [tilespmem:s7+$0xFFFFFF20]  }
0x187: {  	v4 =	vld [tilespmem:s7+$0xFFFFFF30]  }
0x188: {  	v5 =	vld [tilespmem:s7+$0xFFFFFF40]  }
0x189: {  	v6 =	vld [tilespmem:s7+$0xFFFFFF50]  }
0x18a: {  	v7 =	vld [tilespmem:s7+$0xFFFFFF60]  }
0x18b: {  	v8 =	vld [tilespmem:s7+$0xFFFFFF70];
	v2 =	vadd.s32 $0x8000, v2  }
0x18c: {  	v9 =	vld [tilespmem:s7+$0xFFFFFF80];
	v1 =	vadd.s32 $0x8000, v1;
	v3 =	vadd.s32 $0x8000, v3;
	v2 =	vand.u32 $0xFFFF0000, v2  }
0x18d: {  	v11 =	vld [tilespmem:s7+$0xFFFFFF90];
	v10 =	vshrl.u32 v1, $0x10;
	v1 =	vand.u32 $0xFFFF0000, v3;
	v3 =	vadd.s32 $0x8000, v4  }
0x18e: {  	v12 =	vld [tilespmem:s7+$0xFFFFFFA0];
	v10 =	vor.u32 v10, v2;
	v2 =	vadd.s32 $0x8000, v5;
	v3 =	vshrl.u32 v3, $0x10  }
0x18f: {  	v5 =	vadd.s32 $0x8000, v6;
	v6 =	vadd.s32 $0x8000, v7;
	v4 =	vand.u32 $0xFFFF0000, v2;
	v2 =	vld [tilespmem:s7+$0xFFFFFFB0]  }
0x190: {  	v7 =	vor.u32 v3, v4;
	v3 =	vshrl.u32 v5, $0x10;
	v5 =	vand.u32 $0xFFFF0000, v6;
	v4 =	vld [tilespmem:s7+$0xFFFFFFC0]  }
0x191: {  	[tilespmem:s8+$0x30] =	vst v10;
	v6 =	vadd.s32 $0x8000, v8;
	v8 =	vadd.s32 $0x8000, v9;
	v5 =	vor.u32 v3, v5;
	v3 =	vld [tilespmem:s7+$0xFFFFFFD0]  }
0x192: {  	v10 =	vadd.s32 $0x8000, v11;
	[tilespmem:s8+$0xFFFFFFD0] =	vst v7;
	v7 =	vshrl.u32 v6, $0x10;
	v8 =	vand.u32 $0xFFFF0000, v8;
	v6 =	vld [tilespmem:s7+$0xFFFFFFE0]  }
0x193: {  	s3 =	simm.s32 $0x0;
	s4 =	simm.s32 $0x1D1F0;
	s2 =	smov.u32 s8;
	v9 =	vadd.s32 $0x8000, v12;
	[tilespmem:s8+$0xFFFFFFE0] =	vst v5;
	v5 =	vld [tilespmem:s7+$0xFFFFFF10];
	v7 =	vor.u32 v7, v8;
	v8 =	vshrl.u32 v10, $0x10  }
.LBB2_16:
0x194: {  	v10 =	vld [tilespmem:s4+$0xFFFFFFF0];
	[tilespmem:s2+$0xFFFFFFF0] =	vst v7;
	v7 =	vand.u32 $0xFFFF0000, v9;
	v2 =	vadd.s32 $0x8000, v2  }
0x195: {  	s3 =	sadd.s32 $0x8, s3;
	v9 =	vld [tilespmem:s4+$0x0];
	v7 =	vor.u32 v8, v7;
	v4 =	vadd.s32 $0x8000, v4;
	v2 =	vshrl.u32 v2, $0x10  }
0x196: {  	p0 =	slt.u32 s3, $0x78;
	v8 =	vld [tilespmem:s4+$0xFFFFFF20];
	[tilespmem:s2+$0x0] =	vst v7;
	v4 =	vand.u32 $0xFFFF0000, v4;
	v3 =	vadd.s32 $0x8000, v3  }
0x197: {  	v7 =	vld [tilespmem:s4+$0xFFFFFF30];
	v2 =	vor.u32 v2, v4;
	v4 =	vadd.s32 $0x8000, v6;
	v3 =	vshrl.u32 v3, $0x10  }
0x198: {  	v6 =	vld [tilespmem:s4+$0xFFFFFF40];
	v5 =	vadd.s32 $0x8000, v5;
	[tilespmem:s2+$0x10] =	vst v2;
	v2 =	vand.u32 $0xFFFF0000, v4  }
0x199: {  	v4 =	vld [tilespmem:s4+$0xFFFFFF50];
	v5 =	vshrl.u32 v5, $0x10;
	v2 =	vor.u32 v3, v2  }
0x19a: {  	v10 =	vadd.s32 $0x8000, v10;
	v3 =	vld [tilespmem:s4+$0xFFFFFF60];
	v9 =	vadd.s32 $0x8000, v9;
	v1 =	vor.u32 v5, v1;
	[tilespmem:s2+$0x20] =	vst v2  }
0x19b: {  	v2 =	vadd.s32 $0x8000, v8;
	v5 =	vld [tilespmem:s4+$0xFFFFFF70];
	v8 =	vand.u32 $0xFFFF0000, v9;
	v9 =	vshrl.u32 v10, $0x10;
	[tilespmem:s2+$0xFFFFFFC0] =	vst v1  }
0x19c: {  	s2 =	sadd.s32 $0x80, s2;
	v1 =	vand.u32 $0xFFFF0000, v2;
	v2 =	vadd.s32 $0x8000, v7;
	v7 =	vld [tilespmem:s4+$0xFFFFFF80];
	v8 =	vor.u32 v9, v8  }
0x19d: {  	v6 =	vadd.s32 $0x8000, v6;
	v2 =	vshrl.u32 v2, $0x10;
	v9 =	vld [tilespmem:s4+$0xFFFFFF90];
	[tilespmem:s2+$0x30] =	vst v8  }
0x19e: {  	v6 =	vand.u32 $0xFFFF0000, v6;
	v4 =	vadd.s32 $0x8000, v4;
	v8 =	vld [tilespmem:s4+$0xFFFFFFA0]  }
.Ltmp9:
0x19f: {  	v6 =	vor.u32 v2, v6;
	v3 =	vadd.s32 $0x8000, v3;
	v10 =	vshrl.u32 v4, $0x10;
	v2 =	vld [tilespmem:s4+$0xFFFFFFB0];
	(pc) =	sbr.rel @p0 .LBB2_16-.Ltmp9, $4  }
0x1a0: {  	[tilespmem:s2+$0xFFFFFFD0] =	vst v6;
	v3 =	vand.u32 $0xFFFF0000, v3;
	v5 =	vadd.s32 $0x8000, v5;
	v4 =	vld [tilespmem:s4+$0xFFFFFFC0]  }
0x1a1: {  	v6 =	vor.u32 v10, v3;
	v7 =	vadd.s32 $0x8000, v7;
	v10 =	vshrl.u32 v5, $0x10;
	v3 =	vld [tilespmem:s4+$0xFFFFFFD0]  }
0x1a2: {  	[tilespmem:s2+$0xFFFFFFE0] =	vst v6;
	v7 =	vand.u32 $0xFFFF0000, v7;
	v11 =	vadd.s32 $0x8000, v9;
	v6 =	vld [tilespmem:s4+$0xFFFFFFE0]  }
0x1a3: {  	v5 =	vld [tilespmem:s4+$0xFFFFFF10];
	v7 =	vor.u32 v10, v7;
	v9 =	vadd.s32 $0x8000, v8;
	v8 =	vshrl.u32 v11, $0x10;
	s4 =	sadd.s32 $0x100, s4  }
0x1a4: {  	_ = 	snop  }
0x1a5: {  	v9 =	vand.u32 $0xFFFF0000, v9;
	v2 =	vadd.s32 $0x8000, v2;
	v4 =	vadd.s32 $0x8000, v4  }
0x1a6: {  	v8 =	vor.u32 v8, v9;
	v2 =	vshrl.u32 v2, $0x10;
	v4 =	vand.u32 $0xFFFF0000, v4  }
0x1a7: {  	[tilespmem:s2+$0xFFFFFFF0] =	vst v7;
	v3 =	vadd.s32 $0x8000, v3;
	v2 =	vor.u32 v2, v4;
	v4 =	vadd.s32 $0x8000, v6  }
0x1a8: {  	[tilespmem:s2+$0x0] =	vst v8;
	v3 =	vshrl.u32 v3, $0x10;
	v5 =	vadd.s32 $0x8000, v5;
	v4 =	vand.u32 $0xFFFF0000, v4  }
0x1a9: {  	[tilespmem:s2+$0x10] =	vst v2;
	v2 =	vshrl.u32 v5, $0x10;
	v3 =	vor.u32 v3, v4  }
0x1aa: {  	v1 =	vor.u32 v2, v1;
	[tilespmem:s2+$0x20] =	vst v3  }
0x1ab: {  	[tilespmem:s2+$0xFFFFFFC0] =	vst v1  }
0x1ac: {  	s2 =	rddreg [dreg:$0xf]  }
0x1ad: {  	[tilespmem:s22], [sflag:$0x4] =	stream.linear.gather [hbm4b:s2+s1], $0x1000, $0x38;
	[tilespmem:$0x1E000] =	vst v63  }
0x1ae: {  	_ =	swait.ge [sflag:s23], $0x1000  }
0x1af: {  	[sflag:s23] =	ssyncset.done $0x0  }
0x1b0: {  	s7 =	simm.s32 $0x1C080;
	[sflag:s23] =	ssyncadd.s32 $0xFFFFF000  }
0x1b1: {  	v1 =	vld [tilespmem:s7+$0x60]  }
0x1b2: {  	v2 =	vld [tilespmem:s7+$0x70]  }
0x1b3: {  	v3 =	vld [tilespmem:s7+$0xFFFFFF90]  }
0x1b4: {  	v4 =	vld [tilespmem:s7+$0xFFFFFFA0]  }
0x1b5: {  	v5 =	vld [tilespmem:s7+$0xFFFFFFB0]  }
0x1b6: {  	v6 =	vld [tilespmem:s7+$0xFFFFFFC0]  }
0x1b7: {  	v7 =	vld [tilespmem:s7+$0xFFFFFFD0]  }
0x1b8: {  	v8 =	vld [tilespmem:s7+$0xFFFFFFE0];
	v2 =	vadd.s32 $0x8000, v2  }
0x1b9: {  	v9 =	vld [tilespmem:s7+$0xFFFFFFF0];
	v1 =	vadd.s32 $0x8000, v1;
	v3 =	vadd.s32 $0x8000, v3;
	v2 =	vand.u32 $0xFFFF0000, v2  }
0x1ba: {  	v11 =	vld [tilespmem:s7+$0x0];
	v10 =	vshrl.u32 v1, $0x10;
	v1 =	vand.u32 $0xFFFF0000, v3;
	v3 =	vadd.s32 $0x8000, v4  }
0x1bb: {  	v12 =	vld [tilespmem:s7+$0x10];
	v10 =	vor.u32 v10, v2;
	v2 =	vadd.s32 $0x8000, v5;
	v3 =	vshrl.u32 v3, $0x10  }
0x1bc: {  	v5 =	vadd.s32 $0x8000, v6;
	v6 =	vadd.s32 $0x8000, v7;
	v4 =	vand.u32 $0xFFFF0000, v2;
	v2 =	vld [tilespmem:s7+$0x20]  }
0x1bd: {  	v7 =	vor.u32 v3, v4;
	v3 =	vshrl.u32 v5, $0x10;
	v5 =	vand.u32 $0xFFFF0000, v6;
	v4 =	vld [tilespmem:s7+$0x30]  }
0x1be: {  	[tilespmem:s9+$0x30] =	vst v10;
	v6 =	vadd.s32 $0x8000, v8;
	v8 =	vadd.s32 $0x8000, v9;
	v5 =	vor.u32 v3, v5;
	v3 =	vld [tilespmem:s7+$0x40]  }
0x1bf: {  	v10 =	vadd.s32 $0x8000, v11;
	[tilespmem:s9+$0xFFFFFFD0] =	vst v7;
	v7 =	vshrl.u32 v6, $0x10;
	v8 =	vand.u32 $0xFFFF0000, v8;
	v6 =	vld [tilespmem:s7+$0x50]  }
0x1c0: {  	s3 =	simm.s32 $0x0;
	s4 =	simm.s32 $0x1C180;
	s2 =	smov.u32 s9;
	v9 =	vadd.s32 $0x8000, v12;
	[tilespmem:s9+$0xFFFFFFE0] =	vst v5;
	v5 =	vld [tilespmem:s7+$0xFFFFFF80];
	v7 =	vor.u32 v7, v8;
	v8 =	vshrl.u32 v10, $0x10  }
.LBB2_18:
0x1c1: {  	v10 =	vld [tilespmem:s4+$0x60];
	[tilespmem:s2+$0xFFFFFFF0] =	vst v7;
	v7 =	vand.u32 $0xFFFF0000, v9;
	v2 =	vadd.s32 $0x8000, v2  }
0x1c2: {  	s3 =	sadd.s32 $0x8, s3;
	v9 =	vld [tilespmem:s4+$0x70];
	v7 =	vor.u32 v8, v7;
	v4 =	vadd.s32 $0x8000, v4;
	v2 =	vshrl.u32 v2, $0x10  }
0x1c3: {  	p0 =	slt.u32 s3, $0x78;
	v8 =	vld [tilespmem:s4+$0xFFFFFF90];
	[tilespmem:s2+$0x0] =	vst v7;
	v4 =	vand.u32 $0xFFFF0000, v4;
	v3 =	vadd.s32 $0x8000, v3  }
0x1c4: {  	v7 =	vld [tilespmem:s4+$0xFFFFFFA0];
	v2 =	vor.u32 v2, v4;
	v4 =	vadd.s32 $0x8000, v6;
	v3 =	vshrl.u32 v3, $0x10  }
0x1c5: {  	v6 =	vld [tilespmem:s4+$0xFFFFFFB0];
	v5 =	vadd.s32 $0x8000, v5;
	[tilespmem:s2+$0x10] =	vst v2;
	v2 =	vand.u32 $0xFFFF0000, v4  }
0x1c6: {  	v4 =	vld [tilespmem:s4+$0xFFFFFFC0];
	v5 =	vshrl.u32 v5, $0x10;
	v2 =	vor.u32 v3, v2  }
0x1c7: {  	v10 =	vadd.s32 $0x8000, v10;
	v3 =	vld [tilespmem:s4+$0xFFFFFFD0];
	v9 =	vadd.s32 $0x8000, v9;
	v1 =	vor.u32 v5, v1;
	[tilespmem:s2+$0x20] =	vst v2  }
0x1c8: {  	v2 =	vadd.s32 $0x8000, v8;
	v5 =	vld [tilespmem:s4+$0xFFFFFFE0];
	v8 =	vand.u32 $0xFFFF0000, v9;
	v9 =	vshrl.u32 v10, $0x10;
	[tilespmem:s2+$0xFFFFFFC0] =	vst v1  }
0x1c9: {  	s2 =	sadd.s32 $0x80, s2;
	v1 =	vand.u32 $0xFFFF0000, v2;
	v2 =	vadd.s32 $0x8000, v7;
	v7 =	vld [tilespmem:s4+$0xFFFFFFF0];
	v8 =	vor.u32 v9, v8  }
0x1ca: {  	v6 =	vadd.s32 $0x8000, v6;
	v2 =	vshrl.u32 v2, $0x10;
	v9 =	vld [tilespmem:s4+$0x0];
	[tilespmem:s2+$0x30] =	vst v8  }
0x1cb: {  	v6 =	vand.u32 $0xFFFF0000, v6;
	v4 =	vadd.s32 $0x8000, v4;
	v8 =	vld [tilespmem:s4+$0x10]  }
.Ltmp10:
0x1cc: {  	v6 =	vor.u32 v2, v6;
	v3 =	vadd.s32 $0x8000, v3;
	v10 =	vshrl.u32 v4, $0x10;
	v2 =	vld [tilespmem:s4+$0x20];
	(pc) =	sbr.rel @p0 .LBB2_18-.Ltmp10, $4  }
0x1cd: {  	[tilespmem:s2+$0xFFFFFFD0] =	vst v6;
	v3 =	vand.u32 $0xFFFF0000, v3;
	v5 =	vadd.s32 $0x8000, v5;
	v4 =	vld [tilespmem:s4+$0x30]  }
0x1ce: {  	v6 =	vor.u32 v10, v3;
	v7 =	vadd.s32 $0x8000, v7;
	v10 =	vshrl.u32 v5, $0x10;
	v3 =	vld [tilespmem:s4+$0x40]  }
0x1cf: {  	[tilespmem:s2+$0xFFFFFFE0] =	vst v6;
	v7 =	vand.u32 $0xFFFF0000, v7;
	v11 =	vadd.s32 $0x8000, v9;
	v6 =	vld [tilespmem:s4+$0x50]  }
0x1d0: {  	v5 =	vld [tilespmem:s4+$0xFFFFFF80];
	v7 =	vor.u32 v10, v7;
	v9 =	vadd.s32 $0x8000, v8;
	v8 =	vshrl.u32 v11, $0x10;
	s4 =	sadd.s32 $0x100, s4  }
0x1d1: {  	_ = 	snop  }
0x1d2: {  	v9 =	vand.u32 $0xFFFF0000, v9;
	v2 =	vadd.s32 $0x8000, v2;
	v4 =	vadd.s32 $0x8000, v4  }
0x1d3: {  	v8 =	vor.u32 v8, v9;
	v2 =	vshrl.u32 v2, $0x10;
	v4 =	vand.u32 $0xFFFF0000, v4  }
0x1d4: {  	[tilespmem:s2+$0xFFFFFFF0] =	vst v7;
	v3 =	vadd.s32 $0x8000, v3;
	v2 =	vor.u32 v2, v4;
	v4 =	vadd.s32 $0x8000, v6  }
0x1d5: {  	[tilespmem:s2+$0x0] =	vst v8;
	v3 =	vshrl.u32 v3, $0x10;
	v5 =	vadd.s32 $0x8000, v5;
	v4 =	vand.u32 $0xFFFF0000, v4  }
0x1d6: {  	[tilespmem:s2+$0x10] =	vst v2;
	v2 =	vshrl.u32 v5, $0x10;
	v3 =	vor.u32 v3, v4  }
0x1d7: {  	v1 =	vor.u32 v2, v1;
	[tilespmem:s2+$0x20] =	vst v3  }
0x1d8: {  	[tilespmem:s2+$0xFFFFFFC0] =	vst v1  }
0x1d9: {  	s2 =	rddreg [dreg:$0x10]  }
0x1da: {  	[tilespmem:s21], [sflag:$0x3] =	stream.linear.gather [hbm4b:s2+s1], $0x1000, $0x38;
	[tilespmem:$0x1E000] =	vst v63  }
0x1db: {  	_ =	swait.ge [sflag:s24], $0x1000  }
0x1dc: {  	[sflag:s24] =	ssyncset.done $0x0  }
0x1dd: {  	s7 =	simm.s32 $0x1D0F0;
	[sflag:s24] =	ssyncadd.s32 $0xFFFFF000  }
0x1de: {  	v1 =	vld [tilespmem:s7+$0xFFFFFFF0]  }
0x1df: {  	v2 =	vld [tilespmem:s7+$0x0]  }
0x1e0: {  	v3 =	vld [tilespmem:s7+$0xFFFFFF20]  }
0x1e1: {  	v4 =	vld [tilespmem:s7+$0xFFFFFF30]  }
0x1e2: {  	v5 =	vld [tilespmem:s7+$0xFFFFFF40]  }
0x1e3: {  	v6 =	vld [tilespmem:s7+$0xFFFFFF50]  }
0x1e4: {  	v7 =	vld [tilespmem:s7+$0xFFFFFF60]  }
0x1e5: {  	v8 =	vld [tilespmem:s7+$0xFFFFFF70];
	v2 =	vadd.s32 $0x8000, v2  }
0x1e6: {  	v9 =	vld [tilespmem:s7+$0xFFFFFF80];
	v1 =	vadd.s32 $0x8000, v1;
	v3 =	vadd.s32 $0x8000, v3;
	v2 =	vand.u32 $0xFFFF0000, v2  }
0x1e7: {  	v11 =	vld [tilespmem:s7+$0xFFFFFF90];
	v10 =	vshrl.u32 v1, $0x10;
	v1 =	vand.u32 $0xFFFF0000, v3;
	v3 =	vadd.s32 $0x8000, v4  }
0x1e8: {  	v12 =	vld [tilespmem:s7+$0xFFFFFFA0];
	v10 =	vor.u32 v10, v2;
	v2 =	vadd.s32 $0x8000, v5;
	v3 =	vshrl.u32 v3, $0x10  }
0x1e9: {  	v5 =	vadd.s32 $0x8000, v6;
	v6 =	vadd.s32 $0x8000, v7;
	v4 =	vand.u32 $0xFFFF0000, v2;
	v2 =	vld [tilespmem:s7+$0xFFFFFFB0]  }
0x1ea: {  	v7 =	vor.u32 v3, v4;
	v3 =	vshrl.u32 v5, $0x10;
	v5 =	vand.u32 $0xFFFF0000, v6;
	v4 =	vld [tilespmem:s7+$0xFFFFFFC0]  }
0x1eb: {  	[tilespmem:s10+$0x30] =	vst v10;
	v6 =	vadd.s32 $0x8000, v8;
	v8 =	vadd.s32 $0x8000, v9;
	v5 =	vor.u32 v3, v5;
	v3 =	vld [tilespmem:s7+$0xFFFFFFD0]  }
0x1ec: {  	v10 =	vadd.s32 $0x8000, v11;
	[tilespmem:s10+$0xFFFFFFD0] =	vst v7;
	v7 =	vshrl.u32 v6, $0x10;
	v8 =	vand.u32 $0xFFFF0000, v8;
	v6 =	vld [tilespmem:s7+$0xFFFFFFE0]  }
0x1ed: {  	s3 =	simm.s32 $0x0;
	s4 =	simm.s32 $0x1D1F0;
	s2 =	smov.u32 s10;
	v9 =	vadd.s32 $0x8000, v12;
	[tilespmem:s10+$0xFFFFFFE0] =	vst v5;
	v5 =	vld [tilespmem:s7+$0xFFFFFF10];
	v7 =	vor.u32 v7, v8;
	v8 =	vshrl.u32 v10, $0x10  }
.LBB2_20:
0x1ee: {  	v10 =	vld [tilespmem:s4+$0xFFFFFFF0];
	[tilespmem:s2+$0xFFFFFFF0] =	vst v7;
	v7 =	vand.u32 $0xFFFF0000, v9;
	v2 =	vadd.s32 $0x8000, v2  }
0x1ef: {  	s3 =	sadd.s32 $0x8, s3;
	v9 =	vld [tilespmem:s4+$0x0];
	v7 =	vor.u32 v8, v7;
	v4 =	vadd.s32 $0x8000, v4;
	v2 =	vshrl.u32 v2, $0x10  }
0x1f0: {  	p0 =	slt.u32 s3, $0x78;
	v8 =	vld [tilespmem:s4+$0xFFFFFF20];
	[tilespmem:s2+$0x0] =	vst v7;
	v4 =	vand.u32 $0xFFFF0000, v4;
	v3 =	vadd.s32 $0x8000, v3  }
0x1f1: {  	v7 =	vld [tilespmem:s4+$0xFFFFFF30];
	v2 =	vor.u32 v2, v4;
	v4 =	vadd.s32 $0x8000, v6;
	v3 =	vshrl.u32 v3, $0x10  }
0x1f2: {  	v6 =	vld [tilespmem:s4+$0xFFFFFF40];
	v5 =	vadd.s32 $0x8000, v5;
	[tilespmem:s2+$0x10] =	vst v2;
	v2 =	vand.u32 $0xFFFF0000, v4  }
0x1f3: {  	v4 =	vld [tilespmem:s4+$0xFFFFFF50];
	v5 =	vshrl.u32 v5, $0x10;
	v2 =	vor.u32 v3, v2  }
0x1f4: {  	v10 =	vadd.s32 $0x8000, v10;
	v3 =	vld [tilespmem:s4+$0xFFFFFF60];
	v9 =	vadd.s32 $0x8000, v9;
	v1 =	vor.u32 v5, v1;
	[tilespmem:s2+$0x20] =	vst v2  }
0x1f5: {  	v2 =	vadd.s32 $0x8000, v8;
	v5 =	vld [tilespmem:s4+$0xFFFFFF70];
	v8 =	vand.u32 $0xFFFF0000, v9;
	v9 =	vshrl.u32 v10, $0x10;
	[tilespmem:s2+$0xFFFFFFC0] =	vst v1  }
0x1f6: {  	s2 =	sadd.s32 $0x80, s2;
	v1 =	vand.u32 $0xFFFF0000, v2;
	v2 =	vadd.s32 $0x8000, v7;
	v7 =	vld [tilespmem:s4+$0xFFFFFF80];
	v8 =	vor.u32 v9, v8  }
0x1f7: {  	v6 =	vadd.s32 $0x8000, v6;
	v2 =	vshrl.u32 v2, $0x10;
	v9 =	vld [tilespmem:s4+$0xFFFFFF90];
	[tilespmem:s2+$0x30] =	vst v8  }
0x1f8: {  	v6 =	vand.u32 $0xFFFF0000, v6;
	v4 =	vadd.s32 $0x8000, v4;
	v8 =	vld [tilespmem:s4+$0xFFFFFFA0]  }
.Ltmp11:
0x1f9: {  	v6 =	vor.u32 v2, v6;
	v3 =	vadd.s32 $0x8000, v3;
	v10 =	vshrl.u32 v4, $0x10;
	v2 =	vld [tilespmem:s4+$0xFFFFFFB0];
	(pc) =	sbr.rel @p0 .LBB2_20-.Ltmp11, $4  }
0x1fa: {  	[tilespmem:s2+$0xFFFFFFD0] =	vst v6;
	v3 =	vand.u32 $0xFFFF0000, v3;
	v5 =	vadd.s32 $0x8000, v5;
	v4 =	vld [tilespmem:s4+$0xFFFFFFC0]  }
0x1fb: {  	v6 =	vor.u32 v10, v3;
	v7 =	vadd.s32 $0x8000, v7;
	v10 =	vshrl.u32 v5, $0x10;
	v3 =	vld [tilespmem:s4+$0xFFFFFFD0]  }
0x1fc: {  	[tilespmem:s2+$0xFFFFFFE0] =	vst v6;
	v7 =	vand.u32 $0xFFFF0000, v7;
	v11 =	vadd.s32 $0x8000, v9;
	v6 =	vld [tilespmem:s4+$0xFFFFFFE0]  }
0x1fd: {  	v5 =	vld [tilespmem:s4+$0xFFFFFF10];
	v7 =	vor.u32 v10, v7;
	v9 =	vadd.s32 $0x8000, v8;
	v8 =	vshrl.u32 v11, $0x10;
	s4 =	sadd.s32 $0x100, s4  }
0x1fe: {  	_ = 	snop  }
0x1ff: {  	v9 =	vand.u32 $0xFFFF0000, v9;
	v2 =	vadd.s32 $0x8000, v2;
	v4 =	vadd.s32 $0x8000, v4  }
0x200: {  	v8 =	vor.u32 v8, v9;
	v2 =	vshrl.u32 v2, $0x10;
	v4 =	vand.u32 $0xFFFF0000, v4  }
0x201: {  	[tilespmem:s2+$0xFFFFFFF0] =	vst v7;
	v3 =	vadd.s32 $0x8000, v3;
	v2 =	vor.u32 v2, v4;
	v4 =	vadd.s32 $0x8000, v6  }
0x202: {  	[tilespmem:s2+$0x0] =	vst v8;
	v3 =	vshrl.u32 v3, $0x10;
	v5 =	vadd.s32 $0x8000, v5;
	v4 =	vand.u32 $0xFFFF0000, v4  }
0x203: {  	[tilespmem:s2+$0x10] =	vst v2;
	v2 =	vshrl.u32 v5, $0x10;
	v3 =	vor.u32 v3, v4  }
0x204: {  	v1 =	vor.u32 v2, v1;
	[tilespmem:s2+$0x20] =	vst v3  }
0x205: {  	[tilespmem:s2+$0xFFFFFFC0] =	vst v1  }
0x206: {  	s2 =	rddreg [dreg:$0x11]  }
0x207: {  	[tilespmem:s22], [sflag:$0x4] =	stream.linear.gather [hbm4b:s2+s1], $0x1000, $0x38;
	[tilespmem:$0x1E000] =	vst v63  }
0x208: {  	_ =	swait.ge [sflag:s23], $0x1000  }
0x209: {  	[sflag:s23] =	ssyncset.done $0x0  }
0x20a: {  	s7 =	simm.s32 $0x1C080;
	[sflag:s23] =	ssyncadd.s32 $0xFFFFF000  }
0x20b: {  	v1 =	vld [tilespmem:s7+$0x60]  }
0x20c: {  	v2 =	vld [tilespmem:s7+$0x70]  }
0x20d: {  	v3 =	vld [tilespmem:s7+$0xFFFFFF90]  }
0x20e: {  	v4 =	vld [tilespmem:s7+$0xFFFFFFA0]  }
0x20f: {  	v5 =	vld [tilespmem:s7+$0xFFFFFFB0]  }
0x210: {  	v6 =	vld [tilespmem:s7+$0xFFFFFFC0]  }
0x211: {  	v7 =	vld [tilespmem:s7+$0xFFFFFFD0]  }
0x212: {  	v8 =	vld [tilespmem:s7+$0xFFFFFFE0];
	v2 =	vadd.s32 $0x8000, v2  }
0x213: {  	v9 =	vld [tilespmem:s7+$0xFFFFFFF0];
	v1 =	vadd.s32 $0x8000, v1;
	v3 =	vadd.s32 $0x8000, v3;
	v2 =	vand.u32 $0xFFFF0000, v2  }
0x214: {  	v11 =	vld [tilespmem:s7+$0x0];
	v10 =	vshrl.u32 v1, $0x10;
	v1 =	vand.u32 $0xFFFF0000, v3;
	v3 =	vadd.s32 $0x8000, v4  }
0x215: {  	v12 =	vld [tilespmem:s7+$0x10];
	v10 =	vor.u32 v10, v2;
	v2 =	vadd.s32 $0x8000, v5;
	v3 =	vshrl.u32 v3, $0x10  }
0x216: {  	v5 =	vadd.s32 $0x8000, v6;
	v6 =	vadd.s32 $0x8000, v7;
	v4 =	vand.u32 $0xFFFF0000, v2;
	v2 =	vld [tilespmem:s7+$0x20]  }
0x217: {  	v7 =	vor.u32 v3, v4;
	v3 =	vshrl.u32 v5, $0x10;
	v5 =	vand.u32 $0xFFFF0000, v6;
	v4 =	vld [tilespmem:s7+$0x30]  }
0x218: {  	[tilespmem:s11+$0x30] =	vst v10;
	v6 =	vadd.s32 $0x8000, v8;
	v8 =	vadd.s32 $0x8000, v9;
	v5 =	vor.u32 v3, v5;
	v3 =	vld [tilespmem:s7+$0x40]  }
0x219: {  	v10 =	vadd.s32 $0x8000, v11;
	[tilespmem:s11+$0xFFFFFFD0] =	vst v7;
	v7 =	vshrl.u32 v6, $0x10;
	v8 =	vand.u32 $0xFFFF0000, v8;
	v6 =	vld [tilespmem:s7+$0x50]  }
0x21a: {  	s3 =	simm.s32 $0x0;
	s4 =	simm.s32 $0x1C180;
	s2 =	smov.u32 s11;
	v9 =	vadd.s32 $0x8000, v12;
	[tilespmem:s11+$0xFFFFFFE0] =	vst v5;
	v5 =	vld [tilespmem:s7+$0xFFFFFF80];
	v7 =	vor.u32 v7, v8;
	v8 =	vshrl.u32 v10, $0x10  }
.LBB2_22:
0x21b: {  	v10 =	vld [tilespmem:s4+$0x60];
	[tilespmem:s2+$0xFFFFFFF0] =	vst v7;
	v7 =	vand.u32 $0xFFFF0000, v9;
	v2 =	vadd.s32 $0x8000, v2  }
0x21c: {  	s3 =	sadd.s32 $0x8, s3;
	v9 =	vld [tilespmem:s4+$0x70];
	v7 =	vor.u32 v8, v7;
	v4 =	vadd.s32 $0x8000, v4;
	v2 =	vshrl.u32 v2, $0x10  }
0x21d: {  	p0 =	slt.u32 s3, $0x78;
	v8 =	vld [tilespmem:s4+$0xFFFFFF90];
	[tilespmem:s2+$0x0] =	vst v7;
	v4 =	vand.u32 $0xFFFF0000, v4;
	v3 =	vadd.s32 $0x8000, v3  }
0x21e: {  	v7 =	vld [tilespmem:s4+$0xFFFFFFA0];
	v2 =	vor.u32 v2, v4;
	v4 =	vadd.s32 $0x8000, v6;
	v3 =	vshrl.u32 v3, $0x10  }
0x21f: {  	v6 =	vld [tilespmem:s4+$0xFFFFFFB0];
	v5 =	vadd.s32 $0x8000, v5;
	[tilespmem:s2+$0x10] =	vst v2;
	v2 =	vand.u32 $0xFFFF0000, v4  }
0x220: {  	v4 =	vld [tilespmem:s4+$0xFFFFFFC0];
	v5 =	vshrl.u32 v5, $0x10;
	v2 =	vor.u32 v3, v2  }
0x221: {  	v10 =	vadd.s32 $0x8000, v10;
	v3 =	vld [tilespmem:s4+$0xFFFFFFD0];
	v9 =	vadd.s32 $0x8000, v9;
	v1 =	vor.u32 v5, v1;
	[tilespmem:s2+$0x20] =	vst v2  }
0x222: {  	v2 =	vadd.s32 $0x8000, v8;
	v5 =	vld [tilespmem:s4+$0xFFFFFFE0];
	v8 =	vand.u32 $0xFFFF0000, v9;
	v9 =	vshrl.u32 v10, $0x10;
	[tilespmem:s2+$0xFFFFFFC0] =	vst v1  }
0x223: {  	s2 =	sadd.s32 $0x80, s2;
	v1 =	vand.u32 $0xFFFF0000, v2;
	v2 =	vadd.s32 $0x8000, v7;
	v7 =	vld [tilespmem:s4+$0xFFFFFFF0];
	v8 =	vor.u32 v9, v8  }
0x224: {  	v6 =	vadd.s32 $0x8000, v6;
	v2 =	vshrl.u32 v2, $0x10;
	v9 =	vld [tilespmem:s4+$0x0];
	[tilespmem:s2+$0x30] =	vst v8  }
0x225: {  	v6 =	vand.u32 $0xFFFF0000, v6;
	v4 =	vadd.s32 $0x8000, v4;
	v8 =	vld [tilespmem:s4+$0x10]  }
.Ltmp12:
0x226: {  	v6 =	vor.u32 v2, v6;
	v3 =	vadd.s32 $0x8000, v3;
	v10 =	vshrl.u32 v4, $0x10;
	v2 =	vld [tilespmem:s4+$0x20];
	(pc) =	sbr.rel @p0 .LBB2_22-.Ltmp12, $4  }
0x227: {  	[tilespmem:s2+$0xFFFFFFD0] =	vst v6;
	v3 =	vand.u32 $0xFFFF0000, v3;
	v5 =	vadd.s32 $0x8000, v5;
	v4 =	vld [tilespmem:s4+$0x30]  }
0x228: {  	v6 =	vor.u32 v10, v3;
	v7 =	vadd.s32 $0x8000, v7;
	v10 =	vshrl.u32 v5, $0x10;
	v3 =	vld [tilespmem:s4+$0x40]  }
0x229: {  	[tilespmem:s2+$0xFFFFFFE0] =	vst v6;
	v7 =	vand.u32 $0xFFFF0000, v7;
	v11 =	vadd.s32 $0x8000, v9;
	v6 =	vld [tilespmem:s4+$0x50]  }
0x22a: {  	v5 =	vld [tilespmem:s4+$0xFFFFFF80];
	v7 =	vor.u32 v10, v7;
	v9 =	vadd.s32 $0x8000, v8;
	v8 =	vshrl.u32 v11, $0x10;
	s4 =	sadd.s32 $0x100, s4  }
0x22b: {  	_ = 	snop  }
0x22c: {  	v9 =	vand.u32 $0xFFFF0000, v9;
	v2 =	vadd.s32 $0x8000, v2;
	v4 =	vadd.s32 $0x8000, v4  }
0x22d: {  	v8 =	vor.u32 v8, v9;
	v2 =	vshrl.u32 v2, $0x10;
	v4 =	vand.u32 $0xFFFF0000, v4  }
0x22e: {  	[tilespmem:s2+$0xFFFFFFF0] =	vst v7;
	v3 =	vadd.s32 $0x8000, v3;
	v2 =	vor.u32 v2, v4;
	v4 =	vadd.s32 $0x8000, v6  }
0x22f: {  	[tilespmem:s2+$0x0] =	vst v8;
	v3 =	vshrl.u32 v3, $0x10;
	v5 =	vadd.s32 $0x8000, v5;
	v4 =	vand.u32 $0xFFFF0000, v4  }
0x230: {  	[tilespmem:s2+$0x10] =	vst v2;
	v2 =	vshrl.u32 v5, $0x10;
	v3 =	vor.u32 v3, v4  }
0x231: {  	v1 =	vor.u32 v2, v1;
	[tilespmem:s2+$0x20] =	vst v3  }
0x232: {  	[tilespmem:s2+$0xFFFFFFC0] =	vst v1  }
0x233: {  	s2 =	rddreg [dreg:$0x12]  }
0x234: {  	[tilespmem:s21], [sflag:$0x3] =	stream.linear.gather [hbm4b:s2+s1], $0x1000, $0x38;
	[tilespmem:$0x1E000] =	vst v63  }
0x235: {  	_ =	swait.ge [sflag:s24], $0x1000  }
0x236: {  	[sflag:s24] =	ssyncset.done $0x0  }
0x237: {  	s7 =	simm.s32 $0x1D0F0;
	[sflag:s24] =	ssyncadd.s32 $0xFFFFF000  }
0x238: {  	v1 =	vld [tilespmem:s7+$0xFFFFFFF0]  }
0x239: {  	v2 =	vld [tilespmem:s7+$0x0]  }
0x23a: {  	v3 =	vld [tilespmem:s7+$0xFFFFFF20]  }
0x23b: {  	v4 =	vld [tilespmem:s7+$0xFFFFFF30]  }
0x23c: {  	v5 =	vld [tilespmem:s7+$0xFFFFFF40]  }
0x23d: {  	v6 =	vld [tilespmem:s7+$0xFFFFFF50]  }
0x23e: {  	v7 =	vld [tilespmem:s7+$0xFFFFFF60]  }
0x23f: {  	v8 =	vld [tilespmem:s7+$0xFFFFFF70];
	v2 =	vadd.s32 $0x8000, v2  }
0x240: {  	v9 =	vld [tilespmem:s7+$0xFFFFFF80];
	v1 =	vadd.s32 $0x8000, v1;
	v3 =	vadd.s32 $0x8000, v3;
	v2 =	vand.u32 $0xFFFF0000, v2  }
0x241: {  	v11 =	vld [tilespmem:s7+$0xFFFFFF90];
	v10 =	vshrl.u32 v1, $0x10;
	v1 =	vand.u32 $0xFFFF0000, v3;
	v3 =	vadd.s32 $0x8000, v4  }
0x242: {  	v12 =	vld [tilespmem:s7+$0xFFFFFFA0];
	v10 =	vor.u32 v10, v2;
	v2 =	vadd.s32 $0x8000, v5;
	v3 =	vshrl.u32 v3, $0x10  }
0x243: {  	v5 =	vadd.s32 $0x8000, v6;
	v6 =	vadd.s32 $0x8000, v7;
	v4 =	vand.u32 $0xFFFF0000, v2;
	v2 =	vld [tilespmem:s7+$0xFFFFFFB0]  }
0x244: {  	v7 =	vor.u32 v3, v4;
	v3 =	vshrl.u32 v5, $0x10;
	v5 =	vand.u32 $0xFFFF0000, v6;
	v4 =	vld [tilespmem:s7+$0xFFFFFFC0]  }
0x245: {  	[tilespmem:s12+$0x30] =	vst v10;
	v6 =	vadd.s32 $0x8000, v8;
	v8 =	vadd.s32 $0x8000, v9;
	v5 =	vor.u32 v3, v5;
	v3 =	vld [tilespmem:s7+$0xFFFFFFD0]  }
0x246: {  	v10 =	vadd.s32 $0x8000, v11;
	[tilespmem:s12+$0xFFFFFFD0] =	vst v7;
	v7 =	vshrl.u32 v6, $0x10;
	v8 =	vand.u32 $0xFFFF0000, v8;
	v6 =	vld [tilespmem:s7+$0xFFFFFFE0]  }
0x247: {  	s3 =	simm.s32 $0x0;
	s4 =	simm.s32 $0x1D1F0;
	s2 =	smov.u32 s12;
	v9 =	vadd.s32 $0x8000, v12;
	[tilespmem:s12+$0xFFFFFFE0] =	vst v5;
	v5 =	vld [tilespmem:s7+$0xFFFFFF10];
	v7 =	vor.u32 v7, v8;
	v8 =	vshrl.u32 v10, $0x10  }
.LBB2_24:
0x248: {  	v10 =	vld [tilespmem:s4+$0xFFFFFFF0];
	[tilespmem:s2+$0xFFFFFFF0] =	vst v7;
	v7 =	vand.u32 $0xFFFF0000, v9;
	v2 =	vadd.s32 $0x8000, v2  }
0x249: {  	s3 =	sadd.s32 $0x8, s3;
	v9 =	vld [tilespmem:s4+$0x0];
	v7 =	vor.u32 v8, v7;
	v4 =	vadd.s32 $0x8000, v4;
	v2 =	vshrl.u32 v2, $0x10  }
0x24a: {  	p0 =	slt.u32 s3, $0x78;
	v8 =	vld [tilespmem:s4+$0xFFFFFF20];
	[tilespmem:s2+$0x0] =	vst v7;
	v4 =	vand.u32 $0xFFFF0000, v4;
	v3 =	vadd.s32 $0x8000, v3  }
0x24b: {  	v7 =	vld [tilespmem:s4+$0xFFFFFF30];
	v2 =	vor.u32 v2, v4;
	v4 =	vadd.s32 $0x8000, v6;
	v3 =	vshrl.u32 v3, $0x10  }
0x24c: {  	v6 =	vld [tilespmem:s4+$0xFFFFFF40];
	v5 =	vadd.s32 $0x8000, v5;
	[tilespmem:s2+$0x10] =	vst v2;
	v2 =	vand.u32 $0xFFFF0000, v4  }
0x24d: {  	v4 =	vld [tilespmem:s4+$0xFFFFFF50];
	v5 =	vshrl.u32 v5, $0x10;
	v2 =	vor.u32 v3, v2  }
0x24e: {  	v10 =	vadd.s32 $0x8000, v10;
	v3 =	vld [tilespmem:s4+$0xFFFFFF60];
	v9 =	vadd.s32 $0x8000, v9;
	v1 =	vor.u32 v5, v1;
	[tilespmem:s2+$0x20] =	vst v2  }
0x24f: {  	v2 =	vadd.s32 $0x8000, v8;
	v5 =	vld [tilespmem:s4+$0xFFFFFF70];
	v8 =	vand.u32 $0xFFFF0000, v9;
	v9 =	vshrl.u32 v10, $0x10;
	[tilespmem:s2+$0xFFFFFFC0] =	vst v1  }
0x250: {  	s2 =	sadd.s32 $0x80, s2;
	v1 =	vand.u32 $0xFFFF0000, v2;
	v2 =	vadd.s32 $0x8000, v7;
	v7 =	vld [tilespmem:s4+$0xFFFFFF80];
	v8 =	vor.u32 v9, v8  }
0x251: {  	v6 =	vadd.s32 $0x8000, v6;
	v2 =	vshrl.u32 v2, $0x10;
	v9 =	vld [tilespmem:s4+$0xFFFFFF90];
	[tilespmem:s2+$0x30] =	vst v8  }
0x252: {  	v6 =	vand.u32 $0xFFFF0000, v6;
	v4 =	vadd.s32 $0x8000, v4;
	v8 =	vld [tilespmem:s4+$0xFFFFFFA0]  }
.Ltmp13:
0x253: {  	v6 =	vor.u32 v2, v6;
	v3 =	vadd.s32 $0x8000, v3;
	v10 =	vshrl.u32 v4, $0x10;
	v2 =	vld [tilespmem:s4+$0xFFFFFFB0];
	(pc) =	sbr.rel @p0 .LBB2_24-.Ltmp13, $4  }
0x254: {  	[tilespmem:s2+$0xFFFFFFD0] =	vst v6;
	v3 =	vand.u32 $0xFFFF0000, v3;
	v5 =	vadd.s32 $0x8000, v5;
	v4 =	vld [tilespmem:s4+$0xFFFFFFC0]  }
0x255: {  	v6 =	vor.u32 v10, v3;
	v7 =	vadd.s32 $0x8000, v7;
	v10 =	vshrl.u32 v5, $0x10;
	v3 =	vld [tilespmem:s4+$0xFFFFFFD0]  }
0x256: {  	[tilespmem:s2+$0xFFFFFFE0] =	vst v6;
	v7 =	vand.u32 $0xFFFF0000, v7;
	v11 =	vadd.s32 $0x8000, v9;
	v6 =	vld [tilespmem:s4+$0xFFFFFFE0]  }
0x257: {  	v5 =	vld [tilespmem:s4+$0xFFFFFF10];
	v7 =	vor.u32 v10, v7;
	v9 =	vadd.s32 $0x8000, v8;
	v8 =	vshrl.u32 v11, $0x10;
	s4 =	sadd.s32 $0x100, s4  }
0x258: {  	_ = 	snop  }
0x259: {  	v9 =	vand.u32 $0xFFFF0000, v9;
	v2 =	vadd.s32 $0x8000, v2;
	v4 =	vadd.s32 $0x8000, v4  }
0x25a: {  	v8 =	vor.u32 v8, v9;
	v2 =	vshrl.u32 v2, $0x10;
	v4 =	vand.u32 $0xFFFF0000, v4  }
0x25b: {  	[tilespmem:s2+$0xFFFFFFF0] =	vst v7;
	v3 =	vadd.s32 $0x8000, v3;
	v2 =	vor.u32 v2, v4;
	v4 =	vadd.s32 $0x8000, v6  }
0x25c: {  	[tilespmem:s2+$0x0] =	vst v8;
	v3 =	vshrl.u32 v3, $0x10;
	v5 =	vadd.s32 $0x8000, v5;
	v4 =	vand.u32 $0xFFFF0000, v4  }
0x25d: {  	[tilespmem:s2+$0x10] =	vst v2;
	v2 =	vshrl.u32 v5, $0x10;
	v3 =	vor.u32 v3, v4  }
0x25e: {  	v1 =	vor.u32 v2, v1;
	[tilespmem:s2+$0x20] =	vst v3  }
0x25f: {  	[tilespmem:s2+$0xFFFFFFC0] =	vst v1  }
0x260: {  	s2 =	rddreg [dreg:$0x13]  }
0x261: {  	[tilespmem:s22], [sflag:$0x4] =	stream.linear.gather [hbm4b:s2+s1], $0x1000, $0x38;
	[tilespmem:$0x1E000] =	vst v63  }
0x262: {  	_ =	swait.ge [sflag:s23], $0x1000  }
0x263: {  	[sflag:s23] =	ssyncset.done $0x0  }
0x264: {  	s7 =	simm.s32 $0x1C080;
	[sflag:s23] =	ssyncadd.s32 $0xFFFFF000  }
0x265: {  	v1 =	vld [tilespmem:s7+$0x60]  }
0x266: {  	v2 =	vld [tilespmem:s7+$0x70]  }
0x267: {  	v3 =	vld [tilespmem:s7+$0xFFFFFF90]  }
0x268: {  	v4 =	vld [tilespmem:s7+$0xFFFFFFA0]  }
0x269: {  	v5 =	vld [tilespmem:s7+$0xFFFFFFB0]  }
0x26a: {  	v6 =	vld [tilespmem:s7+$0xFFFFFFC0]  }
0x26b: {  	v7 =	vld [tilespmem:s7+$0xFFFFFFD0]  }
0x26c: {  	v8 =	vld [tilespmem:s7+$0xFFFFFFE0];
	v2 =	vadd.s32 $0x8000, v2  }
0x26d: {  	v9 =	vld [tilespmem:s7+$0xFFFFFFF0];
	v1 =	vadd.s32 $0x8000, v1;
	v3 =	vadd.s32 $0x8000, v3;
	v2 =	vand.u32 $0xFFFF0000, v2  }
0x26e: {  	v11 =	vld [tilespmem:s7+$0x0];
	v10 =	vshrl.u32 v1, $0x10;
	v1 =	vand.u32 $0xFFFF0000, v3;
	v3 =	vadd.s32 $0x8000, v4  }
0x26f: {  	v12 =	vld [tilespmem:s7+$0x10];
	v10 =	vor.u32 v10, v2;
	v2 =	vadd.s32 $0x8000, v5;
	v3 =	vshrl.u32 v3, $0x10  }
0x270: {  	v5 =	vadd.s32 $0x8000, v6;
	v6 =	vadd.s32 $0x8000, v7;
	v4 =	vand.u32 $0xFFFF0000, v2;
	v2 =	vld [tilespmem:s7+$0x20]  }
0x271: {  	v7 =	vor.u32 v3, v4;
	v3 =	vshrl.u32 v5, $0x10;
	v5 =	vand.u32 $0xFFFF0000, v6;
	v4 =	vld [tilespmem:s7+$0x30]  }
0x272: {  	[tilespmem:s13+$0x30] =	vst v10;
	v6 =	vadd.s32 $0x8000, v8;
	v8 =	vadd.s32 $0x8000, v9;
	v5 =	vor.u32 v3, v5;
	v3 =	vld [tilespmem:s7+$0x40]  }
0x273: {  	v10 =	vadd.s32 $0x8000, v11;
	[tilespmem:s13+$0xFFFFFFD0] =	vst v7;
	v7 =	vshrl.u32 v6, $0x10;
	v8 =	vand.u32 $0xFFFF0000, v8;
	v6 =	vld [tilespmem:s7+$0x50]  }
0x274: {  	s3 =	simm.s32 $0x0;
	s4 =	simm.s32 $0x1C180;
	s2 =	smov.u32 s13;
	v9 =	vadd.s32 $0x8000, v12;
	[tilespmem:s13+$0xFFFFFFE0] =	vst v5;
	v5 =	vld [tilespmem:s7+$0xFFFFFF80];
	v7 =	vor.u32 v7, v8;
	v8 =	vshrl.u32 v10, $0x10  }
.LBB2_26:
0x275: {  	v10 =	vld [tilespmem:s4+$0x60];
	[tilespmem:s2+$0xFFFFFFF0] =	vst v7;
	v7 =	vand.u32 $0xFFFF0000, v9;
	v2 =	vadd.s32 $0x8000, v2  }
0x276: {  	s3 =	sadd.s32 $0x8, s3;
	v9 =	vld [tilespmem:s4+$0x70];
	v7 =	vor.u32 v8, v7;
	v4 =	vadd.s32 $0x8000, v4;
	v2 =	vshrl.u32 v2, $0x10  }
0x277: {  	p0 =	slt.u32 s3, $0x78;
	v8 =	vld [tilespmem:s4+$0xFFFFFF90];
	[tilespmem:s2+$0x0] =	vst v7;
	v4 =	vand.u32 $0xFFFF0000, v4;
	v3 =	vadd.s32 $0x8000, v3  }
0x278: {  	v7 =	vld [tilespmem:s4+$0xFFFFFFA0];
	v2 =	vor.u32 v2, v4;
	v4 =	vadd.s32 $0x8000, v6;
	v3 =	vshrl.u32 v3, $0x10  }
0x279: {  	v6 =	vld [tilespmem:s4+$0xFFFFFFB0];
	v5 =	vadd.s32 $0x8000, v5;
	[tilespmem:s2+$0x10] =	vst v2;
	v2 =	vand.u32 $0xFFFF0000, v4  }
0x27a: {  	v4 =	vld [tilespmem:s4+$0xFFFFFFC0];
	v5 =	vshrl.u32 v5, $0x10;
	v2 =	vor.u32 v3, v2  }
0x27b: {  	v10 =	vadd.s32 $0x8000, v10;
	v3 =	vld [tilespmem:s4+$0xFFFFFFD0];
	v9 =	vadd.s32 $0x8000, v9;
	v1 =	vor.u32 v5, v1;
	[tilespmem:s2+$0x20] =	vst v2  }
0x27c: {  	v2 =	vadd.s32 $0x8000, v8;
	v5 =	vld [tilespmem:s4+$0xFFFFFFE0];
	v8 =	vand.u32 $0xFFFF0000, v9;
	v9 =	vshrl.u32 v10, $0x10;
	[tilespmem:s2+$0xFFFFFFC0] =	vst v1  }
0x27d: {  	s2 =	sadd.s32 $0x80, s2;
	v1 =	vand.u32 $0xFFFF0000, v2;
	v2 =	vadd.s32 $0x8000, v7;
	v7 =	vld [tilespmem:s4+$0xFFFFFFF0];
	v8 =	vor.u32 v9, v8  }
0x27e: {  	v6 =	vadd.s32 $0x8000, v6;
	v2 =	vshrl.u32 v2, $0x10;
	v9 =	vld [tilespmem:s4+$0x0];
	[tilespmem:s2+$0x30] =	vst v8  }
0x27f: {  	v6 =	vand.u32 $0xFFFF0000, v6;
	v4 =	vadd.s32 $0x8000, v4;
	v8 =	vld [tilespmem:s4+$0x10]  }
.Ltmp14:
0x280: {  	v6 =	vor.u32 v2, v6;
	v3 =	vadd.s32 $0x8000, v3;
	v10 =	vshrl.u32 v4, $0x10;
	v2 =	vld [tilespmem:s4+$0x20];
	(pc) =	sbr.rel @p0 .LBB2_26-.Ltmp14, $4  }
0x281: {  	[tilespmem:s2+$0xFFFFFFD0] =	vst v6;
	v3 =	vand.u32 $0xFFFF0000, v3;
	v5 =	vadd.s32 $0x8000, v5;
	v4 =	vld [tilespmem:s4+$0x30]  }
0x282: {  	v6 =	vor.u32 v10, v3;
	v7 =	vadd.s32 $0x8000, v7;
	v10 =	vshrl.u32 v5, $0x10;
	v3 =	vld [tilespmem:s4+$0x40]  }
0x283: {  	[tilespmem:s2+$0xFFFFFFE0] =	vst v6;
	v7 =	vand.u32 $0xFFFF0000, v7;
	v11 =	vadd.s32 $0x8000, v9;
	v6 =	vld [tilespmem:s4+$0x50]  }
0x284: {  	v5 =	vld [tilespmem:s4+$0xFFFFFF80];
	v7 =	vor.u32 v10, v7;
	v9 =	vadd.s32 $0x8000, v8;
	v8 =	vshrl.u32 v11, $0x10;
	s4 =	sadd.s32 $0x100, s4  }
0x285: {  	_ = 	snop  }
0x286: {  	v9 =	vand.u32 $0xFFFF0000, v9;
	v2 =	vadd.s32 $0x8000, v2;
	v4 =	vadd.s32 $0x8000, v4  }
0x287: {  	v8 =	vor.u32 v8, v9;
	v2 =	vshrl.u32 v2, $0x10;
	v4 =	vand.u32 $0xFFFF0000, v4  }
0x288: {  	[tilespmem:s2+$0xFFFFFFF0] =	vst v7;
	v3 =	vadd.s32 $0x8000, v3;
	v2 =	vor.u32 v2, v4;
	v4 =	vadd.s32 $0x8000, v6  }
0x289: {  	[tilespmem:s2+$0x0] =	vst v8;
	v3 =	vshrl.u32 v3, $0x10;
	v5 =	vadd.s32 $0x8000, v5;
	v4 =	vand.u32 $0xFFFF0000, v4  }
0x28a: {  	[tilespmem:s2+$0x10] =	vst v2;
	v2 =	vshrl.u32 v5, $0x10;
	v3 =	vor.u32 v3, v4  }
0x28b: {  	v1 =	vor.u32 v2, v1;
	[tilespmem:s2+$0x20] =	vst v3  }
0x28c: {  	[tilespmem:s2+$0xFFFFFFC0] =	vst v1  }
0x28d: {  	s2 =	rddreg [dreg:$0x14]  }
0x28e: {  	[tilespmem:s21], [sflag:$0x3] =	stream.linear.gather [hbm4b:s2+s1], $0x1000, $0x38;
	[tilespmem:$0x1E000] =	vst v63  }
0x28f: {  	_ =	swait.ge [sflag:s24], $0x1000  }
0x290: {  	[sflag:s24] =	ssyncset.done $0x0  }
0x291: {  	s7 =	simm.s32 $0x1D0F0;
	[sflag:s24] =	ssyncadd.s32 $0xFFFFF000  }
0x292: {  	v1 =	vld [tilespmem:s7+$0xFFFFFFF0]  }
0x293: {  	v2 =	vld [tilespmem:s7+$0x0]  }
0x294: {  	v3 =	vld [tilespmem:s7+$0xFFFFFF20]  }
0x295: {  	v4 =	vld [tilespmem:s7+$0xFFFFFF30]  }
0x296: {  	v5 =	vld [tilespmem:s7+$0xFFFFFF40]  }
0x297: {  	v6 =	vld [tilespmem:s7+$0xFFFFFF50]  }
0x298: {  	v7 =	vld [tilespmem:s7+$0xFFFFFF60]  }
0x299: {  	v8 =	vld [tilespmem:s7+$0xFFFFFF70];
	v2 =	vadd.s32 $0x8000, v2  }
0x29a: {  	v9 =	vld [tilespmem:s7+$0xFFFFFF80];
	v1 =	vadd.s32 $0x8000, v1;
	v3 =	vadd.s32 $0x8000, v3;
	v2 =	vand.u32 $0xFFFF0000, v2  }
0x29b: {  	v11 =	vld [tilespmem:s7+$0xFFFFFF90];
	v10 =	vshrl.u32 v1, $0x10;
	v1 =	vand.u32 $0xFFFF0000, v3;
	v3 =	vadd.s32 $0x8000, v4  }
0x29c: {  	v12 =	vld [tilespmem:s7+$0xFFFFFFA0];
	v10 =	vor.u32 v10, v2;
	v2 =	vadd.s32 $0x8000, v5;
	v3 =	vshrl.u32 v3, $0x10  }
0x29d: {  	v5 =	vadd.s32 $0x8000, v6;
	v6 =	vadd.s32 $0x8000, v7;
	v4 =	vand.u32 $0xFFFF0000, v2;
	v2 =	vld [tilespmem:s7+$0xFFFFFFB0]  }
0x29e: {  	v7 =	vor.u32 v3, v4;
	v3 =	vshrl.u32 v5, $0x10;
	v5 =	vand.u32 $0xFFFF0000, v6;
	v4 =	vld [tilespmem:s7+$0xFFFFFFC0]  }
0x29f: {  	[tilespmem:s14+$0x30] =	vst v10;
	v6 =	vadd.s32 $0x8000, v8;
	v8 =	vadd.s32 $0x8000, v9;
	v5 =	vor.u32 v3, v5;
	v3 =	vld [tilespmem:s7+$0xFFFFFFD0]  }
0x2a0: {  	v10 =	vadd.s32 $0x8000, v11;
	[tilespmem:s14+$0xFFFFFFD0] =	vst v7;
	v7 =	vshrl.u32 v6, $0x10;
	v8 =	vand.u32 $0xFFFF0000, v8;
	v6 =	vld [tilespmem:s7+$0xFFFFFFE0]  }
0x2a1: {  	s3 =	simm.s32 $0x0;
	s4 =	simm.s32 $0x1D1F0;
	s2 =	smov.u32 s14;
	v9 =	vadd.s32 $0x8000, v12;
	[tilespmem:s14+$0xFFFFFFE0] =	vst v5;
	v5 =	vld [tilespmem:s7+$0xFFFFFF10];
	v7 =	vor.u32 v7, v8;
	v8 =	vshrl.u32 v10, $0x10  }
.LBB2_28:
0x2a2: {  	v10 =	vld [tilespmem:s4+$0xFFFFFFF0];
	[tilespmem:s2+$0xFFFFFFF0] =	vst v7;
	v7 =	vand.u32 $0xFFFF0000, v9;
	v2 =	vadd.s32 $0x8000, v2  }
0x2a3: {  	s3 =	sadd.s32 $0x8, s3;
	v9 =	vld [tilespmem:s4+$0x0];
	v7 =	vor.u32 v8, v7;
	v4 =	vadd.s32 $0x8000, v4;
	v2 =	vshrl.u32 v2, $0x10  }
0x2a4: {  	p0 =	slt.u32 s3, $0x78;
	v8 =	vld [tilespmem:s4+$0xFFFFFF20];
	[tilespmem:s2+$0x0] =	vst v7;
	v4 =	vand.u32 $0xFFFF0000, v4;
	v3 =	vadd.s32 $0x8000, v3  }
0x2a5: {  	v7 =	vld [tilespmem:s4+$0xFFFFFF30];
	v2 =	vor.u32 v2, v4;
	v4 =	vadd.s32 $0x8000, v6;
	v3 =	vshrl.u32 v3, $0x10  }
0x2a6: {  	v6 =	vld [tilespmem:s4+$0xFFFFFF40];
	v5 =	vadd.s32 $0x8000, v5;
	[tilespmem:s2+$0x10] =	vst v2;
	v2 =	vand.u32 $0xFFFF0000, v4  }
0x2a7: {  	v4 =	vld [tilespmem:s4+$0xFFFFFF50];
	v5 =	vshrl.u32 v5, $0x10;
	v2 =	vor.u32 v3, v2  }
0x2a8: {  	v10 =	vadd.s32 $0x8000, v10;
	v3 =	vld [tilespmem:s4+$0xFFFFFF60];
	v9 =	vadd.s32 $0x8000, v9;
	v1 =	vor.u32 v5, v1;
	[tilespmem:s2+$0x20] =	vst v2  }
0x2a9: {  	v2 =	vadd.s32 $0x8000, v8;
	v5 =	vld [tilespmem:s4+$0xFFFFFF70];
	v8 =	vand.u32 $0xFFFF0000, v9;
	v9 =	vshrl.u32 v10, $0x10;
	[tilespmem:s2+$0xFFFFFFC0] =	vst v1  }
0x2aa: {  	s2 =	sadd.s32 $0x80, s2;
	v1 =	vand.u32 $0xFFFF0000, v2;
	v2 =	vadd.s32 $0x8000, v7;
	v7 =	vld [tilespmem:s4+$0xFFFFFF80];
	v8 =	vor.u32 v9, v8  }
0x2ab: {  	v6 =	vadd.s32 $0x8000, v6;
	v2 =	vshrl.u32 v2, $0x10;
	v9 =	vld [tilespmem:s4+$0xFFFFFF90];
	[tilespmem:s2+$0x30] =	vst v8  }
0x2ac: {  	v6 =	vand.u32 $0xFFFF0000, v6;
	v4 =	vadd.s32 $0x8000, v4;
	v8 =	vld [tilespmem:s4+$0xFFFFFFA0]  }
.Ltmp15:
0x2ad: {  	v6 =	vor.u32 v2, v6;
	v3 =	vadd.s32 $0x8000, v3;
	v10 =	vshrl.u32 v4, $0x10;
	v2 =	vld [tilespmem:s4+$0xFFFFFFB0];
	(pc) =	sbr.rel @p0 .LBB2_28-.Ltmp15, $4  }
0x2ae: {  	[tilespmem:s2+$0xFFFFFFD0] =	vst v6;
	v3 =	vand.u32 $0xFFFF0000, v3;
	v5 =	vadd.s32 $0x8000, v5;
	v4 =	vld [tilespmem:s4+$0xFFFFFFC0]  }
0x2af: {  	v6 =	vor.u32 v10, v3;
	v7 =	vadd.s32 $0x8000, v7;
	v10 =	vshrl.u32 v5, $0x10;
	v3 =	vld [tilespmem:s4+$0xFFFFFFD0]  }
0x2b0: {  	[tilespmem:s2+$0xFFFFFFE0] =	vst v6;
	v7 =	vand.u32 $0xFFFF0000, v7;
	v11 =	vadd.s32 $0x8000, v9;
	v6 =	vld [tilespmem:s4+$0xFFFFFFE0]  }
0x2b1: {  	v5 =	vld [tilespmem:s4+$0xFFFFFF10];
	v7 =	vor.u32 v10, v7;
	v9 =	vadd.s32 $0x8000, v8;
	v8 =	vshrl.u32 v11, $0x10;
	s4 =	sadd.s32 $0x100, s4  }
0x2b2: {  	_ = 	snop  }
0x2b3: {  	v9 =	vand.u32 $0xFFFF0000, v9;
	v2 =	vadd.s32 $0x8000, v2;
	v4 =	vadd.s32 $0x8000, v4  }
0x2b4: {  	v8 =	vor.u32 v8, v9;
	v2 =	vshrl.u32 v2, $0x10;
	v4 =	vand.u32 $0xFFFF0000, v4  }
0x2b5: {  	[tilespmem:s2+$0xFFFFFFF0] =	vst v7;
	v3 =	vadd.s32 $0x8000, v3;
	v2 =	vor.u32 v2, v4;
	v4 =	vadd.s32 $0x8000, v6  }
0x2b6: {  	[tilespmem:s2+$0x0] =	vst v8;
	v3 =	vshrl.u32 v3, $0x10;
	v5 =	vadd.s32 $0x8000, v5;
	v4 =	vand.u32 $0xFFFF0000, v4  }
0x2b7: {  	[tilespmem:s2+$0x10] =	vst v2;
	v2 =	vshrl.u32 v5, $0x10;
	v3 =	vor.u32 v3, v4  }
0x2b8: {  	v1 =	vor.u32 v2, v1;
	[tilespmem:s2+$0x20] =	vst v3  }
0x2b9: {  	[tilespmem:s2+$0xFFFFFFC0] =	vst v1  }
0x2ba: {  	s2 =	rddreg [dreg:$0x15]  }
0x2bb: {  	[tilespmem:s22], [sflag:$0x4] =	stream.linear.gather [hbm4b:s2+s1], $0x1000, $0x38;
	[tilespmem:$0x1E000] =	vst v63  }
0x2bc: {  	_ =	swait.ge [sflag:s23], $0x1000  }
0x2bd: {  	[sflag:s23] =	ssyncset.done $0x0  }
0x2be: {  	s7 =	simm.s32 $0x1C080;
	[sflag:s23] =	ssyncadd.s32 $0xFFFFF000  }
0x2bf: {  	v1 =	vld [tilespmem:s7+$0x60]  }
0x2c0: {  	v2 =	vld [tilespmem:s7+$0x70]  }
0x2c1: {  	v3 =	vld [tilespmem:s7+$0xFFFFFF90]  }
0x2c2: {  	v4 =	vld [tilespmem:s7+$0xFFFFFFA0]  }
0x2c3: {  	v5 =	vld [tilespmem:s7+$0xFFFFFFB0]  }
0x2c4: {  	v6 =	vld [tilespmem:s7+$0xFFFFFFC0]  }
0x2c5: {  	v7 =	vld [tilespmem:s7+$0xFFFFFFD0]  }
0x2c6: {  	v8 =	vld [tilespmem:s7+$0xFFFFFFE0];
	v2 =	vadd.s32 $0x8000, v2  }
0x2c7: {  	v9 =	vld [tilespmem:s7+$0xFFFFFFF0];
	v1 =	vadd.s32 $0x8000, v1;
	v3 =	vadd.s32 $0x8000, v3;
	v2 =	vand.u32 $0xFFFF0000, v2  }
0x2c8: {  	v11 =	vld [tilespmem:s7+$0x0];
	v10 =	vshrl.u32 v1, $0x10;
	v1 =	vand.u32 $0xFFFF0000, v3;
	v3 =	vadd.s32 $0x8000, v4  }
0x2c9: {  	v12 =	vld [tilespmem:s7+$0x10];
	v10 =	vor.u32 v10, v2;
	v2 =	vadd.s32 $0x8000, v5;
	v3 =	vshrl.u32 v3, $0x10  }
0x2ca: {  	v5 =	vadd.s32 $0x8000, v6;
	v6 =	vadd.s32 $0x8000, v7;
	v4 =	vand.u32 $0xFFFF0000, v2;
	v2 =	vld [tilespmem:s7+$0x20]  }
0x2cb: {  	v7 =	vor.u32 v3, v4;
	v3 =	vshrl.u32 v5, $0x10;
	v5 =	vand.u32 $0xFFFF0000, v6;
	v4 =	vld [tilespmem:s7+$0x30]  }
0x2cc: {  	[tilespmem:s15+$0x30] =	vst v10;
	v6 =	vadd.s32 $0x8000, v8;
	v8 =	vadd.s32 $0x8000, v9;
	v5 =	vor.u32 v3, v5;
	v3 =	vld [tilespmem:s7+$0x40]  }
0x2cd: {  	v10 =	vadd.s32 $0x8000, v11;
	[tilespmem:s15+$0xFFFFFFD0] =	vst v7;
	v7 =	vshrl.u32 v6, $0x10;
	v8 =	vand.u32 $0xFFFF0000, v8;
	v6 =	vld [tilespmem:s7+$0x50]  }
0x2ce: {  	s3 =	simm.s32 $0x0;
	s4 =	simm.s32 $0x1C180;
	s2 =	smov.u32 s15;
	v9 =	vadd.s32 $0x8000, v12;
	[tilespmem:s15+$0xFFFFFFE0] =	vst v5;
	v5 =	vld [tilespmem:s7+$0xFFFFFF80];
	v7 =	vor.u32 v7, v8;
	v8 =	vshrl.u32 v10, $0x10  }
.LBB2_30:
0x2cf: {  	v10 =	vld [tilespmem:s4+$0x60];
	[tilespmem:s2+$0xFFFFFFF0] =	vst v7;
	v7 =	vand.u32 $0xFFFF0000, v9;
	v2 =	vadd.s32 $0x8000, v2  }
0x2d0: {  	s3 =	sadd.s32 $0x8, s3;
	v9 =	vld [tilespmem:s4+$0x70];
	v7 =	vor.u32 v8, v7;
	v4 =	vadd.s32 $0x8000, v4;
	v2 =	vshrl.u32 v2, $0x10  }
0x2d1: {  	p0 =	slt.u32 s3, $0x78;
	v8 =	vld [tilespmem:s4+$0xFFFFFF90];
	[tilespmem:s2+$0x0] =	vst v7;
	v4 =	vand.u32 $0xFFFF0000, v4;
	v3 =	vadd.s32 $0x8000, v3  }
0x2d2: {  	v7 =	vld [tilespmem:s4+$0xFFFFFFA0];
	v2 =	vor.u32 v2, v4;
	v4 =	vadd.s32 $0x8000, v6;
	v3 =	vshrl.u32 v3, $0x10  }
0x2d3: {  	v6 =	vld [tilespmem:s4+$0xFFFFFFB0];
	v5 =	vadd.s32 $0x8000, v5;
	[tilespmem:s2+$0x10] =	vst v2;
	v2 =	vand.u32 $0xFFFF0000, v4  }
0x2d4: {  	v4 =	vld [tilespmem:s4+$0xFFFFFFC0];
	v5 =	vshrl.u32 v5, $0x10;
	v2 =	vor.u32 v3, v2  }
0x2d5: {  	v10 =	vadd.s32 $0x8000, v10;
	v3 =	vld [tilespmem:s4+$0xFFFFFFD0];
	v9 =	vadd.s32 $0x8000, v9;
	v1 =	vor.u32 v5, v1;
	[tilespmem:s2+$0x20] =	vst v2  }
0x2d6: {  	v2 =	vadd.s32 $0x8000, v8;
	v5 =	vld [tilespmem:s4+$0xFFFFFFE0];
	v8 =	vand.u32 $0xFFFF0000, v9;
	v9 =	vshrl.u32 v10, $0x10;
	[tilespmem:s2+$0xFFFFFFC0] =	vst v1  }
0x2d7: {  	s2 =	sadd.s32 $0x80, s2;
	v1 =	vand.u32 $0xFFFF0000, v2;
	v2 =	vadd.s32 $0x8000, v7;
	v7 =	vld [tilespmem:s4+$0xFFFFFFF0];
	v8 =	vor.u32 v9, v8  }
0x2d8: {  	v6 =	vadd.s32 $0x8000, v6;
	v2 =	vshrl.u32 v2, $0x10;
	v9 =	vld [tilespmem:s4+$0x0];
	[tilespmem:s2+$0x30] =	vst v8  }
0x2d9: {  	v6 =	vand.u32 $0xFFFF0000, v6;
	v4 =	vadd.s32 $0x8000, v4;
	v8 =	vld [tilespmem:s4+$0x10]  }
.Ltmp16:
0x2da: {  	v6 =	vor.u32 v2, v6;
	v3 =	vadd.s32 $0x8000, v3;
	v10 =	vshrl.u32 v4, $0x10;
	v2 =	vld [tilespmem:s4+$0x20];
	(pc) =	sbr.rel @p0 .LBB2_30-.Ltmp16, $4  }
0x2db: {  	[tilespmem:s2+$0xFFFFFFD0] =	vst v6;
	v3 =	vand.u32 $0xFFFF0000, v3;
	v5 =	vadd.s32 $0x8000, v5;
	v4 =	vld [tilespmem:s4+$0x30]  }
0x2dc: {  	v6 =	vor.u32 v10, v3;
	v7 =	vadd.s32 $0x8000, v7;
	v10 =	vshrl.u32 v5, $0x10;
	v3 =	vld [tilespmem:s4+$0x40]  }
0x2dd: {  	[tilespmem:s2+$0xFFFFFFE0] =	vst v6;
	v7 =	vand.u32 $0xFFFF0000, v7;
	v11 =	vadd.s32 $0x8000, v9;
	v6 =	vld [tilespmem:s4+$0x50]  }
0x2de: {  	v5 =	vld [tilespmem:s4+$0xFFFFFF80];
	v7 =	vor.u32 v10, v7;
	v9 =	vadd.s32 $0x8000, v8;
	v8 =	vshrl.u32 v11, $0x10;
	s4 =	sadd.s32 $0x100, s4  }
0x2df: {  	_ = 	snop  }
0x2e0: {  	v9 =	vand.u32 $0xFFFF0000, v9;
	v2 =	vadd.s32 $0x8000, v2;
	v4 =	vadd.s32 $0x8000, v4  }
0x2e1: {  	v8 =	vor.u32 v8, v9;
	v2 =	vshrl.u32 v2, $0x10;
	v4 =	vand.u32 $0xFFFF0000, v4  }
0x2e2: {  	[tilespmem:s2+$0xFFFFFFF0] =	vst v7;
	v3 =	vadd.s32 $0x8000, v3;
	v2 =	vor.u32 v2, v4;
	v4 =	vadd.s32 $0x8000, v6  }
0x2e3: {  	[tilespmem:s2+$0x0] =	vst v8;
	v3 =	vshrl.u32 v3, $0x10;
	v5 =	vadd.s32 $0x8000, v5;
	v4 =	vand.u32 $0xFFFF0000, v4  }
0x2e4: {  	[tilespmem:s2+$0x10] =	vst v2;
	v2 =	vshrl.u32 v5, $0x10;
	v3 =	vor.u32 v3, v4  }
0x2e5: {  	v1 =	vor.u32 v2, v1;
	[tilespmem:s2+$0x20] =	vst v3  }
0x2e6: {  	[tilespmem:s2+$0xFFFFFFC0] =	vst v1  }
0x2e7: {  	_ =	swait.ge [sflag:s24], $0x1000  }
0x2e8: {  	[sflag:s24] =	ssyncset.done $0x0  }
0x2e9: {  	s7 =	simm.s32 $0x1D0F0;
	[sflag:s24] =	ssyncadd.s32 $0xFFFFF000  }
0x2ea: {  	v1 =	vld [tilespmem:s7+$0xFFFFFFF0]  }
0x2eb: {  	v2 =	vld [tilespmem:s7+$0x0]  }
0x2ec: {  	v3 =	vld [tilespmem:s7+$0xFFFFFF20]  }
0x2ed: {  	v4 =	vld [tilespmem:s7+$0xFFFFFF30]  }
0x2ee: {  	v5 =	vld [tilespmem:s7+$0xFFFFFF40]  }
0x2ef: {  	v6 =	vld [tilespmem:s7+$0xFFFFFF50]  }
0x2f0: {  	v7 =	vld [tilespmem:s7+$0xFFFFFF60]  }
0x2f1: {  	v8 =	vld [tilespmem:s7+$0xFFFFFF70];
	v2 =	vadd.s32 $0x8000, v2  }
0x2f2: {  	v9 =	vld [tilespmem:s7+$0xFFFFFF80];
	v1 =	vadd.s32 $0x8000, v1;
	v3 =	vadd.s32 $0x8000, v3;
	v2 =	vand.u32 $0xFFFF0000, v2  }
0x2f3: {  	v11 =	vld [tilespmem:s7+$0xFFFFFF90];
	v10 =	vshrl.u32 v1, $0x10;
	v1 =	vand.u32 $0xFFFF0000, v3;
	v3 =	vadd.s32 $0x8000, v4  }
0x2f4: {  	v12 =	vld [tilespmem:s7+$0xFFFFFFA0];
	v10 =	vor.u32 v10, v2;
	v2 =	vadd.s32 $0x8000, v5;
	v3 =	vshrl.u32 v3, $0x10  }
0x2f5: {  	v5 =	vadd.s32 $0x8000, v6;
	v6 =	vadd.s32 $0x8000, v7;
	v4 =	vand.u32 $0xFFFF0000, v2;
	v2 =	vld [tilespmem:s7+$0xFFFFFFB0]  }
0x2f6: {  	v7 =	vor.u32 v3, v4;
	v3 =	vshrl.u32 v5, $0x10;
	v5 =	vand.u32 $0xFFFF0000, v6;
	v4 =	vld [tilespmem:s7+$0xFFFFFFC0]  }
0x2f7: {  	[tilespmem:s20+$0x30] =	vst v10;
	v6 =	vadd.s32 $0x8000, v8;
	v8 =	vadd.s32 $0x8000, v9;
	v5 =	vor.u32 v3, v5;
	v3 =	vld [tilespmem:s7+$0xFFFFFFD0]  }
0x2f8: {  	v10 =	vadd.s32 $0x8000, v11;
	[tilespmem:s20+$0xFFFFFFD0] =	vst v7;
	v7 =	vshrl.u32 v6, $0x10;
	v8 =	vand.u32 $0xFFFF0000, v8;
	v6 =	vld [tilespmem:s7+$0xFFFFFFE0]  }
0x2f9: {  	s3 =	simm.s32 $0x0;
	s4 =	simm.s32 $0x1D1F0;
	s2 =	smov.u32 s20;
	v9 =	vadd.s32 $0x8000, v12;
	[tilespmem:s20+$0xFFFFFFE0] =	vst v5;
	v5 =	vld [tilespmem:s7+$0xFFFFFF10];
	v7 =	vor.u32 v7, v8;
	v8 =	vshrl.u32 v10, $0x10  }
.LBB2_32:
0x2fa: {  	v10 =	vld [tilespmem:s4+$0xFFFFFFF0];
	[tilespmem:s2+$0xFFFFFFF0] =	vst v7;
	v7 =	vand.u32 $0xFFFF0000, v9;
	v2 =	vadd.s32 $0x8000, v2  }
0x2fb: {  	s3 =	sadd.s32 $0x8, s3;
	v9 =	vld [tilespmem:s4+$0x0];
	v7 =	vor.u32 v8, v7;
	v4 =	vadd.s32 $0x8000, v4;
	v2 =	vshrl.u32 v2, $0x10  }
0x2fc: {  	p0 =	slt.u32 s3, $0x78;
	v8 =	vld [tilespmem:s4+$0xFFFFFF20];
	[tilespmem:s2+$0x0] =	vst v7;
	v4 =	vand.u32 $0xFFFF0000, v4;
	v3 =	vadd.s32 $0x8000, v3  }
0x2fd: {  	v7 =	vld [tilespmem:s4+$0xFFFFFF30];
	v2 =	vor.u32 v2, v4;
	v4 =	vadd.s32 $0x8000, v6;
	v3 =	vshrl.u32 v3, $0x10  }
0x2fe: {  	v6 =	vld [tilespmem:s4+$0xFFFFFF40];
	v5 =	vadd.s32 $0x8000, v5;
	[tilespmem:s2+$0x10] =	vst v2;
	v2 =	vand.u32 $0xFFFF0000, v4  }
0x2ff: {  	v4 =	vld [tilespmem:s4+$0xFFFFFF50];
	v5 =	vshrl.u32 v5, $0x10;
	v2 =	vor.u32 v3, v2  }
0x300: {  	v10 =	vadd.s32 $0x8000, v10;
	v3 =	vld [tilespmem:s4+$0xFFFFFF60];
	v9 =	vadd.s32 $0x8000, v9;
	v1 =	vor.u32 v5, v1;
	[tilespmem:s2+$0x20] =	vst v2  }
0x301: {  	v2 =	vadd.s32 $0x8000, v8;
	v5 =	vld [tilespmem:s4+$0xFFFFFF70];
	v8 =	vand.u32 $0xFFFF0000, v9;
	v9 =	vshrl.u32 v10, $0x10;
	[tilespmem:s2+$0xFFFFFFC0] =	vst v1  }
0x302: {  	s2 =	sadd.s32 $0x80, s2;
	v1 =	vand.u32 $0xFFFF0000, v2;
	v2 =	vadd.s32 $0x8000, v7;
	v7 =	vld [tilespmem:s4+$0xFFFFFF80];
	v8 =	vor.u32 v9, v8  }
0x303: {  	v6 =	vadd.s32 $0x8000, v6;
	v2 =	vshrl.u32 v2, $0x10;
	v9 =	vld [tilespmem:s4+$0xFFFFFF90];
	[tilespmem:s2+$0x30] =	vst v8  }
0x304: {  	v6 =	vand.u32 $0xFFFF0000, v6;
	v4 =	vadd.s32 $0x8000, v4;
	v8 =	vld [tilespmem:s4+$0xFFFFFFA0]  }
.Ltmp17:
0x305: {  	v6 =	vor.u32 v2, v6;
	v3 =	vadd.s32 $0x8000, v3;
	v10 =	vshrl.u32 v4, $0x10;
	v2 =	vld [tilespmem:s4+$0xFFFFFFB0];
	(pc) =	sbr.rel @p0 .LBB2_32-.Ltmp17, $4  }
0x306: {  	[tilespmem:s2+$0xFFFFFFD0] =	vst v6;
	v3 =	vand.u32 $0xFFFF0000, v3;
	v5 =	vadd.s32 $0x8000, v5;
	v4 =	vld [tilespmem:s4+$0xFFFFFFC0]  }
0x307: {  	v6 =	vor.u32 v10, v3;
	v7 =	vadd.s32 $0x8000, v7;
	v10 =	vshrl.u32 v5, $0x10;
	v3 =	vld [tilespmem:s4+$0xFFFFFFD0]  }
0x308: {  	[tilespmem:s2+$0xFFFFFFE0] =	vst v6;
	v7 =	vand.u32 $0xFFFF0000, v7;
	v11 =	vadd.s32 $0x8000, v9;
	v6 =	vld [tilespmem:s4+$0xFFFFFFE0]  }
0x309: {  	v5 =	vld [tilespmem:s4+$0xFFFFFF10];
	v7 =	vor.u32 v10, v7;
	v9 =	vadd.s32 $0x8000, v8;
	v8 =	vshrl.u32 v11, $0x10;
	s4 =	sadd.s32 $0x100, s4  }
0x30a: {  	_ = 	snop  }
0x30b: {  	v9 =	vand.u32 $0xFFFF0000, v9;
	v2 =	vadd.s32 $0x8000, v2;
	v4 =	vadd.s32 $0x8000, v4  }
0x30c: {  	v8 =	vor.u32 v8, v9;
	v2 =	vshrl.u32 v2, $0x10;
	v4 =	vand.u32 $0xFFFF0000, v4  }
0x30d: {  	[tilespmem:s2+$0xFFFFFFF0] =	vst v7;
	v3 =	vadd.s32 $0x8000, v3;
	v2 =	vor.u32 v2, v4;
	v63 =	vadd.s32 $0x8000, v6  }
0x30e: {  	[tilespmem:s2+$0x0] =	vst v8;
	v3 =	vshrl.u32 v3, $0x10;
	v5 =	vadd.s32 $0x8000, v5;
	v4 =	vand.u32 $0xFFFF0000, v63  }
0x30f: {  	[tilespmem:s2+$0x10] =	vst v2;
	v2 =	vshrl.u32 v5, $0x10;
	v3 =	vor.u32 v3, v4  }
0x310: {  	v1 =	vor.u32 v2, v1;
	[tilespmem:s2+$0x20] =	vst v3  }
0x311: {  	[tilespmem:s2+$0xFFFFFFC0] =	vst v1  }
0x312: {  	s3 =	simm.s32 $0x18000;
	s2 =	rddreg [dreg:$0x16]  }
0x313: {  	[tilespmem:s3], [sflag:$0x1] =	stream.linear.gather [hbm4b:s2+s1], $0x1000, $0x38;
	[tilespmem:$0x1E000] =	vst v63  }
0x314: {  	s7 =	simm.s32 $0x1A000;
	s6 =	rddreg [dreg:$0x17]  }
0x315: {  	[tilespmem:s7], [sflag:$0x1] =	stream.linear.gather [hbm4b:s6+s1], $0x1000, $0x38;
	[tilespmem:$0x1E000] =	vst v63  }
0x316: {  	s4 =	rddreg [dreg:$0x18]  }
0x317: {  	[tilespmem:s21], [sflag:$0x1] =	stream.linear.gather [hbm4b:s4+s1], $0x1000, $0x38;
	[tilespmem:$0x1E000] =	vst v63  }
0x318: {  	s5 =	rddreg [dreg:$0x19]  }
0x319: {  	[tilespmem:s25], [sflag:$0x2] =	stream.linear.gather [hbm4b:s5+s1], $0x1000, $0x38;
	[tilespmem:$0x1E000] =	vst v63  }
0x31a: {  	s6 =	rddreg [dreg:$0x1a]  }
0x31b: {  	[tilespmem:s26], [sflag:$0x2] =	stream.linear.gather [hbm4b:s6+s1], $0x1000, $0x38;
	[tilespmem:$0x1E000] =	vst v63  }
0x31c: {  	s2 =	simm.s32 $0x8040;
	s7 =	rddreg [dreg:$0x1b]  }
0x31d: {  	[tilespmem:s22], [sflag:$0x2] =	stream.linear.gather [hbm4b:s7+s1], $0x1000, $0x38;
	[tilespmem:$0x1E000] =	vst v63  }
0x31e: {  	[tilespmem:s2+$0xFFFFFFC0] =	vst v0  }
0x31f: {  	[tilespmem:s2+$0x30] =	vst v0  }
0x320: {  	[tilespmem:s2+$0x20] =	vst v0  }
0x321: {  	[tilespmem:s2+$0x10] =	vst v0  }
0x322: {  	[tilespmem:s2+$0x0] =	vst v0  }
0x323: {  	[tilespmem:s2+$0xFFFFFFF0] =	vst v0  }
0x324: {  	s3 =	simm.s32 $0x0;
	[tilespmem:s2+$0xFFFFFFE0] =	vst v0  }
.LBB2_34:
0x325: {  	s3 =	sadd.s32 $0x8, s3;
	[tilespmem:s2+$0xFFFFFFD0] =	vst v0;
	s2 =	sadd.s32 $0x80, s2  }
0x326: {  	[tilespmem:s2+$0xFFFFFFC0] =	vst v0;
	p0 =	slt.u32 s3, $0xFF8  }
0x327: {  	[tilespmem:s2+$0x30] =	vst v0  }
.Ltmp18:
0x328: {  	[tilespmem:s2+$0x20] =	vst v0;
	(pc) =	sbr.rel @p0 .LBB2_34-.Ltmp18, $4  }
0x329: {  	[tilespmem:s2+$0x10] =	vst v0  }
0x32a: {  	[tilespmem:s2+$0x0] =	vst v0  }
0x32b: {  	[tilespmem:s2+$0xFFFFFFF0] =	vst v0  }
0x32c: {  	[tilespmem:s2+$0xFFFFFFE0] =	vst v0  }
0x32d: {  	[tilespmem:s2+$0xFFFFFFD0] =	vst v0;
	s2 =	simm.s32 $0x0  }
.LBB2_36:
0x32e: {  	_ =	swait.ge [sflag:s28], $0x1000  }
0x32f: {  	[sflag:s28] =	ssyncset.done $0x0  }
0x330: {  	[sflag:s28] =	ssyncadd.s32 $0xFFFFF000  }
0x331: {  	_ =	swait.ge [sflag:s28], $0x1000  }
0x332: {  	[sflag:s28] =	ssyncset.done $0x0  }
0x333: {  	[sflag:s28] =	ssyncadd.s32 $0xFFFFF000  }
0x334: {  	_ =	swait.ge [sflag:s28], $0x1000  }
0x335: {  	[sflag:s28] =	ssyncset.done $0x0  }
0x336: {  	s3 =	simm.s32 $0x1A040;
	[sflag:s28] =	ssyncadd.s32 $0xFFFFF000  }
0x337: {  	v1 =	vld [tilespmem:s3+$0x30]  }
0x338: {  	v2 =	vld [tilespmem:s3+$0xFFFFFFD0]  }
0x339: {  	v3 =	vld [tilespmem:s3+$0xFFFFFFE0]  }
0x33a: {  	v4 =	vld [tilespmem:s3+$0xFFFFFFF0]  }
0x33b: {  	v7 =	vld [tilespmem:s3+$0xFFFFFFC0]  }
0x33c: {  	v8 =	vld [tilespmem:s3+$0x0]  }
0x33d: {  	v9 =	vld [tilespmem:s3+$0x10]  }
0x33e: {  	v11 =	vld [tilespmem:s3+$0x20];
	v5 =	vshrl.u32 v1, $0x1  }
0x33f: {  	s4 =	simm.s32 $0x1C040;
	v6 =	vand.u32 $0xF, v1;
	v10 =	vshrl.u32 v3, $0x1;
	v5 =	vand.u32 $0x7FFFFFF0, v5  }
0x340: {  	v57 =	vld [tilespmem:s4+$0xFFFFFFD0];
	v12 =	vand.u32 $0xF, v2;
	v13 =	vshrl.u32 v4, $0x1;
	v5 =	vor.u32 v6, v5  }
0x341: {  	v22 =	vld [tilespmem:s4+$0xFFFFFFE0];
	v14 =	vand.u32 $0xF, v3;
	v15 =	vshrl.u32 v7, $0x1;
	v16 =	vshrl.u32 v8, $0x1  }
0x342: {  	s3 =	simm.s32 $0x18040;
	v61 =	vld [tilespmem:s4+$0x20];
	v17 =	vand.u32 $0xF, v7;
	v18 =	vand.u32 $0xF, v4;
	v19 =	vshrl.u32 v9, $0x1  }
0x343: {  	v56 =	vld [tilespmem:s3+$0x30];
	v20 =	vand.u32 $0xF, v8;
	v21 =	vshrl.u32 v11, $0x1;
	v1 =	vand.u32 $0x10, v1  }
0x344: {  	v60 =	vld [tilespmem:s3+$0xFFFFFFC0];
	v58 =	vand.u32 $0xF, v9;
	v59 =	vand.u32 $0xF, v11;
	v8 =	vand.u32 $0x10, v8  }
0x345: {  	v9 =	vand.u32 $0x10, v9;
	v15 =	vand.u32 $0x7FFFFFF0, v15;
	v6 =	vshrl.u32 v2, $0x1;
	v5 =	vld.idx.msk [tilespmem:v5+s1+$0x0], $0xffff  }
0x346: {  	vm6 =	veq.s32 v9, $0x0;
	v9 =	vld [tilespmem:s4+$0x0];
	v15 =	vor.u32 v17, v15;
	v6 =	vand.u32 $0x7FFFFFF0, v6  }
0x347: {  	v10 =	vand.u32 $0x7FFFFFF0, v10;
	v13 =	vand.u32 $0x7FFFFFF0, v13;
	v6 =	vor.u32 v12, v6;
	v12 =	vld [tilespmem:s4+$0x30]  }
0x348: {  	v16 =	vand.u32 $0x7FFFFFF0, v16;
	vm5 =	veq.s32 v8, $0x0;
	v8 =	vld [tilespmem:s3+$0xFFFFFFE0];
	v10 =	vor.u32 v14, v10  }
0x349: {  	vm0 =	veq.s32 v1, $0x0;
	v14 =	vld [tilespmem:s4+$0xFFFFFFC0];
	v13 =	vor.u32 v18, v13;
	v2 =	vand.u32 $0x10, v2  }
0x34a: {  	vm2 =	veq.s32 v2, $0x0;
	v2 =	vld [tilespmem:s4+$0xFFFFFFF0];
	v23 =	vand.u32 $0xFFFF0000, v5;
	v5 =	vshll.u32 v5, $0x10  }
0x34b: {  	v19 =	vand.u32 $0x7FFFFFF0, v19;
	v1 =	vor.u32 v20, v16;
	v15 =	vld.idx.msk [tilespmem:v15+s1+$0x0], $0xffff;
	v5 =	vsel vm0, v5, v23  }
0x34c: {  	v21 =	vand.u32 $0x7FFFFFF0, v21;
	v16 =	vor.u32 v58, v19;
	v6 =	vld.idx.msk [tilespmem:v6+s1+$0x0], $0xffff;
	v5 =	vmul.f32 v5, v12  }
0x34d: {  	v3 =	vand.u32 $0x10, v3;
	v10 =	vld.idx.msk [tilespmem:v10+s1+$0x0], $0xffff;
	v12 =	vor.u32 v59, v21  }
0x34e: {  	v4 =	vand.u32 $0x10, v4;
	vm3 =	veq.s32 v3, $0x0;
	[tilespmem:v56+s31+$0x0] =	vst.idx.add.f32.msk $0xffff, v5;
	v5 =	vand.u32 $0x10, v7  }
0x34f: {  	vm4 =	veq.s32 v4, $0x0;
	v13 =	vld.idx.msk [tilespmem:v13+s1+$0x0], $0xffff;
	vm1 =	veq.s32 v5, $0x0;
	v5 =	vand.u32 $0x10, v11  }
0x350: {  	v1 =	vld.idx.msk [tilespmem:v1+s1+$0x0], $0xffff;
	v3 =	vand.u32 $0xFFFF0000, v15;
	v4 =	vshll.u32 v15, $0x10;
	vm15 =	veq.s32 v5, $0x0  }
0x351: {  	v7 =	vld.idx.msk [tilespmem:v16+s1+$0x0], $0xffff;
	v3 =	vsel vm1, v4, v3;
	v4 =	vand.u32 $0xFFFF0000, v6;
	v5 =	vshll.u32 v6, $0x10  }
0x352: {  	v6 =	vshll.u32 v10, $0x10;
	v12 =	vld.idx.msk [tilespmem:v12+s1+$0x0], $0xffff;
	v4 =	vsel vm2, v5, v4;
	v5 =	vand.u32 $0xFFFF0000, v10  }
0x353: {  	v15 =	vld [tilespmem:s4+$0x10];
	v14 =	vmul.f32 v3, v14;
	v3 =	vmul.f32 v4, v57;
	v4 =	vsel vm3, v6, v5  }
0x354: {  	v11 =	vld [tilespmem:s3+$0xFFFFFFF0];
	v10 =	vshll.u32 v13, $0x10;
	v6 =	vand.u32 $0xFFFF0000, v13;
	v4 =	vmul.f32 v4, v22  }
0x355: {  	v5 =	vld [tilespmem:s3+$0xFFFFFFD0];
	v13 =	vsel vm4, v10, v6;
	v6 =	vand.u32 $0xFFFF0000, v1;
	v1 =	vshll.u32 v1, $0x10  }
0x356: {  	[tilespmem:v60+s31+$0x0] =	vst.idx.add.f32.msk $0xffff, v14;
	v1 =	vsel vm5, v1, v6;
	v6 =	vand.u32 $0xFFFF0000, v7;
	v7 =	vshll.u32 v7, $0x10  }
0x357: {  	v62 =	vand.u32 $0xFFFF0000, v12;
	v63 =	vshll.u32 v12, $0x10;
	v12 =	vmul.f32 v13, v2;
	v13 =	vld [tilespmem:s3+$0x20]  }
0x358: {  	v10 =	vld [tilespmem:s3+$0x0];
	v7 =	vsel vm6, v7, v6;
	v9 =	vmul.f32 v1, v9;
	v1 =	vsel vm15, v63, v62  }
0x359: {  	s5 =	simm.s32 $0x0;
	s6 =	simm.s32 $0x1A0C0;
	v6 =	vld [tilespmem:s3+$0x10];
	v7 =	vmul.f32 v7, v15;
	v1 =	vmul.f32 v1, v61  }
.LBB2_37:
0x35a: {  	v14 =	vld [tilespmem:s6+$0x30];
	s5 =	sadd.s32 $0x8, s5  }
0x35b: {  	v15 =	vld [tilespmem:s6+$0xFFFFFFD0];
	p0 =	slt.u32 s5, $0xF8  }
0x35c: {  	v16 =	vld [tilespmem:s6+$0xFFFFFFE0];
	v2 =	vmov v13  }
0x35d: {  	v13 =	vld [tilespmem:s6+$0xFFFFFFF0]  }
0x35e: {  	v17 =	vld [tilespmem:s6+$0x0]  }
0x35f: {  	v18 =	vld [tilespmem:s6+$0x10];
	v19 =	vshrl.u32 v14, $0x1  }
0x360: {  	v22 =	vand.u32 $0xF, v14;
	v20 =	vshrl.u32 v15, $0x1;
	v21 =	vld [tilespmem:s6+$0x20];
	v19 =	vand.u32 $0x7FFFFFF0, v19  }
0x361: {  	v23 =	vld [tilespmem:s6+$0xFFFFFFC0];
	v20 =	vand.u32 $0x7FFFFFF0, v20;
	v24 =	vshrl.u32 v16, $0x1;
	v19 =	vor.u32 v22, v19  }
0x362: {  	v22 =	vand.u32 $0xF, v15;
	v24 =	vand.u32 $0x7FFFFFF0, v24;
	v25 =	vshrl.u32 v13, $0x1;
	[tilespmem:v5+s31+$0x0] =	vst.idx.add.f32.msk $0xffff, v3  }
0x363: {  	v3 =	vand.u32 $0xF, v16;
	v5 =	vand.u32 $0x7FFFFFF0, v25;
	v25 =	vshrl.u32 v17, $0x1;
	[tilespmem:v8+s31+$0x0] =	vst.idx.add.f32.msk $0xffff, v4  }
0x364: {  	v4 =	vand.u32 $0xF, v13;
	v8 =	vand.u32 $0x7FFFFFF0, v25;
	v25 =	vshrl.u32 v18, $0x1;
	[tilespmem:v11+s31+$0x0] =	vst.idx.add.f32.msk $0xffff, v12  }
0x365: {  	v11 =	vand.u32 $0xF, v17;
	v12 =	vand.u32 $0x7FFFFFF0, v25;
	v25 =	vshrl.u32 v21, $0x1;
	[tilespmem:v10+s31+$0x0] =	vst.idx.add.f32.msk $0xffff, v9  }
0x366: {  	v9 =	vshrl.u32 v23, $0x1;
	v10 =	vand.u32 $0xF, v23;
	v25 =	vand.u32 $0x7FFFFFF0, v25;
	v19 =	vld.idx.msk [tilespmem:v19+s1+$0x0], $0xffff  }
0x367: {  	s3 =	sadd.s32 $0x80, s3;
	v26 =	vand.u32 $0xF, v18;
	v27 =	vand.u32 $0xF, v21;
	v9 =	vand.u32 $0x7FFFFFF0, v9;
	[tilespmem:v6+s31+$0x0] =	vst.idx.add.f32.msk $0xffff, v7  }
0x368: {  	s4 =	sadd.s32 $0x80, s4;
	v3 =	vor.u32 v3, v24;
	v7 =	vor.u32 v22, v20;
	v6 =	vor.u32 v10, v9;
	v9 =	vld [tilespmem:s3+$0x30]  }
0x369: {  	v4 =	vor.u32 v4, v5;
	v5 =	vor.u32 v11, v8;
	v8 =	vor.u32 v26, v12;
	v10 =	vld [tilespmem:s4+$0x30]  }
0x36a: {  	v15 =	vand.u32 $0x10, v15;
	v12 =	vand.u32 $0x10, v23;
	v20 =	vor.u32 v27, v25;
	v11 =	vld [tilespmem:s4+$0xFFFFFFC0]  }
0x36b: {  	v14 =	vand.u32 $0x10, v14;
	v16 =	vand.u32 $0x10, v16;
	v13 =	vand.u32 $0x10, v13;
	v22 =	vld [tilespmem:s4+$0xFFFFFFD0]  }
0x36c: {  	vm0 =	veq.s32 v14, $0x0;
	v24 =	vand.u32 $0xFFFF0000, v19;
	v19 =	vshll.u32 v19, $0x10;
	v23 =	vld [tilespmem:s4+$0xFFFFFFE0]  }
0x36d: {  	v14 =	vand.u32 $0x10, v17;
	v17 =	vand.u32 $0x10, v18;
	v18 =	vsel vm0, v19, v24;
	v6 =	vld.idx.msk [tilespmem:v6+s1+$0x0], $0xffff  }
0x36e: {  	vm4 =	veq.s32 v12, $0x0;
	v12 =	vand.u32 $0x10, v21;
	v7 =	vld.idx.msk [tilespmem:v7+s1+$0x0], $0xffff;
	v10 =	vmul.f32 v18, v10  }
0x36f: {  	vm5 =	veq.s32 v15, $0x0;
	vm6 =	veq.s32 v16, $0x0;
	vm3 =	veq.s32 v13, $0x0;
	v3 =	vld.idx.msk [tilespmem:v3+s1+$0x0], $0xffff  }
0x370: {  	vm2 =	veq.s32 v14, $0x0;
	vm1 =	veq.s32 v17, $0x0;
	vm0 =	veq.s32 v12, $0x0;
	[tilespmem:v9+s31+$0x0] =	vst.idx.add.f32.msk $0xffff, v10  }
0x371: {  	v9 =	vld.idx.msk [tilespmem:v4+s1+$0x0], $0xffff  }
0x372: {  	v5 =	vld.idx.msk [tilespmem:v5+s1+$0x0], $0xffff  }
0x373: {  	v4 =	vand.u32 $0xFFFF0000, v6;
	v6 =	vshll.u32 v6, $0x10;
	v8 =	vld.idx.msk [tilespmem:v8+s1+$0x0], $0xffff  }
0x374: {  	v4 =	vsel vm4, v6, v4;
	v6 =	vand.u32 $0xFFFF0000, v7;
	v7 =	vshll.u32 v7, $0x10;
	v10 =	vld.idx.msk [tilespmem:v20+s1+$0x0], $0xffff  }
0x375: {  	v6 =	vsel vm5, v7, v6;
	v7 =	vand.u32 $0xFFFF0000, v3;
	v12 =	vshll.u32 v3, $0x10;
	v13 =	vld [tilespmem:s4+$0xFFFFFFF0]  }
0x376: {  	v14 =	vmul.f32 v4, v11;
	v3 =	vmul.f32 v6, v22;
	v4 =	vsel vm6, v12, v7;
	v6 =	vld [tilespmem:s4+$0x0]  }
0x377: {  	v4 =	vmul.f32 v4, v23;
	v7 =	vand.u32 $0xFFFF0000, v9;
	v9 =	vshll.u32 v9, $0x10;
	v15 =	vld [tilespmem:s4+$0x10]  }
0x378: {  	v7 =	vsel vm3, v9, v7;
	v9 =	vand.u32 $0xFFFF0000, v5;
	v5 =	vshll.u32 v5, $0x10;
	v16 =	vld [tilespmem:s4+$0x20]  }
0x379: {  	v9 =	vsel vm2, v5, v9;
	v11 =	vand.u32 $0xFFFF0000, v8;
	v8 =	vshll.u32 v8, $0x10;
	v17 =	vld [tilespmem:s3+$0xFFFFFFC0]  }
0x37a: {  	v18 =	vsel vm1, v8, v11;
	v11 =	vand.u32 $0xFFFF0000, v10;
	v10 =	vshll.u32 v10, $0x10;
	v5 =	vld [tilespmem:s3+$0xFFFFFFD0]  }
0x37b: {  	v12 =	vmul.f32 v7, v13;
	v8 =	vld [tilespmem:s3+$0xFFFFFFE0];
	v9 =	vmul.f32 v9, v6;
	v6 =	vsel vm0, v10, v11  }
0x37c: {  	v11 =	vld [tilespmem:s3+$0xFFFFFFF0];
	v7 =	vmul.f32 v18, v15  }
.Ltmp19:
0x37d: {  	v10 =	vld [tilespmem:s3+$0x0];
	v15 =	vmul.f32 v6, v16;
	(pc) =	sbr.rel @p0 .LBB2_37-.Ltmp19, $4  }
0x37e: {  	v6 =	vld [tilespmem:s3+$0x10]  }
0x37f: {  	v13 =	vld [tilespmem:s3+$0x20]  }
0x380: {  	[tilespmem:v2+s31+$0x0] =	vst.idx.add.f32.msk $0xffff, v1;
	v1 =	vmov v15  }
0x381: {  	s6 =	sadd.s32 $0x80, s6;
	[tilespmem:v17+s31+$0x0] =	vst.idx.add.f32.msk $0xffff, v14  }
0x382: {  	_ =	sdelay $0x3  }
0x383: {  	[tilespmem:v5+s31+$0x0] =	vst.idx.add.f32.msk $0xffff, v3  }
0x384: {  	[tilespmem:v8+s31+$0x0] =	vst.idx.add.f32.msk $0xffff, v4  }
0x385: {  	[tilespmem:v11+s31+$0x0] =	vst.idx.add.f32.msk $0xffff, v12;
	s3 =	sshll.u32 s2, $0xD;
	p0 =	seq.s32 s2, $0xF  }
0x386: {  	[tilespmem:v10+s31+$0x0] =	vst.idx.add.f32.msk $0xffff, v9;
	s4 =	sadd.s32 @!p0 s3, s29  }
0x387: {  	[tilespmem:v6+s31+$0x0] =	vst.idx.add.f32.msk $0xffff, v7;
	s4 =	sshrl.u32 @!p0 s4, $0x3  }
0x388: {  	s6 =	simm.s32 @!p0 $0x0;
	s7 =	simm.s32 @!p0 $0x18000;
	[tilespmem:v13+s31+$0x0] =	vst.idx.add.f32.msk $0xffff, v1;
	s5 =	sadd.s32 @!p0 s16, s4  }
0x389: {  	[tilespmem:s7], [sflag:$0x1] =	stream.linear.gather @!p0 [hbm4b:s5+s6], $0x1000, $0x38;
	[tilespmem:$0x1E000] =	vst v63  }
0x38a: {  	s5 =	sadd.s32 @!p0 s18, s4;
	s7 =	simm.s32 @!p0 $0x1A000  }
0x38b: {  	[tilespmem:s7], [sflag:$0x1] =	stream.linear.gather @!p0 [hbm4b:s5+s6], $0x1000, $0x38;
	[tilespmem:$0x1E000] =	vst v63  }
0x38c: {  	s4 =	sadd.s32 @!p0 s19, s4;
	s5 =	simm.s32 @!p0 $0x1C000  }
0x38d: {  	[tilespmem:s5], [sflag:$0x1] =	stream.linear.gather @!p0 [hbm4b:s4+s6], $0x1000, $0x38;
	[tilespmem:$0x1E000] =	vst v63  }
0x38e: {  	_ =	swait.ge [sflag:s17], $0x1000  }
0x38f: {  	[sflag:s17] =	ssyncset.done $0x0  }
0x390: {  	[sflag:s17] =	ssyncadd.s32 $0xFFFFF000  }
0x391: {  	_ =	swait.ge [sflag:s17], $0x1000  }
0x392: {  	[sflag:s17] =	ssyncset.done $0x0  }
0x393: {  	[sflag:s17] =	ssyncadd.s32 $0xFFFFF000  }
0x394: {  	_ =	swait.ge [sflag:s17], $0x1000  }
0x395: {  	[sflag:s17] =	ssyncset.done $0x0  }
0x396: {  	s7 =	simm.s32 $0x1B070;
	[sflag:s17] =	ssyncadd.s32 $0xFFFFF000  }
0x397: {  	v1 =	vld [tilespmem:s7+$0x0]  }
0x398: {  	v2 =	vld [tilespmem:s7+$0xFFFFFFA0]  }
0x399: {  	v3 =	vld [tilespmem:s7+$0xFFFFFFB0]  }
0x39a: {  	v4 =	vld [tilespmem:s7+$0xFFFFFFC0]  }
0x39b: {  	v7 =	vld [tilespmem:s7+$0xFFFFFF90]  }
0x39c: {  	v8 =	vld [tilespmem:s7+$0xFFFFFFD0]  }
0x39d: {  	v9 =	vld [tilespmem:s7+$0xFFFFFFE0]  }
0x39e: {  	v5 =	vshrl.u32 v1, $0x1;
	v6 =	vand.u32 $0xF, v1  }
0x39f: {  	s4 =	simm.s32 $0x19070;
	v11 =	vld [tilespmem:s7+$0xFFFFFFF0];
	v10 =	vshrl.u32 v3, $0x1;
	v12 =	vand.u32 $0xF, v2;
	v5 =	vand.u32 $0x7FFFFFF0, v5  }
0x3a0: {  	s5 =	simm.s32 $0x1D070;
	v56 =	vld [tilespmem:s4+$0x0];
	v13 =	vshrl.u32 v4, $0x1;
	v14 =	vand.u32 $0xF, v3;
	v5 =	vor.u32 v6, v5  }
0x3a1: {  	v57 =	vld [tilespmem:s5+$0xFFFFFFA0];
	v15 =	vshrl.u32 v7, $0x1;
	v16 =	vshrl.u32 v8, $0x1;
	v17 =	vand.u32 $0xF, v7  }
0x3a2: {  	v22 =	vld [tilespmem:s5+$0xFFFFFFB0];
	v18 =	vand.u32 $0xF, v4;
	v19 =	vshrl.u32 v9, $0x1;
	v20 =	vand.u32 $0xF, v8  }
0x3a3: {  	v60 =	vld [tilespmem:s4+$0xFFFFFF90];
	v1 =	vand.u32 $0x10, v1;
	v8 =	vand.u32 $0x10, v8;
	v15 =	vand.u32 $0x7FFFFFF0, v15  }
0x3a4: {  	v61 =	vld [tilespmem:s5+$0xFFFFFFF0];
	v13 =	vand.u32 $0x7FFFFFF0, v13;
	v16 =	vand.u32 $0x7FFFFFF0, v16;
	v15 =	vor.u32 v17, v15  }
0x3a5: {  	vm0 =	veq.s32 v1, $0x0;
	v6 =	vshrl.u32 v2, $0x1;
	v13 =	vor.u32 v18, v13;
	v5 =	vld.idx.msk [tilespmem:v5+s1+$0x0], $0xffff  }
0x3a6: {  	vm5 =	veq.s32 v8, $0x0;
	v8 =	vld [tilespmem:s5+$0xFFFFFFD0];
	v1 =	vor.u32 v20, v16;
	v6 =	vand.u32 $0x7FFFFFF0, v6  }
0x3a7: {  	v21 =	vshrl.u32 v11, $0x1;
	v10 =	vand.u32 $0x7FFFFFF0, v10;
	v6 =	vor.u32 v12, v6;
	v12 =	vld [tilespmem:s5+$0x0]  }
0x3a8: {  	v58 =	vand.u32 $0xF, v9;
	v59 =	vand.u32 $0xF, v11;
	v10 =	vor.u32 v14, v10;
	v14 =	vld [tilespmem:s5+$0xFFFFFF90]  }
0x3a9: {  	v3 =	vand.u32 $0x10, v3;
	v4 =	vand.u32 $0x10, v4;
	v9 =	vand.u32 $0x10, v9;
	v15 =	vld.idx.msk [tilespmem:v15+s1+$0x0], $0xffff  }
0x3aa: {  	v19 =	vand.u32 $0x7FFFFFF0, v19;
	v13 =	vld.idx.msk [tilespmem:v13+s1+$0x0], $0xffff;
	v23 =	vand.u32 $0xFFFF0000, v5;
	v5 =	vshll.u32 v5, $0x10  }
0x3ab: {  	v21 =	vand.u32 $0x7FFFFFF0, v21;
	v16 =	vor.u32 v58, v19;
	v1 =	vld.idx.msk [tilespmem:v1+s1+$0x0], $0xffff;
	v5 =	vsel vm0, v5, v23  }
0x3ac: {  	vm3 =	veq.s32 v3, $0x0;
	v6 =	vld.idx.msk [tilespmem:v6+s1+$0x0], $0xffff;
	v5 =	vmul.f32 v5, v12;
	v12 =	vor.u32 v59, v21  }
0x3ad: {  	vm4 =	veq.s32 v4, $0x0;
	vm6 =	veq.s32 v9, $0x0;
	v2 =	vand.u32 $0x10, v2;
	v10 =	vld.idx.msk [tilespmem:v10+s1+$0x0], $0xffff  }
0x3ae: {  	vm2 =	veq.s32 v2, $0x0;
	v3 =	vand.u32 $0xFFFF0000, v15;
	[tilespmem:v56+s31+$0x0] =	vst.idx.add.f32.msk $0xffff, v5;
	v5 =	vand.u32 $0x10, v7  }
0x3af: {  	v2 =	vld [tilespmem:s5+$0xFFFFFFC0];
	v4 =	vshll.u32 v15, $0x10;
	v9 =	vand.u32 $0xFFFF0000, v13;
	vm1 =	veq.s32 v5, $0x0  }
0x3b0: {  	v7 =	vld.idx.msk [tilespmem:v16+s1+$0x0], $0xffff;
	v5 =	vand.u32 $0x10, v11;
	v11 =	vand.u32 $0xFFFF0000, v1;
	v1 =	vshll.u32 v1, $0x10  }
0x3b1: {  	vm15 =	veq.s32 v5, $0x0;
	v3 =	vsel vm1, v4, v3;
	v4 =	vand.u32 $0xFFFF0000, v6;
	v12 =	vld.idx.msk [tilespmem:v12+s1+$0x0], $0xffff  }
0x3b2: {  	v15 =	vld [tilespmem:s5+$0xFFFFFFE0];
	v5 =	vshll.u32 v6, $0x10;
	v6 =	vshll.u32 v10, $0x10;
	v1 =	vsel vm5, v1, v11  }
0x3b3: {  	v11 =	vld [tilespmem:s4+$0xFFFFFFD0];
	v4 =	vsel vm2, v5, v4;
	v5 =	vand.u32 $0xFFFF0000, v10;
	v14 =	vmul.f32 v3, v14  }
0x3b4: {  	v10 =	vshll.u32 v13, $0x10;
	v3 =	vmul.f32 v4, v57;
	v4 =	vsel vm3, v6, v5;
	v5 =	vld [tilespmem:s4+$0xFFFFFFA0]  }
0x3b5: {  	v6 =	vld [tilespmem:s4+$0xFFFFFFB0];
	v10 =	vsel vm4, v10, v9;
	v13 =	vand.u32 $0xFFFF0000, v7;
	v7 =	vshll.u32 v7, $0x10  }
0x3b6: {  	v9 =	vld [tilespmem:s4+$0xFFFFFFC0];
	v62 =	vsel vm6, v7, v13;
	v13 =	vand.u32 $0xFFFF0000, v12;
	v63 =	vshll.u32 v12, $0x10  }
0x3b7: {  	v12 =	vmul.f32 v10, v2;
	v10 =	vmul.f32 v1, v8;
	v1 =	vsel vm15, v63, v13;
	v13 =	vld [tilespmem:s4+$0xFFFFFFF0]  }
0x3b8: {  	v4 =	vmul.f32 v4, v22;
	[tilespmem:v60+s31+$0x0] =	vst.idx.add.f32.msk $0xffff, v14  }
0x3b9: {  	s6 =	simm.s32 $0x0;
	s7 =	simm.s32 $0x1B0F0;
	v7 =	vld [tilespmem:s4+$0xFFFFFFE0];
	v8 =	vmul.f32 v62, v15;
	v1 =	vmul.f32 v1, v61  }
.LBB2_39:
0x3ba: {  	v14 =	vld [tilespmem:s7+$0x0];
	s6 =	sadd.s32 $0x8, s6  }
0x3bb: {  	v15 =	vld [tilespmem:s7+$0xFFFFFFA0];
	p1 =	slt.u32 s6, $0xF8  }
0x3bc: {  	v16 =	vld [tilespmem:s7+$0xFFFFFFB0];
	v2 =	vmov v13  }
0x3bd: {  	v13 =	vld [tilespmem:s7+$0xFFFFFFC0]  }
0x3be: {  	v17 =	vld [tilespmem:s7+$0xFFFFFFD0]  }
0x3bf: {  	v18 =	vld [tilespmem:s7+$0xFFFFFFE0];
	v19 =	vshrl.u32 v14, $0x1  }
0x3c0: {  	v22 =	vand.u32 $0xF, v14;
	v20 =	vshrl.u32 v15, $0x1;
	v21 =	vld [tilespmem:s7+$0xFFFFFFF0];
	v19 =	vand.u32 $0x7FFFFFF0, v19  }
0x3c1: {  	v23 =	vld [tilespmem:s7+$0xFFFFFF90];
	v20 =	vand.u32 $0x7FFFFFF0, v20;
	v24 =	vshrl.u32 v16, $0x1;
	v19 =	vor.u32 v22, v19  }
0x3c2: {  	v22 =	vand.u32 $0xF, v15;
	v24 =	vand.u32 $0x7FFFFFF0, v24;
	v25 =	vshrl.u32 v13, $0x1;
	[tilespmem:v5+s31+$0x0] =	vst.idx.add.f32.msk $0xffff, v3  }
0x3c3: {  	v3 =	vand.u32 $0xF, v16;
	v5 =	vand.u32 $0x7FFFFFF0, v25;
	v25 =	vshrl.u32 v17, $0x1;
	[tilespmem:v6+s31+$0x0] =	vst.idx.add.f32.msk $0xffff, v4  }
0x3c4: {  	v4 =	vand.u32 $0xF, v13;
	v6 =	vand.u32 $0x7FFFFFF0, v25;
	v25 =	vshrl.u32 v18, $0x1;
	[tilespmem:v9+s31+$0x0] =	vst.idx.add.f32.msk $0xffff, v12  }
0x3c5: {  	v9 =	vand.u32 $0xF, v17;
	v12 =	vand.u32 $0x7FFFFFF0, v25;
	v25 =	vshrl.u32 v21, $0x1;
	[tilespmem:v11+s31+$0x0] =	vst.idx.add.f32.msk $0xffff, v10  }
0x3c6: {  	v10 =	vshrl.u32 v23, $0x1;
	v11 =	vand.u32 $0xF, v23;
	v25 =	vand.u32 $0x7FFFFFF0, v25;
	v19 =	vld.idx.msk [tilespmem:v19+s1+$0x0], $0xffff  }
0x3c7: {  	s4 =	sadd.s32 $0x80, s4;
	v26 =	vand.u32 $0xF, v18;
	v27 =	vand.u32 $0xF, v21;
	v10 =	vand.u32 $0x7FFFFFF0, v10;
	[tilespmem:v7+s31+$0x0] =	vst.idx.add.f32.msk $0xffff, v8  }
0x3c8: {  	s5 =	sadd.s32 $0x80, s5;
	v3 =	vor.u32 v3, v24;
	v8 =	vor.u32 v22, v20;
	v7 =	vor.u32 v11, v10;
	v10 =	vld [tilespmem:s4+$0x0]  }
0x3c9: {  	v4 =	vor.u32 v4, v5;
	v5 =	vor.u32 v9, v6;
	v6 =	vor.u32 v26, v12;
	v9 =	vld [tilespmem:s5+$0x0]  }
0x3ca: {  	v15 =	vand.u32 $0x10, v15;
	v12 =	vand.u32 $0x10, v23;
	v20 =	vor.u32 v27, v25;
	v11 =	vld [tilespmem:s5+$0xFFFFFF90]  }
0x3cb: {  	v14 =	vand.u32 $0x10, v14;
	v16 =	vand.u32 $0x10, v16;
	v13 =	vand.u32 $0x10, v13;
	v22 =	vld [tilespmem:s5+$0xFFFFFFA0]  }
0x3cc: {  	vm0 =	veq.s32 v14, $0x0;
	v24 =	vand.u32 $0xFFFF0000, v19;
	v19 =	vshll.u32 v19, $0x10;
	v23 =	vld [tilespmem:s5+$0xFFFFFFB0]  }
0x3cd: {  	v14 =	vand.u32 $0x10, v17;
	v17 =	vand.u32 $0x10, v18;
	v18 =	vsel vm0, v19, v24;
	v7 =	vld.idx.msk [tilespmem:v7+s1+$0x0], $0xffff  }
0x3ce: {  	vm4 =	veq.s32 v12, $0x0;
	v12 =	vand.u32 $0x10, v21;
	v8 =	vld.idx.msk [tilespmem:v8+s1+$0x0], $0xffff;
	v9 =	vmul.f32 v18, v9  }
0x3cf: {  	vm5 =	veq.s32 v15, $0x0;
	vm6 =	veq.s32 v16, $0x0;
	vm3 =	veq.s32 v13, $0x0;
	v3 =	vld.idx.msk [tilespmem:v3+s1+$0x0], $0xffff  }
0x3d0: {  	vm2 =	veq.s32 v14, $0x0;
	vm1 =	veq.s32 v17, $0x0;
	vm0 =	veq.s32 v12, $0x0;
	[tilespmem:v10+s31+$0x0] =	vst.idx.add.f32.msk $0xffff, v9  }
0x3d1: {  	v9 =	vld.idx.msk [tilespmem:v4+s1+$0x0], $0xffff  }
0x3d2: {  	v5 =	vld.idx.msk [tilespmem:v5+s1+$0x0], $0xffff  }
0x3d3: {  	v4 =	vand.u32 $0xFFFF0000, v7;
	v7 =	vshll.u32 v7, $0x10;
	v6 =	vld.idx.msk [tilespmem:v6+s1+$0x0], $0xffff  }
0x3d4: {  	v4 =	vsel vm4, v7, v4;
	v7 =	vand.u32 $0xFFFF0000, v8;
	v8 =	vshll.u32 v8, $0x10;
	v10 =	vld.idx.msk [tilespmem:v20+s1+$0x0], $0xffff  }
0x3d5: {  	v7 =	vsel vm5, v8, v7;
	v8 =	vand.u32 $0xFFFF0000, v3;
	v12 =	vshll.u32 v3, $0x10;
	v13 =	vld [tilespmem:s5+$0xFFFFFFC0]  }
0x3d6: {  	v14 =	vmul.f32 v4, v11;
	v3 =	vmul.f32 v7, v22;
	v4 =	vsel vm6, v12, v8;
	v7 =	vld [tilespmem:s5+$0xFFFFFFD0]  }
0x3d7: {  	v4 =	vmul.f32 v4, v23;
	v8 =	vand.u32 $0xFFFF0000, v9;
	v9 =	vshll.u32 v9, $0x10;
	v11 =	vld [tilespmem:s5+$0xFFFFFFE0]  }
0x3d8: {  	v8 =	vsel vm3, v9, v8;
	v9 =	vand.u32 $0xFFFF0000, v5;
	v5 =	vshll.u32 v5, $0x10;
	v15 =	vld [tilespmem:s5+$0xFFFFFFF0]  }
0x3d9: {  	v9 =	vsel vm2, v5, v9;
	v12 =	vand.u32 $0xFFFF0000, v6;
	v6 =	vshll.u32 v6, $0x10;
	v16 =	vld [tilespmem:s4+$0xFFFFFF90]  }
0x3da: {  	v17 =	vsel vm1, v6, v12;
	v18 =	vand.u32 $0xFFFF0000, v10;
	v19 =	vshll.u32 v10, $0x10;
	v5 =	vld [tilespmem:s4+$0xFFFFFFA0]  }
0x3db: {  	v12 =	vmul.f32 v8, v13;
	v6 =	vld [tilespmem:s4+$0xFFFFFFB0];
	v10 =	vmul.f32 v9, v7;
	v7 =	vsel vm0, v19, v18  }
0x3dc: {  	v9 =	vld [tilespmem:s4+$0xFFFFFFC0];
	v8 =	vmul.f32 v17, v11  }
.Ltmp20:
0x3dd: {  	v11 =	vld [tilespmem:s4+$0xFFFFFFD0];
	v15 =	vmul.f32 v7, v15;
	(pc) =	sbr.rel @p1 .LBB2_39-.Ltmp20, $4  }
0x3de: {  	v7 =	vld [tilespmem:s4+$0xFFFFFFE0]  }
0x3df: {  	v13 =	vld [tilespmem:s4+$0xFFFFFFF0]  }
0x3e0: {  	[tilespmem:v2+s31+$0x0] =	vst.idx.add.f32.msk $0xffff, v1;
	v1 =	vmov v15  }
0x3e1: {  	s7 =	sadd.s32 $0x80, s7;
	[tilespmem:v16+s31+$0x0] =	vst.idx.add.f32.msk $0xffff, v14  }
0x3e2: {  	_ =	sdelay $0x3  }
0x3e3: {  	[tilespmem:v5+s31+$0x0] =	vst.idx.add.f32.msk $0xffff, v3  }
.Ltmp21:
0x3e4: {  	[tilespmem:v6+s31+$0x0] =	vst.idx.add.f32.msk $0xffff, v4;
	(pc) =	sbr.rel @p0 .LBB2_42-.Ltmp21, $4  }
0x3e5: {  	[tilespmem:v9+s31+$0x0] =	vst.idx.add.f32.msk $0xffff, v12  }
0x3e6: {  	[tilespmem:v11+s31+$0x0] =	vst.idx.add.f32.msk $0xffff, v10  }
0x3e7: {  	[tilespmem:v7+s31+$0x0] =	vst.idx.add.f32.msk $0xffff, v8  }
0x3e8: {  	[tilespmem:v13+s31+$0x0] =	vst.idx.add.f32.msk $0xffff, v1  }
0x3e9: {  	s3 =	sadd.s32 s3, s30  }
0x3ea: {  	s3 =	sshrl.u32 s3, $0x3  }
0x3eb: {  	s4 =	sadd.s32 s16, s3  }
0x3ec: {  	[tilespmem:s25], [sflag:$0x2] =	stream.linear.gather [hbm4b:s4+s1], $0x1000, $0x38;
	[tilespmem:$0x1E000] =	vst v63  }
.Ltmp22:
0x3ed: {  	_ = 	snop;
	(pc) =	sbr.rel .LBB2_36-.Ltmp22, $4  }
0x3ee: {  	s7 =	sadd.s32 s18, s3  }
0x3ef: {  	[tilespmem:s26], [sflag:$0x2] =	stream.linear.gather [hbm4b:s7+s1], $0x1000, $0x38;
	[tilespmem:$0x1E000] =	vst v63  }
0x3f0: {  	s2 =	sadd.s32 $0x1, s2;
	s3 =	sadd.s32 s19, s3  }
0x3f1: {  	[tilespmem:s22], [sflag:$0x2] =	stream.linear.gather [hbm4b:s3+s1], $0x1000, $0x38;
	[tilespmem:$0x1E000] =	vst v63  }
.LBB2_43:
0x3f2: {  	_ =	sfence.sel $0x180000  }
0x3f3: {  	[bflag:$0x0] =	sbarrier.arrive $0xFFFF  }
0x3f4: {  	_ =	strace $0x90000047  }
0x3f5: {  	s0 =	stileid.u32;
	[bflag:$0x2] =	sbarrier.arrive $0xFFFF  }
0x3f6: {  	p0 =	sne.s32 s0, $0x0;
	s0 =	rddreg [dreg:$0x5]  }
0x3f7: {  	s0 =	sadd.s32 @!p0 $0x100000, s0  }
0x3f8: {  	[sflag:s0] =	ssyncadd.tile.s32 @!p0 $0x1;
	_ =	shalt  }
.Lfunc_end2:
_tile_overlayer_lowered:
.L_overlay_start_2:
0x3f9: {  	(tag) =	ssettag $0x2  }
0x3fa: {  	s0 =	rddreg [dreg:$0x0];
	s2 =	stileid.u32  }
0x3fb: {  	s1 =	rddreg [dreg:$0x1];
	p0 =	sne.s32 s2, $0x0  }
0x3fc: {  	s3 =	rddreg [dreg:$0x2];
	[bflag:$0x3] =	sbarrier.arrive $0xFFFF;
	s2 =	simm.s32 @!p0 $0x1C05  }
0x3fd: {  	[timem:s3], [sflag:s2] =	dma.local @!p0 [hbm:s0], s1  }
0x3fe: {  	s0 =	simm.s32 @!p0 $0x5  }
0x3ff: {  	_ =	swait.ge @!p0 [sflag:s0], s1  }
0x400: {  	s1 =	ssub.s32 @!p0 $0x0, s1;
	[sflag:s0] =	ssyncset.done @!p0 $0x0  }
0x401: {  	[sflag:s0] =	ssyncadd.s32 @!p0 s1  }
0x402: {  	[bflag:$0x3] =	sbarrier.arrive $0xFFFF  }
0x403: {  	_ =	shalt  }

</sc_bundles>
